<compile_context>
chip_gen: v7x
topology: tpu7x:2x2x1
jax: 0.10.2.dev20260603
libtpu: 0.0.44.dev20260713+nightly
codegen_flags: <defaults>
</compile_context>

<pallas_src>
import functools

import jax
import jax.numpy as jnp
from jax import lax
from jax.experimental import pallas as pl
from jax.experimental.pallas import tpu as pltpu
from jax.experimental.pallas import tpu_sc as plsc

N_NODES = 50000
HIDDEN = 64
SKEL = 256
FEAT = 16

NPAD = 51200
PROWS = NPAD * FEAT // 128
N_EDGES = 800000
SLEN = 384
NSTR = 1
EPAD = 811008
ECHUNKS = EPAD // (SLEN * NSTR)
TILE_OUT = NPAD // 16


def _sc_segsum(table_ref, src_ref, dst_ref, zeros_ref, out_ref,
               ebs, ebd, rowsv, acc, lsem, gsem, ssem,
               *, feat, split_edges):
    c = lax.axis_index("c")
    s = lax.axis_index("s")
    zbase = s * TILE_OUT

    if split_edges:
        n = (ECHUNKS // 2) // 16
        chunk_base = c * (ECHUNKS // 2) + s * n
    else:
        n = ECHUNKS // 16
        chunk_base = s * n

    for p in range(1):
        q = c
        table = table_ref if table_ref.ndim == 2 else table_ref.at[q]

        pltpu.sync_copy(zeros_ref.at[pl.ds(zbase, TILE_OUT)],
                        acc.at[pl.ds(zbase, TILE_OUT)])
        plsc.subcore_barrier()

        def idx_ds(i):
            rb = (chunk_base + i) * NSTR
            return [pltpu.make_async_copy(
                        src_ref.at[pl.ds(rb, NSTR)], ebs.at[i % 2], lsem),
                    pltpu.make_async_copy(
                        dst_ref.at[pl.ds(rb, NSTR)], ebd.at[i % 2], lsem)]

        def gather_ds(i):
            b = i % 2
            return [pltpu.make_async_copy(
                        table.at[ebs.at[b, j]], rowsv.at[b, j], gsem)
                    for j in range(NSTR)]

        def scatter_ds(i):
            b = i % 2
            return [pltpu.make_async_copy(
                        rowsv.at[b, j], acc.at[ebd.at[b, j]], ssem)
                    for j in range(NSTR)]

        def fire_scatters(i):
            b = i % 2
            for j in range(NSTR):
                pltpu.async_copy(rowsv.at[b, j], acc.at[ebd.at[b, j]],
                                 ssem, add=True)

        def sub(i, carry):
            for d in gather_ds(i):
                d.wait()
            for d in scatter_ds(i - 1):
                d.wait()
            for d in idx_ds(i + 1):
                d.start()
            fire_scatters(i)
            for d in idx_ds(i + 1):
                d.wait()
            for d in gather_ds(i + 1):
                d.start()
            return carry

        for d in idx_ds(0):
            d.start()
        for d in idx_ds(0):
            d.wait()
        for d in gather_ds(0):
            d.start()
        for d in idx_ds(1):
            d.start()
        for d in gather_ds(0):
            d.wait()
        fire_scatters(0)
        for d in idx_ds(1):
            d.wait()
        for d in gather_ds(1):
            d.start()
        lax.fori_loop(1, n - 1, sub, 0)
        for d in gather_ds(n - 1):
            d.wait()
        for d in scatter_ds(n - 2):
            d.wait()
        fire_scatters(n - 1)
        for d in scatter_ds(n - 1):
            d.wait()

        plsc.subcore_barrier()
        pltpu.sync_copy(acc.at[pl.ds(zbase, TILE_OUT)],
                        out_ref.at[q].at[pl.ds(zbase, TILE_OUT)])


def _make_sc_segsum(feat, split_edges):
    mesh = plsc.VectorSubcoreMesh(core_axis_name="c", subcore_axis_name="s")
    body = functools.partial(_sc_segsum, feat=feat, split_edges=split_edges)
    return pl.kernel(
        body,
        out_type=jax.ShapeDtypeStruct((2, NPAD, feat), jnp.float32),
        mesh=mesh,
        scratch_types=[
            pltpu.VMEM((2, NSTR, SLEN), jnp.int32),
            pltpu.VMEM((2, NSTR, SLEN), jnp.int32),
            pltpu.VMEM((2, NSTR, SLEN, feat), jnp.float32),
            pltpu.VMEM_SHARED((NPAD, feat), jnp.float32),
            pltpu.SemaphoreType.DMA,
            pltpu.SemaphoreType.DMA,
            pltpu.SemaphoreType.DMA,
        ],
        compiler_params=pltpu.CompilerParams(use_tc_tiling_on_sc=False),
    )


def _tc_layer1(aggp_ref, x_ref, wrel_ref, wroot_ref, b_ref, out_ref):
    a = aggp_ref[0] + aggp_ref[1]
    x = x_ref[...]
    for m in range(8):
        am = a[:, m * FEAT:(m + 1) * FEAT]
        xm = x[:, m * FEAT:(m + 1) * FEAT]
        h = (jnp.dot(am, wrel_ref[...], preferred_element_type=jnp.float32)
             + jnp.dot(xm, wroot_ref[...], preferred_element_type=jnp.float32)
             + b_ref[...])
        h = jnp.maximum(h, 0.0)
        for qq in range(2):
            out_ref[qq, :, m * 32:(m + 1) * 32] = h[:, qq * 32:(qq + 1) * 32]


def _tc_layer2(agg_ref, h_ref, wrel_ref, wroot_ref, b_ref, out_ref):
    rs = []
    for m in range(8):
        am = jnp.concatenate(
            [agg_ref[qq][:, m * 32:(m + 1) * 32] for qq in range(2)],
            axis=1)
        hm = jnp.concatenate(
            [h_ref[qq][:, m * 32:(m + 1) * 32] for qq in range(2)],
            axis=1)
        rs.append(
            jnp.dot(am, wrel_ref[...], preferred_element_type=jnp.float32)
            + jnp.dot(hm, wroot_ref[...], preferred_element_type=jnp.float32)
            + b_ref[...])
    blk = rs[0].shape[0]
    out_ref[...] = jnp.stack(rs, axis=1).reshape(blk * 8, SKEL)


_PBLK = 400
_GRID = PROWS // _PBLK


def kernel(x, edge_index, W1_rel, b1_rel, W1_root, W2_rel, b2_rel, W2_root):
    src = edge_index[0].astype(jnp.int32)
    dst = edge_index[1].astype(jnp.int32)
    npad_e = EPAD - N_EDGES
    srcp = jnp.concatenate([src, jnp.zeros((npad_e,), jnp.int32)])
    trash = N_NODES + (jnp.arange(npad_e, dtype=jnp.int32) % 1024)
    dstp = jnp.concatenate([dst, trash])
    src2 = srcp.reshape(ECHUNKS * NSTR, SLEN)
    dst2 = dstp.reshape(ECHUNKS * NSTR, SLEN)
    zeros32 = jnp.zeros((NPAD, 32), jnp.float32)

    xv = jnp.pad(x, ((0, NPAD - N_NODES), (0, FEAT - 3)))
    xp = xv.reshape(PROWS, 128)
    w1rel = jnp.pad(W1_rel, ((0, FEAT - 3), (0, 0)))
    w1root = jnp.pad(W1_root, ((0, FEAT - 3), (0, 0)))
    zeros = jnp.zeros((NPAD, FEAT), jnp.float32)
    b1 = b1_rel.reshape(1, HIDDEN)
    b2 = b2_rel.reshape(1, SKEL)

    agg1p = _make_sc_segsum(feat=FEAT, split_edges=True)(
        xv, src2, dst2, zeros)

    hq2 = pl.pallas_call(
        _tc_layer1,
        grid=(_GRID,),
        in_specs=[
            pl.BlockSpec((2, _PBLK, 128), lambda i: (0, i, 0)),
            pl.BlockSpec((_PBLK, 128), lambda i: (i, 0)),
            pl.BlockSpec((FEAT, HIDDEN), lambda i: (0, 0)),
            pl.BlockSpec((FEAT, HIDDEN), lambda i: (0, 0)),
            pl.BlockSpec((1, HIDDEN), lambda i: (0, 0)),
        ],
        out_specs=pl.BlockSpec((2, _PBLK, 256), lambda i: (0, i, 0)),
        out_shape=jax.ShapeDtypeStruct((2, PROWS, 256), jnp.float32),
    )(agg1p.reshape(2, PROWS, 128), xp, w1rel, w1root, b1)

    agg2q = _make_sc_segsum(feat=32, split_edges=False)(
        hq2.reshape(2, NPAD, 32), src2, dst2, zeros32)

    out = pl.pallas_call(
        _tc_layer2,
        grid=(_GRID,),
        in_specs=[
            pl.BlockSpec((2, _PBLK, 256), lambda i: (0, i, 0)),
            pl.BlockSpec((2, _PBLK, 256), lambda i: (0, i, 0)),
            pl.BlockSpec((HIDDEN, SKEL), lambda i: (0, 0)),
            pl.BlockSpec((HIDDEN, SKEL), lambda i: (0, 0)),
            pl.BlockSpec((1, SKEL), lambda i: (0, 0)),
        ],
        out_specs=pl.BlockSpec((_PBLK * 8, SKEL), lambda i: (i, 0)),
        out_shape=jax.ShapeDtypeStruct((N_NODES, SKEL), jnp.float32),
    )(agg2q.reshape(2, PROWS, 256), hq2, W2_rel, W2_root, b2)
    return out

# --- scband reference (transcript-rebuilt; emitter-appended) ---
"""Pipeline reference for scband-graph-skeleton-encoder-78864189489160 (READ-ONLY COPY).

The authoritative reference and input builder live on the scoring server;
editing this copy changes nothing except your own understanding.
"""

import jax, jax.numpy as jnp
import numpy as np

N_NODES = 50000
N_EDGES = 800000
HIDDEN = 64
SKELETON_DIM = 256


def setup_inputs(seed: int = 0) -> dict:
    key = jax.random.key(seed)
    k_x, k_e, k1, k2, k3, k4 = jax.random.split(key, 6)
    x = jax.random.normal(k_x, (N_NODES, 3), dtype=jnp.float32)
    edge_index = jax.random.randint(k_e, (2, N_EDGES), 0, N_NODES, dtype=jnp.int64)
    # GraphConv layer 1: lin_rel (with bias) and lin_root (no bias), 3 -> 64
    s1 = 1.0 / np.sqrt(3.0)
    W1_rel = jax.random.uniform(k1, (3, HIDDEN), dtype=jnp.float32, minval=-s1, maxval=s1)
    b1_rel = jnp.zeros((HIDDEN,), dtype=jnp.float32)
    W1_root = jax.random.uniform(k2, (3, HIDDEN), dtype=jnp.float32, minval=-s1, maxval=s1)
    # GraphConv layer 2: 64 -> 256
    s2 = 1.0 / np.sqrt(float(HIDDEN))
    W2_rel = jax.random.uniform(k3, (HIDDEN, SKELETON_DIM), dtype=jnp.float32, minval=-s2, maxval=s2)
    b2_rel = jnp.zeros((SKELETON_DIM,), dtype=jnp.float32)
    W2_root = jax.random.uniform(k4, (HIDDEN, SKELETON_DIM), dtype=jnp.float32, minval=-s2, maxval=s2)
    return {
        "x": x,
        "edge_index": edge_index,
        "W1_rel": W1_rel,
        "b1_rel": b1_rel,
        "W1_root": W1_root,
        "W2_rel": W2_rel,
        "b2_rel": b2_rel,
        "W2_root": W2_root,
    }


def _graph_conv(x, edge_index, W_rel, b_rel, W_root, num_nodes):
    # PyG GraphConv (aggr='add'): out = lin_rel(sum_{j in N(i)} x_j) + lin_root(x_i)
    src = edge_index[0]
    dst = edge_index[1]
    msgs = jnp.take(x, src, axis=0)
    agg = jax.ops.segment_sum(msgs, dst, num_segments=num_nodes)
    return agg @ W_rel + b_rel + x @ W_root


def reference(x, edge_index, W1_rel, b1_rel, W1_root, W2_rel, b2_rel, W2_root):
    h = _graph_conv(x, edge_index, W1_rel, b1_rel, W1_root, N_NODES)
    h = jax.nn.relu(h)
    out = _graph_conv(h, edge_index, W2_rel, b2_rel, W2_root, N_NODES)
    return out

if __name__ == "__main__":
    import jax
    _d = setup_inputs()
    print(jax.jit(kernel)(*tuple(_d.values())))

</pallas_src>

<mosaic_0001>
#map = affine_map<(d0, d1) -> (0, 0)>
#map1 = affine_map<(d0, d1) -> (0, 0, 0)>
module attributes {stable_mosaic.version = 14 : i64} {
  func.func @_sc_segsum(%arg0: i32, %arg1: i32, %arg2: memref<51200x16xf32, #tpu.memory_space<hbm>>, %arg3: memref<2112x384xi32, #tpu.memory_space<hbm>>, %arg4: memref<2112x384xi32, #tpu.memory_space<hbm>>, %arg5: memref<51200x16xf32, #tpu.memory_space<hbm>>, %arg6: memref<2x51200x16xf32, #tpu.memory_space<hbm>>, %arg7: memref<2x1x384xi32, #tpu.memory_space<vmem>>, %arg8: memref<2x1x384xi32, #tpu.memory_space<vmem>>, %arg9: memref<2x1x384x16xf32, #tpu.memory_space<vmem>>, %arg10: memref<51200x16xf32, #tpu.memory_space<vmem_shared>>, %arg11: memref<!tpu.dma_semaphore, #tpu.memory_space<semaphore_mem>>, %arg12: memref<!tpu.dma_semaphore, #tpu.memory_space<semaphore_mem>>, %arg13: memref<!tpu.dma_semaphore, #tpu.memory_space<semaphore_mem>>) attributes {dimension_semantics = [#tpu.dimension_semantics<core_parallel>, #tpu.dimension_semantics<subcore_parallel>], iteration_bounds = array<i64: 2, 16>, scalar_prefetch = 0 : i64, scratch_operands = 7 : i64, tpu.core_type = #tpu.core_type<sc_vector_subcore>, window_params = [{transform_indices = #map}, {transform_indices = #map}, {transform_indices = #map}, {transform_indices = #map}, {transform_indices = #map1}]} {
    %mul3A = arith.constant 3200 : i32
    %mul3A_0 = arith.muli %arg1, %mul3A : i32
    %mul3A_1 = arith.constant 1056 : i32
    %mul3A_2 = arith.muli %arg0, %mul3A_1 : i32
    %mul3A_3 = arith.constant 66 : i32
    %mul3A_4 = arith.muli %arg1, %mul3A_3 : i32
    %add3A = arith.addi %mul3A_2, %mul3A_4 : i32
    "tpu.region"() ({
      %run_scoped3A = tpu.sem_alloc : memref<!tpu.dma_semaphore, #tpu.memory_space<semaphore_mem>>
      %dma_start3A_241 = arith.constant 0 : i32
      %dma_start3A_242 = tpu.memref_slice %arg10[%mul3A_0, %dma_start3A_241] : memref<51200x16xf32, #tpu.memory_space<vmem_shared>> -> memref<3200x16xf32, #tpu.memory_space<vmem_shared>>
      %dma_start3A_243 = arith.constant 0 : i32
      %dma_start3A_244 = tpu.memref_slice %arg5[%mul3A_0, %dma_start3A_243] : memref<51200x16xf32, #tpu.memory_space<hbm>> -> memref<3200x16xf32, #tpu.memory_space<hbm>>
      tpu.enqueue_dma source(%dma_start3A_244 : memref<3200x16xf32, #tpu.memory_space<hbm>>) target(%dma_start3A_242 : memref<3200x16xf32, #tpu.memory_space<vmem_shared>>) target_semaphore(%run_scoped3A : memref<!tpu.dma_semaphore, #tpu.memory_space<semaphore_mem>>)
      %dma_wait3A_245 = arith.constant 0 : i32
      %dma_wait3A_246 = tpu.memref_slice %arg10[%mul3A_0, %dma_wait3A_245] : memref<51200x16xf32, #tpu.memory_space<vmem_shared>> -> memref<3200x16xf32, #tpu.memory_space<vmem_shared>>
      %dma_wait3A_247 = arith.constant 0 : i32
      %dma_wait3A_248 = tpu.memref_slice %arg5[%mul3A_0, %dma_wait3A_247] : memref<51200x16xf32, #tpu.memory_space<hbm>> -> memref<3200x16xf32, #tpu.memory_space<hbm>>
      tpu.wait_dma2 semaphore(%run_scoped3A : memref<!tpu.dma_semaphore, #tpu.memory_space<semaphore_mem>>) src(%dma_wait3A_248 : memref<3200x16xf32, #tpu.memory_space<hbm>>) dst(%dma_wait3A_246 : memref<3200x16xf32, #tpu.memory_space<vmem_shared>>)
      tpu.yield
    }) : () -> ()
    %barrier3A = arith.constant 0 : index
    tpu.barrier barrier_id(%barrier3A)
    %add3A_5 = arith.constant 0 : i32
    %add3A_6 = arith.addi %add3A, %add3A_5 : i32
    %mul3A_7 = arith.constant 1 : i32
    %mul3A_8 = arith.muli %add3A_6, %mul3A_7 : i32
    %dma_start3A = arith.constant 0 : i32
    %dma_start3A_9 = arith.constant 0 : i32
    %dma_start3A_10 = arith.constant 0 : i32
    %dma_start3A_11 = tpu.memref_slice %arg7[%dma_start3A, %dma_start3A_9, %dma_start3A_10] : memref<2x1x384xi32, #tpu.memory_space<vmem>> -> memref<1x1x384xi32, #tpu.memory_space<vmem>>
    %dma_start3A_12 = tpu.memref_squeeze %dma_start3A_11 : memref<1x1x384xi32, #tpu.memory_space<vmem>> -> memref<1x384xi32, #tpu.memory_space<vmem>>
    %dma_start3A_13 = arith.constant 0 : i32
    %dma_start3A_14 = tpu.memref_slice %arg3[%mul3A_8, %dma_start3A_13] : memref<2112x384xi32, #tpu.memory_space<hbm>> -> memref<1x384xi32, #tpu.memory_space<hbm>>
    %dma_start3A_15 = arith.constant 0 : i32
    %dma_start3A_16 = arith.constant 0 : i32
    %dma_start3A_17 = tpu.memref_slice %arg7[%dma_start3A, %dma_start3A_15, %dma_start3A_16] : memref<2x1x384xi32, #tpu.memory_space<vmem>> -> memref<1x1x384xi32, #tpu.memory_space<vmem>>
    %dma_start3A_18 = tpu.memref_squeeze %dma_start3A_17 : memref<1x1x384xi32, #tpu.memory_space<vmem>> -> memref<1x384xi32, #tpu.memory_space<vmem>>
    %dma_start3A_19 = arith.constant 0 : i32
    %dma_start3A_20 = tpu.memref_slice %arg3[%mul3A_8, %dma_start3A_19] : memref<2112x384xi32, #tpu.memory_space<hbm>> -> memref<1x384xi32, #tpu.memory_space<hbm>>
    tpu.enqueue_dma source(%dma_start3A_20 : memref<1x384xi32, #tpu.memory_space<hbm>>) target(%dma_start3A_18 : memref<1x384xi32, #tpu.memory_space<vmem>>) target_semaphore(%arg11 : memref<!tpu.dma_semaphore, #tpu.memory_space<semaphore_mem>>)
    %dma_start3A_21 = arith.constant 0 : i32
    %dma_start3A_22 = arith.constant 0 : i32
    %dma_start3A_23 = arith.constant 0 : i32
    %dma_start3A_24 = tpu.memref_slice %arg8[%dma_start3A_21, %dma_start3A_22, %dma_start3A_23] : memref<2x1x384xi32, #tpu.memory_space<vmem>> -> memref<1x1x384xi32, #tpu.memory_space<vmem>>
    %dma_start3A_25 = tpu.memref_squeeze %dma_start3A_24 : memref<1x1x384xi32, #tpu.memory_space<vmem>> -> memref<1x384xi32, #tpu.memory_space<vmem>>
    %dma_start3A_26 = arith.constant 0 : i32
    %dma_start3A_27 = tpu.memref_slice %arg4[%mul3A_8, %dma_start3A_26] : memref<2112x384xi32, #tpu.memory_space<hbm>> -> memref<1x384xi32, #tpu.memory_space<hbm>>
    %dma_start3A_28 = arith.constant 0 : i32
    %dma_start3A_29 = arith.constant 0 : i32
    %dma_start3A_30 = tpu.memref_slice %arg8[%dma_start3A_21, %dma_start3A_28, %dma_start3A_29] : memref<2x1x384xi32, #tpu.memory_space<vmem>> -> memref<1x1x384xi32, #tpu.memory_space<vmem>>
    %dma_start3A_31 = tpu.memref_squeeze %dma_start3A_30 : memref<1x1x384xi32, #tpu.memory_space<vmem>> -> memref<1x384xi32, #tpu.memory_space<vmem>>
    %dma_start3A_32 = arith.constant 0 : i32
    %dma_start3A_33 = tpu.memref_slice %arg4[%mul3A_8, %dma_start3A_32] : memref<2112x384xi32, #tpu.memory_space<hbm>> -> memref<1x384xi32, #tpu.memory_space<hbm>>
    tpu.enqueue_dma source(%dma_start3A_33 : memref<1x384xi32, #tpu.memory_space<hbm>>) target(%dma_start3A_31 : memref<1x384xi32, #tpu.memory_space<vmem>>) target_semaphore(%arg11 : memref<!tpu.dma_semaphore, #tpu.memory_space<semaphore_mem>>)
    %add3A_34 = arith.constant 0 : i32
    %add3A_35 = arith.addi %add3A, %add3A_34 : i32
    %mul3A_36 = arith.constant 1 : i32
    %mul3A_37 = arith.muli %add3A_35, %mul3A_36 : i32
    %dma_wait3A = arith.constant 0 : i32
    %dma_wait3A_38 = arith.constant 0 : i32
    %dma_wait3A_39 = arith.constant 0 : i32
    %dma_wait3A_40 = tpu.memref_slice %arg7[%dma_wait3A, %dma_wait3A_38, %dma_wait3A_39] : memref<2x1x384xi32, #tpu.memory_space<vmem>> -> memref<1x1x384xi32, #tpu.memory_space<vmem>>
    %dma_wait3A_41 = tpu.memref_squeeze %dma_wait3A_40 : memref<1x1x384xi32, #tpu.memory_space<vmem>> -> memref<1x384xi32, #tpu.memory_space<vmem>>
    %dma_wait3A_42 = arith.constant 0 : i32
    %dma_wait3A_43 = tpu.memref_slice %arg3[%mul3A_37, %dma_wait3A_42] : memref<2112x384xi32, #tpu.memory_space<hbm>> -> memref<1x384xi32, #tpu.memory_space<hbm>>
    %dma_wait3A_44 = arith.constant 0 : i32
    %dma_wait3A_45 = arith.constant 0 : i32
    %dma_wait3A_46 = tpu.memref_slice %arg7[%dma_wait3A, %dma_wait3A_44, %dma_wait3A_45] : memref<2x1x384xi32, #tpu.memory_space<vmem>> -> memref<1x1x384xi32, #tpu.memory_space<vmem>>
    %dma_wait3A_47 = tpu.memref_squeeze %dma_wait3A_46 : memref<1x1x384xi32, #tpu.memory_space<vmem>> -> memref<1x384xi32, #tpu.memory_space<vmem>>
    %dma_wait3A_48 = arith.constant 0 : i32
    %dma_wait3A_49 = tpu.memref_slice %arg3[%mul3A_37, %dma_wait3A_48] : memref<2112x384xi32, #tpu.memory_space<hbm>> -> memref<1x384xi32, #tpu.memory_space<hbm>>
    tpu.wait_dma2 semaphore(%arg11 : memref<!tpu.dma_semaphore, #tpu.memory_space<semaphore_mem>>) src(%dma_wait3A_49 : memref<1x384xi32, #tpu.memory_space<hbm>>) dst(%dma_wait3A_47 : memref<1x384xi32, #tpu.memory_space<vmem>>)
    %dma_wait3A_50 = arith.constant 0 : i32
    %dma_wait3A_51 = arith.constant 0 : i32
    %dma_wait3A_52 = arith.constant 0 : i32
    %dma_wait3A_53 = tpu.memref_slice %arg8[%dma_wait3A_50, %dma_wait3A_51, %dma_wait3A_52] : memref<2x1x384xi32, #tpu.memory_space<vmem>> -> memref<1x1x384xi32, #tpu.memory_space<vmem>>
    %dma_wait3A_54 = tpu.memref_squeeze %dma_wait3A_53 : memref<1x1x384xi32, #tpu.memory_space<vmem>> -> memref<1x384xi32, #tpu.memory_space<vmem>>
    %dma_wait3A_55 = arith.constant 0 : i32
    %dma_wait3A_56 = tpu.memref_slice %arg4[%mul3A_37, %dma_wait3A_55] : memref<2112x384xi32, #tpu.memory_space<hbm>> -> memref<1x384xi32, #tpu.memory_space<hbm>>
    %dma_wait3A_57 = arith.constant 0 : i32
    %dma_wait3A_58 = arith.constant 0 : i32
    %dma_wait3A_59 = tpu.memref_slice %arg8[%dma_wait3A_50, %dma_wait3A_57, %dma_wait3A_58] : memref<2x1x384xi32, #tpu.memory_space<vmem>> -> memref<1x1x384xi32, #tpu.memory_space<vmem>>
    %dma_wait3A_60 = tpu.memref_squeeze %dma_wait3A_59 : memref<1x1x384xi32, #tpu.memory_space<vmem>> -> memref<1x384xi32, #tpu.memory_space<vmem>>
    %dma_wait3A_61 = arith.constant 0 : i32
    %dma_wait3A_62 = tpu.memref_slice %arg4[%mul3A_37, %dma_wait3A_61] : memref<2112x384xi32, #tpu.memory_space<hbm>> -> memref<1x384xi32, #tpu.memory_space<hbm>>
    tpu.wait_dma2 semaphore(%arg11 : memref<!tpu.dma_semaphore, #tpu.memory_space<semaphore_mem>>) src(%dma_wait3A_62 : memref<1x384xi32, #tpu.memory_space<hbm>>) dst(%dma_wait3A_60 : memref<1x384xi32, #tpu.memory_space<vmem>>)
    %dma_start3A_63 = arith.constant 0 : i32
    %dma_start3A_64 = arith.constant 0 : i32
    %dma_start3A_65 = arith.constant 0 : i32
    %dma_start3A_66 = arith.constant 0 : i32
    %dma_start3A_67 = arith.constant 0 : i32
    %dma_start3A_68 = arith.constant 0 : i32
    %dma_start3A_69 = tpu.memref_slice %arg9[%dma_start3A_65, %dma_start3A_66, %dma_start3A_67, %dma_start3A_68] : memref<2x1x384x16xf32, #tpu.memory_space<vmem>> -> memref<1x1x384x16xf32, #tpu.memory_space<vmem>>
    %dma_start3A_70 = tpu.memref_squeeze %dma_start3A_69 : memref<1x1x384x16xf32, #tpu.memory_space<vmem>> -> memref<384x16xf32, #tpu.memory_space<vmem>>
    %dma_start3A_71 = arith.constant 0 : i32
    %dma_start3A_72 = tpu.memref_slice %arg7[%dma_start3A_63, %dma_start3A_64, %dma_start3A_71] : memref<2x1x384xi32, #tpu.memory_space<vmem>> -> memref<1x1x384xi32, #tpu.memory_space<vmem>>
    %dma_start3A_73 = tpu.memref_squeeze %dma_start3A_72 : memref<1x1x384xi32, #tpu.memory_space<vmem>> -> memref<384xi32, #tpu.memory_space<vmem>>
    %dma_start3A_74 = arith.constant 0 : i32
    %dma_start3A_75 = arith.constant 0 : i32
    %dma_start3A_76 = tpu.memref_slice %arg2[%dma_start3A_74, %dma_start3A_75] : memref<51200x16xf32, #tpu.memory_space<hbm>> -> memref<51200x16xf32, #tpu.memory_space<hbm>>
    tpu.enqueue_indirect_dma source(%dma_start3A_76 : memref<51200x16xf32, #tpu.memory_space<hbm>>) target(%dma_start3A_70 : memref<384x16xf32, #tpu.memory_space<vmem>>) offsets(%dma_start3A_73 : memref<384xi32, #tpu.memory_space<vmem>>) semaphore(%arg12 : memref<!tpu.dma_semaphore, #tpu.memory_space<semaphore_mem>>)
    %add3A_77 = arith.constant 1 : i32
    %add3A_78 = arith.addi %add3A, %add3A_77 : i32
    %mul3A_79 = arith.constant 1 : i32
    %mul3A_80 = arith.muli %add3A_78, %mul3A_79 : i32
    %dma_start3A_81 = arith.constant 1 : i32
    %dma_start3A_82 = arith.constant 0 : i32
    %dma_start3A_83 = arith.constant 0 : i32
    %dma_start3A_84 = tpu.memref_slice %arg7[%dma_start3A_81, %dma_start3A_82, %dma_start3A_83] : memref<2x1x384xi32, #tpu.memory_space<vmem>> -> memref<1x1x384xi32, #tpu.memory_space<vmem>>
    %dma_start3A_85 = tpu.memref_squeeze %dma_start3A_84 : memref<1x1x384xi32, #tpu.memory_space<vmem>> -> memref<1x384xi32, #tpu.memory_space<vmem>>
    %dma_start3A_86 = arith.constant 0 : i32
    %dma_start3A_87 = tpu.memref_slice %arg3[%mul3A_80, %dma_start3A_86] : memref<2112x384xi32, #tpu.memory_space<hbm>> -> memref<1x384xi32, #tpu.memory_space<hbm>>
    %dma_start3A_88 = arith.constant 0 : i32
    %dma_start3A_89 = arith.constant 0 : i32
    %dma_start3A_90 = tpu.memref_slice %arg7[%dma_start3A_81, %dma_start3A_88, %dma_start3A_89] : memref<2x1x384xi32, #tpu.memory_space<vmem>> -> memref<1x1x384xi32, #tpu.memory_space<vmem>>
    %dma_start3A_91 = tpu.memref_squeeze %dma_start3A_90 : memref<1x1x384xi32, #tpu.memory_space<vmem>> -> memref<1x384xi32, #tpu.memory_space<vmem>>
    %dma_start3A_92 = arith.constant 0 : i32
    %dma_start3A_93 = tpu.memref_slice %arg3[%mul3A_80, %dma_start3A_92] : memref<2112x384xi32, #tpu.memory_space<hbm>> -> memref<1x384xi32, #tpu.memory_space<hbm>>
    tpu.enqueue_dma source(%dma_start3A_93 : memref<1x384xi32, #tpu.memory_space<hbm>>) target(%dma_start3A_91 : memref<1x384xi32, #tpu.memory_space<vmem>>) target_semaphore(%arg11 : memref<!tpu.dma_semaphore, #tpu.memory_space<semaphore_mem>>)
    %dma_start3A_94 = arith.constant 1 : i32
    %dma_start3A_95 = arith.constant 0 : i32
    %dma_start3A_96 = arith.constant 0 : i32
    %dma_start3A_97 = tpu.memref_slice %arg8[%dma_start3A_94, %dma_start3A_95, %dma_start3A_96] : memref<2x1x384xi32, #tpu.memory_space<vmem>> -> memref<1x1x384xi32, #tpu.memory_space<vmem>>
    %dma_start3A_98 = tpu.memref_squeeze %dma_start3A_97 : memref<1x1x384xi32, #tpu.memory_space<vmem>> -> memref<1x384xi32, #tpu.memory_space<vmem>>
    %dma_start3A_99 = arith.constant 0 : i32
    %dma_start3A_100 = tpu.memref_slice %arg4[%mul3A_80, %dma_start3A_99] : memref<2112x384xi32, #tpu.memory_space<hbm>> -> memref<1x384xi32, #tpu.memory_space<hbm>>
    %dma_start3A_101 = arith.constant 0 : i32
    %dma_start3A_102 = arith.constant 0 : i32
    %dma_start3A_103 = tpu.memref_slice %arg8[%dma_start3A_94, %dma_start3A_101, %dma_start3A_102] : memref<2x1x384xi32, #tpu.memory_space<vmem>> -> memref<1x1x384xi32, #tpu.memory_space<vmem>>
    %dma_start3A_104 = tpu.memref_squeeze %dma_start3A_103 : memref<1x1x384xi32, #tpu.memory_space<vmem>> -> memref<1x384xi32, #tpu.memory_space<vmem>>
    %dma_start3A_105 = arith.constant 0 : i32
    %dma_start3A_106 = tpu.memref_slice %arg4[%mul3A_80, %dma_start3A_105] : memref<2112x384xi32, #tpu.memory_space<hbm>> -> memref<1x384xi32, #tpu.memory_space<hbm>>
    tpu.enqueue_dma source(%dma_start3A_106 : memref<1x384xi32, #tpu.memory_space<hbm>>) target(%dma_start3A_104 : memref<1x384xi32, #tpu.memory_space<vmem>>) target_semaphore(%arg11 : memref<!tpu.dma_semaphore, #tpu.memory_space<semaphore_mem>>)
    %dma_wait3A_107 = arith.constant 0 : i32
    %dma_wait3A_108 = arith.constant 0 : i32
    %dma_wait3A_109 = arith.constant 0 : i32
    %dma_wait3A_110 = arith.constant 0 : i32
    %dma_wait3A_111 = arith.constant 0 : i32
    %dma_wait3A_112 = arith.constant 0 : i32
    %dma_wait3A_113 = tpu.memref_slice %arg9[%dma_wait3A_109, %dma_wait3A_110, %dma_wait3A_111, %dma_wait3A_112] : memref<2x1x384x16xf32, #tpu.memory_space<vmem>> -> memref<1x1x384x16xf32, #tpu.memory_space<vmem>>
    %dma_wait3A_114 = tpu.memref_squeeze %dma_wait3A_113 : memref<1x1x384x16xf32, #tpu.memory_space<vmem>> -> memref<384x16xf32, #tpu.memory_space<vmem>>
    %dma_wait3A_115 = arith.constant 0 : i32
    %dma_wait3A_116 = tpu.memref_slice %arg7[%dma_wait3A_107, %dma_wait3A_108, %dma_wait3A_115] : memref<2x1x384xi32, #tpu.memory_space<vmem>> -> memref<1x1x384xi32, #tpu.memory_space<vmem>>
    %dma_wait3A_117 = tpu.memref_squeeze %dma_wait3A_116 : memref<1x1x384xi32, #tpu.memory_space<vmem>> -> memref<384xi32, #tpu.memory_space<vmem>>
    %dma_wait3A_118 = arith.constant 0 : i32
    %dma_wait3A_119 = arith.constant 0 : i32
    %dma_wait3A_120 = tpu.memref_slice %arg2[%dma_wait3A_118, %dma_wait3A_119] : memref<51200x16xf32, #tpu.memory_space<hbm>> -> memref<51200x16xf32, #tpu.memory_space<hbm>>
    tpu.wait_indirect_dma semaphore(%arg12 : memref<!tpu.dma_semaphore, #tpu.memory_space<semaphore_mem>>) src(%dma_wait3A_120 : memref<51200x16xf32, #tpu.memory_space<hbm>>) dst(%dma_wait3A_114 : memref<384x16xf32, #tpu.memory_space<vmem>>)
    %dma_start3A_121 = arith.constant 0 : i32
    %dma_start3A_122 = arith.constant 0 : i32
    %dma_start3A_123 = arith.constant 0 : i32
    %dma_start3A_124 = arith.constant 0 : i32
    %dma_start3A_125 = arith.constant 0 : i32
    %dma_start3A_126 = arith.constant 0 : i32
    %dma_start3A_127 = tpu.memref_slice %arg9[%dma_start3A_121, %dma_start3A_122, %dma_start3A_125, %dma_start3A_126] : memref<2x1x384x16xf32, #tpu.memory_space<vmem>> -> memref<1x1x384x16xf32, #tpu.memory_space<vmem>>
    %dma_start3A_128 = tpu.memref_squeeze %dma_start3A_127 : memref<1x1x384x16xf32, #tpu.memory_space<vmem>> -> memref<384x16xf32, #tpu.memory_space<vmem>>
    %dma_start3A_129 = arith.constant 0 : i32
    %dma_start3A_130 = tpu.memref_slice %arg8[%dma_start3A_123, %dma_start3A_124, %dma_start3A_129] : memref<2x1x384xi32, #tpu.memory_space<vmem>> -> memref<1x1x384xi32, #tpu.memory_space<vmem>>
    %dma_start3A_131 = tpu.memref_squeeze %dma_start3A_130 : memref<1x1x384xi32, #tpu.memory_space<vmem>> -> memref<384xi32, #tpu.memory_space<vmem>>
    %dma_start3A_132 = arith.constant 0 : i32
    %dma_start3A_133 = arith.constant 0 : i32
    %dma_start3A_134 = tpu.memref_slice %arg10[%dma_start3A_132, %dma_start3A_133] : memref<51200x16xf32, #tpu.memory_space<vmem_shared>> -> memref<51200x16xf32, #tpu.memory_space<vmem_shared>>
    tpu.enqueue_indirect_dma source(%dma_start3A_128 : memref<384x16xf32, #tpu.memory_space<vmem>>) target(%dma_start3A_134 : memref<51200x16xf32, #tpu.memory_space<vmem_shared>>) offsets(%dma_start3A_131 : memref<384xi32, #tpu.memory_space<vmem>>) semaphore(%arg13 : memref<!tpu.dma_semaphore, #tpu.memory_space<semaphore_mem>>) {add = true}
    %add3A_135 = arith.constant 1 : i32
    %add3A_136 = arith.addi %add3A, %add3A_135 : i32
    %mul3A_137 = arith.constant 1 : i32
    %mul3A_138 = arith.muli %add3A_136, %mul3A_137 : i32
    %dma_wait3A_139 = arith.constant 1 : i32
    %dma_wait3A_140 = arith.constant 0 : i32
    %dma_wait3A_141 = arith.constant 0 : i32
    %dma_wait3A_142 = tpu.memref_slice %arg7[%dma_wait3A_139, %dma_wait3A_140, %dma_wait3A_141] : memref<2x1x384xi32, #tpu.memory_space<vmem>> -> memref<1x1x384xi32, #tpu.memory_space<vmem>>
    %dma_wait3A_143 = tpu.memref_squeeze %dma_wait3A_142 : memref<1x1x384xi32, #tpu.memory_space<vmem>> -> memref<1x384xi32, #tpu.memory_space<vmem>>
    %dma_wait3A_144 = arith.constant 0 : i32
    %dma_wait3A_145 = tpu.memref_slice %arg3[%mul3A_138, %dma_wait3A_144] : memref<2112x384xi32, #tpu.memory_space<hbm>> -> memref<1x384xi32, #tpu.memory_space<hbm>>
    %dma_wait3A_146 = arith.constant 0 : i32
    %dma_wait3A_147 = arith.constant 0 : i32
    %dma_wait3A_148 = tpu.memref_slice %arg7[%dma_wait3A_139, %dma_wait3A_146, %dma_wait3A_147] : memref<2x1x384xi32, #tpu.memory_space<vmem>> -> memref<1x1x384xi32, #tpu.memory_space<vmem>>
    %dma_wait3A_149 = tpu.memref_squeeze %dma_wait3A_148 : memref<1x1x384xi32, #tpu.memory_space<vmem>> -> memref<1x384xi32, #tpu.memory_space<vmem>>
    %dma_wait3A_150 = arith.constant 0 : i32
    %dma_wait3A_151 = tpu.memref_slice %arg3[%mul3A_138, %dma_wait3A_150] : memref<2112x384xi32, #tpu.memory_space<hbm>> -> memref<1x384xi32, #tpu.memory_space<hbm>>
    tpu.wait_dma2 semaphore(%arg11 : memref<!tpu.dma_semaphore, #tpu.memory_space<semaphore_mem>>) src(%dma_wait3A_151 : memref<1x384xi32, #tpu.memory_space<hbm>>) dst(%dma_wait3A_149 : memref<1x384xi32, #tpu.memory_space<vmem>>)
    %dma_wait3A_152 = arith.constant 1 : i32
    %dma_wait3A_153 = arith.constant 0 : i32
    %dma_wait3A_154 = arith.constant 0 : i32
    %dma_wait3A_155 = tpu.memref_slice %arg8[%dma_wait3A_152, %dma_wait3A_153, %dma_wait3A_154] : memref<2x1x384xi32, #tpu.memory_space<vmem>> -> memref<1x1x384xi32, #tpu.memory_space<vmem>>
    %dma_wait3A_156 = tpu.memref_squeeze %dma_wait3A_155 : memref<1x1x384xi32, #tpu.memory_space<vmem>> -> memref<1x384xi32, #tpu.memory_space<vmem>>
    %dma_wait3A_157 = arith.constant 0 : i32
    %dma_wait3A_158 = tpu.memref_slice %arg4[%mul3A_138, %dma_wait3A_157] : memref<2112x384xi32, #tpu.memory_space<hbm>> -> memref<1x384xi32, #tpu.memory_space<hbm>>
    %dma_wait3A_159 = arith.constant 0 : i32
    %dma_wait3A_160 = arith.constant 0 : i32
    %dma_wait3A_161 = tpu.memref_slice %arg8[%dma_wait3A_152, %dma_wait3A_159, %dma_wait3A_160] : memref<2x1x384xi32, #tpu.memory_space<vmem>> -> memref<1x1x384xi32, #tpu.memory_space<vmem>>
    %dma_wait3A_162 = tpu.memref_squeeze %dma_wait3A_161 : memref<1x1x384xi32, #tpu.memory_space<vmem>> -> memref<1x384xi32, #tpu.memory_space<vmem>>
    %dma_wait3A_163 = arith.constant 0 : i32
    %dma_wait3A_164 = tpu.memref_slice %arg4[%mul3A_138, %dma_wait3A_163] : memref<2112x384xi32, #tpu.memory_space<hbm>> -> memref<1x384xi32, #tpu.memory_space<hbm>>
    tpu.wait_dma2 semaphore(%arg11 : memref<!tpu.dma_semaphore, #tpu.memory_space<semaphore_mem>>) src(%dma_wait3A_164 : memref<1x384xi32, #tpu.memory_space<hbm>>) dst(%dma_wait3A_162 : memref<1x384xi32, #tpu.memory_space<vmem>>)
    %dma_start3A_165 = arith.constant 1 : i32
    %dma_start3A_166 = arith.constant 0 : i32
    %dma_start3A_167 = arith.constant 1 : i32
    %dma_start3A_168 = arith.constant 0 : i32
    %dma_start3A_169 = arith.constant 0 : i32
    %dma_start3A_170 = arith.constant 0 : i32
    %dma_start3A_171 = tpu.memref_slice %arg9[%dma_start3A_167, %dma_start3A_168, %dma_start3A_169, %dma_start3A_170] : memref<2x1x384x16xf32, #tpu.memory_space<vmem>> -> memref<1x1x384x16xf32, #tpu.memory_space<vmem>>
    %dma_start3A_172 = tpu.memref_squeeze %dma_start3A_171 : memref<1x1x384x16xf32, #tpu.memory_space<vmem>> -> memref<384x16xf32, #tpu.memory_space<vmem>>
    %dma_start3A_173 = arith.constant 0 : i32
    %dma_start3A_174 = tpu.memref_slice %arg7[%dma_start3A_165, %dma_start3A_166, %dma_start3A_173] : memref<2x1x384xi32, #tpu.memory_space<vmem>> -> memref<1x1x384xi32, #tpu.memory_space<vmem>>
    %dma_start3A_175 = tpu.memref_squeeze %dma_start3A_174 : memref<1x1x384xi32, #tpu.memory_space<vmem>> -> memref<384xi32, #tpu.memory_space<vmem>>
    %dma_start3A_176 = arith.constant 0 : i32
    %dma_start3A_177 = arith.constant 0 : i32
    %dma_start3A_178 = tpu.memref_slice %arg2[%dma_start3A_176, %dma_start3A_177] : memref<51200x16xf32, #tpu.memory_space<hbm>> -> memref<51200x16xf32, #tpu.memory_space<hbm>>
    tpu.enqueue_indirect_dma source(%dma_start3A_178 : memref<51200x16xf32, #tpu.memory_space<hbm>>) target(%dma_start3A_172 : memref<384x16xf32, #tpu.memory_space<vmem>>) offsets(%dma_start3A_175 : memref<384xi32, #tpu.memory_space<vmem>>) semaphore(%arg12 : memref<!tpu.dma_semaphore, #tpu.memory_space<semaphore_mem>>)
    %scan3A = arith.constant 0 : i32
    %scan3A_179 = arith.constant 1 : i32
    %scan3A_180 = arith.constant 64 : i32
    %scan3A_181 = arith.addi %scan3A_179, %scan3A_180 : i32
    %scan3A_182 = arith.constant 1 : i32
    scf.for %scan3A_241 = %scan3A_179 to %scan3A_181 step %scan3A_182  : i32 {
      %jit3A = arith.constant 2 : i32
      %eq3A = arith.constant 0 : i32
      %eq3A_242 = arith.cmpi eq, %jit3A, %eq3A : i32
      %jit3A_243 = arith.constant 1 : i32
      %select_n3A = arith.select %eq3A_242, %jit3A_243, %jit3A : i32
      %rem3A = arith.remsi %scan3A_241, %select_n3A : i32
      %ne3A = arith.constant 0 : i32
      %ne3A_244 = arith.cmpi ne, %rem3A, %ne3A : i32
      %lt3A = arith.constant 0 : i32
      %lt3A_245 = arith.cmpi slt, %rem3A, %lt3A : i32
      %lt3A_246 = arith.constant 0 : i32
      %lt3A_247 = arith.cmpi slt, %select_n3A, %lt3A_246 : i32
      %ne3A_248 = arith.xori %lt3A_245, %lt3A_247 : i1
      %and3A = arith.andi %ne3A_248, %ne3A_244 : i1
      %add3A_249 = arith.addi %rem3A, %select_n3A : i32
      %select_n3A_250 = arith.select %and3A, %add3A_249, %rem3A : i32
      %dma_wait3A_251 = arith.constant 0 : i32
      %dma_wait3A_252 = arith.constant 0 : i32
      %dma_wait3A_253 = arith.constant 0 : i32
      %dma_wait3A_254 = arith.constant 0 : i32
      %dma_wait3A_255 = tpu.memref_slice %arg9[%select_n3A_250, %dma_wait3A_252, %dma_wait3A_253, %dma_wait3A_254] : memref<2x1x384x16xf32, #tpu.memory_space<vmem>> -> memref<1x1x384x16xf32, #tpu.memory_space<vmem>>
      %dma_wait3A_256 = tpu.memref_squeeze %dma_wait3A_255 : memref<1x1x384x16xf32, #tpu.memory_space<vmem>> -> memref<384x16xf32, #tpu.memory_space<vmem>>
      %dma_wait3A_257 = arith.constant 0 : i32
      %dma_wait3A_258 = tpu.memref_slice %arg7[%select_n3A_250, %dma_wait3A_251, %dma_wait3A_257] : memref<2x1x384xi32, #tpu.memory_space<vmem>> -> memref<1x1x384xi32, #tpu.memory_space<vmem>>
      %dma_wait3A_259 = tpu.memref_squeeze %dma_wait3A_258 : memref<1x1x384xi32, #tpu.memory_space<vmem>> -> memref<384xi32, #tpu.memory_space<vmem>>
      %dma_wait3A_260 = arith.constant 0 : i32
      %dma_wait3A_261 = arith.constant 0 : i32
      %dma_wait3A_262 = tpu.memref_slice %arg2[%dma_wait3A_260, %dma_wait3A_261] : memref<51200x16xf32, #tpu.memory_space<hbm>> -> memref<51200x16xf32, #tpu.memory_space<hbm>>
      tpu.wait_indirect_dma semaphore(%arg12 : memref<!tpu.dma_semaphore, #tpu.memory_space<semaphore_mem>>) src(%dma_wait3A_262 : memref<51200x16xf32, #tpu.memory_space<hbm>>) dst(%dma_wait3A_256 : memref<384x16xf32, #tpu.memory_space<vmem>>)
      %sub3A = arith.constant 1 : i32
      %sub3A_263 = arith.subi %scan3A_241, %sub3A : i32
      %jit3A_264 = arith.constant 2 : i32
      %eq3A_265 = arith.constant 0 : i32
      %eq3A_266 = arith.cmpi eq, %jit3A_264, %eq3A_265 : i32
      %jit3A_267 = arith.constant 1 : i32
      %select_n3A_268 = arith.select %eq3A_266, %jit3A_267, %jit3A_264 : i32
      %rem3A_269 = arith.remsi %sub3A_263, %select_n3A_268 : i32
      %ne3A_270 = arith.constant 0 : i32
      %ne3A_271 = arith.cmpi ne, %rem3A_269, %ne3A_270 : i32
      %lt3A_272 = arith.constant 0 : i32
      %lt3A_273 = arith.cmpi slt, %rem3A_269, %lt3A_272 : i32
      %lt3A_274 = arith.constant 0 : i32
      %lt3A_275 = arith.cmpi slt, %select_n3A_268, %lt3A_274 : i32
      %ne3A_276 = arith.xori %lt3A_273, %lt3A_275 : i1
      %and3A_277 = arith.andi %ne3A_276, %ne3A_271 : i1
      %add3A_278 = arith.addi %rem3A_269, %select_n3A_268 : i32
      %select_n3A_279 = arith.select %and3A_277, %add3A_278, %rem3A_269 : i32
      %dma_wait3A_280 = arith.constant 0 : i32
      %dma_wait3A_281 = arith.constant 0 : i32
      %dma_wait3A_282 = arith.constant 0 : i32
      %dma_wait3A_283 = arith.constant 0 : i32
      %dma_wait3A_284 = tpu.memref_slice %arg9[%select_n3A_279, %dma_wait3A_280, %dma_wait3A_282, %dma_wait3A_283] : memref<2x1x384x16xf32, #tpu.memory_space<vmem>> -> memref<1x1x384x16xf32, #tpu.memory_space<vmem>>
      %dma_wait3A_285 = tpu.memref_squeeze %dma_wait3A_284 : memref<1x1x384x16xf32, #tpu.memory_space<vmem>> -> memref<384x16xf32, #tpu.memory_space<vmem>>
      %dma_wait3A_286 = arith.constant 0 : i32
      %dma_wait3A_287 = tpu.memref_slice %arg8[%select_n3A_279, %dma_wait3A_281, %dma_wait3A_286] : memref<2x1x384xi32, #tpu.memory_space<vmem>> -> memref<1x1x384xi32, #tpu.memory_space<vmem>>
      %dma_wait3A_288 = tpu.memref_squeeze %dma_wait3A_287 : memref<1x1x384xi32, #tpu.memory_space<vmem>> -> memref<384xi32, #tpu.memory_space<vmem>>
      %dma_wait3A_289 = arith.constant 0 : i32
      %dma_wait3A_290 = arith.constant 0 : i32
      %dma_wait3A_291 = tpu.memref_slice %arg10[%dma_wait3A_289, %dma_wait3A_290] : memref<51200x16xf32, #tpu.memory_space<vmem_shared>> -> memref<51200x16xf32, #tpu.memory_space<vmem_shared>>
      tpu.wait_indirect_dma semaphore(%arg13 : memref<!tpu.dma_semaphore, #tpu.memory_space<semaphore_mem>>) src(%dma_wait3A_285 : memref<384x16xf32, #tpu.memory_space<vmem>>) dst(%dma_wait3A_291 : memref<51200x16xf32, #tpu.memory_space<vmem_shared>>)
      %add3A_292 = arith.constant 1 : i32
      %add3A_293 = arith.addi %scan3A_241, %add3A_292 : i32
      %add3A_294 = arith.addi %add3A, %add3A_293 : i32
      %mul3A_295 = arith.constant 1 : i32
      %mul3A_296 = arith.muli %add3A_294, %mul3A_295 : i32
      %jit3A_297 = arith.constant 2 : i32
      %eq3A_298 = arith.constant 0 : i32
      %eq3A_299 = arith.cmpi eq, %jit3A_297, %eq3A_298 : i32
      %jit3A_300 = arith.constant 1 : i32
      %select_n3A_301 = arith.select %eq3A_299, %jit3A_300, %jit3A_297 : i32
      %rem3A_302 = arith.remsi %add3A_293, %select_n3A_301 : i32
      %ne3A_303 = arith.constant 0 : i32
      %ne3A_304 = arith.cmpi ne, %rem3A_302, %ne3A_303 : i32
      %lt3A_305 = arith.constant 0 : i32
      %lt3A_306 = arith.cmpi slt, %rem3A_302, %lt3A_305 : i32
      %lt3A_307 = arith.constant 0 : i32
      %lt3A_308 = arith.cmpi slt, %select_n3A_301, %lt3A_307 : i32
      %ne3A_309 = arith.xori %lt3A_306, %lt3A_308 : i1
      %and3A_310 = arith.andi %ne3A_309, %ne3A_304 : i1
      %add3A_311 = arith.addi %rem3A_302, %select_n3A_301 : i32
      %select_n3A_312 = arith.select %and3A_310, %add3A_311, %rem3A_302 : i32
      %jit3A_313 = arith.constant 2 : i32
      %eq3A_314 = arith.constant 0 : i32
      %eq3A_315 = arith.cmpi eq, %jit3A_313, %eq3A_314 : i32
      %jit3A_316 = arith.constant 1 : i32
      %select_n3A_317 = arith.select %eq3A_315, %jit3A_316, %jit3A_313 : i32
      %rem3A_318 = arith.remsi %add3A_293, %select_n3A_317 : i32
      %ne3A_319 = arith.constant 0 : i32
      %ne3A_320 = arith.cmpi ne, %rem3A_318, %ne3A_319 : i32
      %lt3A_321 = arith.constant 0 : i32
      %lt3A_322 = arith.cmpi slt, %rem3A_318, %lt3A_321 : i32
      %lt3A_323 = arith.constant 0 : i32
      %lt3A_324 = arith.cmpi slt, %select_n3A_317, %lt3A_323 : i32
      %ne3A_325 = arith.xori %lt3A_322, %lt3A_324 : i1
      %and3A_326 = arith.andi %ne3A_325, %ne3A_320 : i1
      %add3A_327 = arith.addi %rem3A_318, %select_n3A_317 : i32
      %select_n3A_328 = arith.select %and3A_326, %add3A_327, %rem3A_318 : i32
      %dma_start3A_329 = arith.constant 0 : i32
      %dma_start3A_330 = arith.constant 0 : i32
      %dma_start3A_331 = tpu.memref_slice %arg7[%select_n3A_312, %dma_start3A_329, %dma_start3A_330] : memref<2x1x384xi32, #tpu.memory_space<vmem>> -> memref<1x1x384xi32, #tpu.memory_space<vmem>>
      %dma_start3A_332 = tpu.memref_squeeze %dma_start3A_331 : memref<1x1x384xi32, #tpu.memory_space<vmem>> -> memref<1x384xi32, #tpu.memory_space<vmem>>
      %dma_start3A_333 = arith.constant 0 : i32
      %dma_start3A_334 = tpu.memref_slice %arg3[%mul3A_296, %dma_start3A_333] : memref<2112x384xi32, #tpu.memory_space<hbm>> -> memref<1x384xi32, #tpu.memory_space<hbm>>
      %dma_start3A_335 = arith.constant 0 : i32
      %dma_start3A_336 = arith.constant 0 : i32
      %dma_start3A_337 = tpu.memref_slice %arg7[%select_n3A_312, %dma_start3A_335, %dma_start3A_336] : memref<2x1x384xi32, #tpu.memory_space<vmem>> -> memref<1x1x384xi32, #tpu.memory_space<vmem>>
      %dma_start3A_338 = tpu.memref_squeeze %dma_start3A_337 : memref<1x1x384xi32, #tpu.memory_space<vmem>> -> memref<1x384xi32, #tpu.memory_space<vmem>>
      %dma_start3A_339 = arith.constant 0 : i32
      %dma_start3A_340 = tpu.memref_slice %arg3[%mul3A_296, %dma_start3A_339] : memref<2112x384xi32, #tpu.memory_space<hbm>> -> memref<1x384xi32, #tpu.memory_space<hbm>>
      tpu.enqueue_dma source(%dma_start3A_340 : memref<1x384xi32, #tpu.memory_space<hbm>>) target(%dma_start3A_338 : memref<1x384xi32, #tpu.memory_space<vmem>>) target_semaphore(%arg11 : memref<!tpu.dma_semaphore, #tpu.memory_space<semaphore_mem>>)
      %dma_start3A_341 = arith.constant 0 : i32
      %dma_start3A_342 = arith.constant 0 : i32
      %dma_start3A_343 = tpu.memref_slice %arg8[%select_n3A_328, %dma_start3A_341, %dma_start3A_342] : memref<2x1x384xi32, #tpu.memory_space<vmem>> -> memref<1x1x384xi32, #tpu.memory_space<vmem>>
      %dma_start3A_344 = tpu.memref_squeeze %dma_start3A_343 : memref<1x1x384xi32, #tpu.memory_space<vmem>> -> memref<1x384xi32, #tpu.memory_space<vmem>>
      %dma_start3A_345 = arith.constant 0 : i32
      %dma_start3A_346 = tpu.memref_slice %arg4[%mul3A_296, %dma_start3A_345] : memref<2112x384xi32, #tpu.memory_space<hbm>> -> memref<1x384xi32, #tpu.memory_space<hbm>>
      %dma_start3A_347 = arith.constant 0 : i32
      %dma_start3A_348 = arith.constant 0 : i32
      %dma_start3A_349 = tpu.memref_slice %arg8[%select_n3A_328, %dma_start3A_347, %dma_start3A_348] : memref<2x1x384xi32, #tpu.memory_space<vmem>> -> memref<1x1x384xi32, #tpu.memory_space<vmem>>
      %dma_start3A_350 = tpu.memref_squeeze %dma_start3A_349 : memref<1x1x384xi32, #tpu.memory_space<vmem>> -> memref<1x384xi32, #tpu.memory_space<vmem>>
      %dma_start3A_351 = arith.constant 0 : i32
      %dma_start3A_352 = tpu.memref_slice %arg4[%mul3A_296, %dma_start3A_351] : memref<2112x384xi32, #tpu.memory_space<hbm>> -> memref<1x384xi32, #tpu.memory_space<hbm>>
      tpu.enqueue_dma source(%dma_start3A_352 : memref<1x384xi32, #tpu.memory_space<hbm>>) target(%dma_start3A_350 : memref<1x384xi32, #tpu.memory_space<vmem>>) target_semaphore(%arg11 : memref<!tpu.dma_semaphore, #tpu.memory_space<semaphore_mem>>)
      %jit3A_353 = arith.constant 2 : i32
      %eq3A_354 = arith.constant 0 : i32
      %eq3A_355 = arith.cmpi eq, %jit3A_353, %eq3A_354 : i32
      %jit3A_356 = arith.constant 1 : i32
      %select_n3A_357 = arith.select %eq3A_355, %jit3A_356, %jit3A_353 : i32
      %rem3A_358 = arith.remsi %scan3A_241, %select_n3A_357 : i32
      %ne3A_359 = arith.constant 0 : i32
      %ne3A_360 = arith.cmpi ne, %rem3A_358, %ne3A_359 : i32
      %lt3A_361 = arith.constant 0 : i32
      %lt3A_362 = arith.cmpi slt, %rem3A_358, %lt3A_361 : i32
      %lt3A_363 = arith.constant 0 : i32
      %lt3A_364 = arith.cmpi slt, %select_n3A_357, %lt3A_363 : i32
      %ne3A_365 = arith.xori %lt3A_362, %lt3A_364 : i1
      %and3A_366 = arith.andi %ne3A_365, %ne3A_360 : i1
      %add3A_367 = arith.addi %rem3A_358, %select_n3A_357 : i32
      %select_n3A_368 = arith.select %and3A_366, %add3A_367, %rem3A_358 : i32
      %dma_start3A_369 = arith.constant 0 : i32
      %dma_start3A_370 = arith.constant 0 : i32
      %dma_start3A_371 = arith.constant 0 : i32
      %dma_start3A_372 = arith.constant 0 : i32
      %dma_start3A_373 = tpu.memref_slice %arg9[%select_n3A_368, %dma_start3A_369, %dma_start3A_371, %dma_start3A_372] : memref<2x1x384x16xf32, #tpu.memory_space<vmem>> -> memref<1x1x384x16xf32, #tpu.memory_space<vmem>>
      %dma_start3A_374 = tpu.memref_squeeze %dma_start3A_373 : memref<1x1x384x16xf32, #tpu.memory_space<vmem>> -> memref<384x16xf32, #tpu.memory_space<vmem>>
      %dma_start3A_375 = arith.constant 0 : i32
      %dma_start3A_376 = tpu.memref_slice %arg8[%select_n3A_368, %dma_start3A_370, %dma_start3A_375] : memref<2x1x384xi32, #tpu.memory_space<vmem>> -> memref<1x1x384xi32, #tpu.memory_space<vmem>>
      %dma_start3A_377 = tpu.memref_squeeze %dma_start3A_376 : memref<1x1x384xi32, #tpu.memory_space<vmem>> -> memref<384xi32, #tpu.memory_space<vmem>>
      %dma_start3A_378 = arith.constant 0 : i32
      %dma_start3A_379 = arith.constant 0 : i32
      %dma_start3A_380 = tpu.memref_slice %arg10[%dma_start3A_378, %dma_start3A_379] : memref<51200x16xf32, #tpu.memory_space<vmem_shared>> -> memref<51200x16xf32, #tpu.memory_space<vmem_shared>>
      tpu.enqueue_indirect_dma source(%dma_start3A_374 : memref<384x16xf32, #tpu.memory_space<vmem>>) target(%dma_start3A_380 : memref<51200x16xf32, #tpu.memory_space<vmem_shared>>) offsets(%dma_start3A_377 : memref<384xi32, #tpu.memory_space<vmem>>) semaphore(%arg13 : memref<!tpu.dma_semaphore, #tpu.memory_space<semaphore_mem>>) {add = true}
      %add3A_381 = arith.constant 1 : i32
      %add3A_382 = arith.addi %scan3A_241, %add3A_381 : i32
      %add3A_383 = arith.addi %add3A, %add3A_382 : i32
      %mul3A_384 = arith.constant 1 : i32
      %mul3A_385 = arith.muli %add3A_383, %mul3A_384 : i32
      %jit3A_386 = arith.constant 2 : i32
      %eq3A_387 = arith.constant 0 : i32
      %eq3A_388 = arith.cmpi eq, %jit3A_386, %eq3A_387 : i32
      %jit3A_389 = arith.constant 1 : i32
      %select_n3A_390 = arith.select %eq3A_388, %jit3A_389, %jit3A_386 : i32
      %rem3A_391 = arith.remsi %add3A_382, %select_n3A_390 : i32
      %ne3A_392 = arith.constant 0 : i32
      %ne3A_393 = arith.cmpi ne, %rem3A_391, %ne3A_392 : i32
      %lt3A_394 = arith.constant 0 : i32
      %lt3A_395 = arith.cmpi slt, %rem3A_391, %lt3A_394 : i32
      %lt3A_396 = arith.constant 0 : i32
      %lt3A_397 = arith.cmpi slt, %select_n3A_390, %lt3A_396 : i32
      %ne3A_398 = arith.xori %lt3A_395, %lt3A_397 : i1
      %and3A_399 = arith.andi %ne3A_398, %ne3A_393 : i1
      %add3A_400 = arith.addi %rem3A_391, %select_n3A_390 : i32
      %select_n3A_401 = arith.select %and3A_399, %add3A_400, %rem3A_391 : i32
      %jit3A_402 = arith.constant 2 : i32
      %eq3A_403 = arith.constant 0 : i32
      %eq3A_404 = arith.cmpi eq, %jit3A_402, %eq3A_403 : i32
      %jit3A_405 = arith.constant 1 : i32
      %select_n3A_406 = arith.select %eq3A_404, %jit3A_405, %jit3A_402 : i32
      %rem3A_407 = arith.remsi %add3A_382, %select_n3A_406 : i32
      %ne3A_408 = arith.constant 0 : i32
      %ne3A_409 = arith.cmpi ne, %rem3A_407, %ne3A_408 : i32
      %lt3A_410 = arith.constant 0 : i32
      %lt3A_411 = arith.cmpi slt, %rem3A_407, %lt3A_410 : i32
      %lt3A_412 = arith.constant 0 : i32
      %lt3A_413 = arith.cmpi slt, %select_n3A_406, %lt3A_412 : i32
      %ne3A_414 = arith.xori %lt3A_411, %lt3A_413 : i1
      %and3A_415 = arith.andi %ne3A_414, %ne3A_409 : i1
      %add3A_416 = arith.addi %rem3A_407, %select_n3A_406 : i32
      %select_n3A_417 = arith.select %and3A_415, %add3A_416, %rem3A_407 : i32
      %dma_wait3A_418 = arith.constant 0 : i32
      %dma_wait3A_419 = arith.constant 0 : i32
      %dma_wait3A_420 = tpu.memref_slice %arg7[%select_n3A_401, %dma_wait3A_418, %dma_wait3A_419] : memref<2x1x384xi32, #tpu.memory_space<vmem>> -> memref<1x1x384xi32, #tpu.memory_space<vmem>>
      %dma_wait3A_421 = tpu.memref_squeeze %dma_wait3A_420 : memref<1x1x384xi32, #tpu.memory_space<vmem>> -> memref<1x384xi32, #tpu.memory_space<vmem>>
      %dma_wait3A_422 = arith.constant 0 : i32
      %dma_wait3A_423 = tpu.memref_slice %arg3[%mul3A_385, %dma_wait3A_422] : memref<2112x384xi32, #tpu.memory_space<hbm>> -> memref<1x384xi32, #tpu.memory_space<hbm>>
      %dma_wait3A_424 = arith.constant 0 : i32
      %dma_wait3A_425 = arith.constant 0 : i32
      %dma_wait3A_426 = tpu.memref_slice %arg7[%select_n3A_401, %dma_wait3A_424, %dma_wait3A_425] : memref<2x1x384xi32, #tpu.memory_space<vmem>> -> memref<1x1x384xi32, #tpu.memory_space<vmem>>
      %dma_wait3A_427 = tpu.memref_squeeze %dma_wait3A_426 : memref<1x1x384xi32, #tpu.memory_space<vmem>> -> memref<1x384xi32, #tpu.memory_space<vmem>>
      %dma_wait3A_428 = arith.constant 0 : i32
      %dma_wait3A_429 = tpu.memref_slice %arg3[%mul3A_385, %dma_wait3A_428] : memref<2112x384xi32, #tpu.memory_space<hbm>> -> memref<1x384xi32, #tpu.memory_space<hbm>>
      tpu.wait_dma2 semaphore(%arg11 : memref<!tpu.dma_semaphore, #tpu.memory_space<semaphore_mem>>) src(%dma_wait3A_429 : memref<1x384xi32, #tpu.memory_space<hbm>>) dst(%dma_wait3A_427 : memref<1x384xi32, #tpu.memory_space<vmem>>)
      %dma_wait3A_430 = arith.constant 0 : i32
      %dma_wait3A_431 = arith.constant 0 : i32
      %dma_wait3A_432 = tpu.memref_slice %arg8[%select_n3A_417, %dma_wait3A_430, %dma_wait3A_431] : memref<2x1x384xi32, #tpu.memory_space<vmem>> -> memref<1x1x384xi32, #tpu.memory_space<vmem>>
      %dma_wait3A_433 = tpu.memref_squeeze %dma_wait3A_432 : memref<1x1x384xi32, #tpu.memory_space<vmem>> -> memref<1x384xi32, #tpu.memory_space<vmem>>
      %dma_wait3A_434 = arith.constant 0 : i32
      %dma_wait3A_435 = tpu.memref_slice %arg4[%mul3A_385, %dma_wait3A_434] : memref<2112x384xi32, #tpu.memory_space<hbm>> -> memref<1x384xi32, #tpu.memory_space<hbm>>
      %dma_wait3A_436 = arith.constant 0 : i32
      %dma_wait3A_437 = arith.constant 0 : i32
      %dma_wait3A_438 = tpu.memref_slice %arg8[%select_n3A_417, %dma_wait3A_436, %dma_wait3A_437] : memref<2x1x384xi32, #tpu.memory_space<vmem>> -> memref<1x1x384xi32, #tpu.memory_space<vmem>>
      %dma_wait3A_439 = tpu.memref_squeeze %dma_wait3A_438 : memref<1x1x384xi32, #tpu.memory_space<vmem>> -> memref<1x384xi32, #tpu.memory_space<vmem>>
      %dma_wait3A_440 = arith.constant 0 : i32
      %dma_wait3A_441 = tpu.memref_slice %arg4[%mul3A_385, %dma_wait3A_440] : memref<2112x384xi32, #tpu.memory_space<hbm>> -> memref<1x384xi32, #tpu.memory_space<hbm>>
      tpu.wait_dma2 semaphore(%arg11 : memref<!tpu.dma_semaphore, #tpu.memory_space<semaphore_mem>>) src(%dma_wait3A_441 : memref<1x384xi32, #tpu.memory_space<hbm>>) dst(%dma_wait3A_439 : memref<1x384xi32, #tpu.memory_space<vmem>>)
      %add3A_442 = arith.constant 1 : i32
      %add3A_443 = arith.addi %scan3A_241, %add3A_442 : i32
      %jit3A_444 = arith.constant 2 : i32
      %eq3A_445 = arith.constant 0 : i32
      %eq3A_446 = arith.cmpi eq, %jit3A_444, %eq3A_445 : i32
      %jit3A_447 = arith.constant 1 : i32
      %select_n3A_448 = arith.select %eq3A_446, %jit3A_447, %jit3A_444 : i32
      %rem3A_449 = arith.remsi %add3A_443, %select_n3A_448 : i32
      %ne3A_450 = arith.constant 0 : i32
      %ne3A_451 = arith.cmpi ne, %rem3A_449, %ne3A_450 : i32
      %lt3A_452 = arith.constant 0 : i32
      %lt3A_453 = arith.cmpi slt, %rem3A_449, %lt3A_452 : i32
      %lt3A_454 = arith.constant 0 : i32
      %lt3A_455 = arith.cmpi slt, %select_n3A_448, %lt3A_454 : i32
      %ne3A_456 = arith.xori %lt3A_453, %lt3A_455 : i1
      %and3A_457 = arith.andi %ne3A_456, %ne3A_451 : i1
      %add3A_458 = arith.addi %rem3A_449, %select_n3A_448 : i32
      %select_n3A_459 = arith.select %and3A_457, %add3A_458, %rem3A_449 : i32
      %dma_start3A_460 = arith.constant 0 : i32
      %dma_start3A_461 = arith.constant 0 : i32
      %dma_start3A_462 = arith.constant 0 : i32
      %dma_start3A_463 = arith.constant 0 : i32
      %dma_start3A_464 = tpu.memref_slice %arg9[%select_n3A_459, %dma_start3A_461, %dma_start3A_462, %dma_start3A_463] : memref<2x1x384x16xf32, #tpu.memory_space<vmem>> -> memref<1x1x384x16xf32, #tpu.memory_space<vmem>>
      %dma_start3A_465 = tpu.memref_squeeze %dma_start3A_464 : memref<1x1x384x16xf32, #tpu.memory_space<vmem>> -> memref<384x16xf32, #tpu.memory_space<vmem>>
      %dma_start3A_466 = arith.constant 0 : i32
      %dma_start3A_467 = tpu.memref_slice %arg7[%select_n3A_459, %dma_start3A_460, %dma_start3A_466] : memref<2x1x384xi32, #tpu.memory_space<vmem>> -> memref<1x1x384xi32, #tpu.memory_space<vmem>>
      %dma_start3A_468 = tpu.memref_squeeze %dma_start3A_467 : memref<1x1x384xi32, #tpu.memory_space<vmem>> -> memref<384xi32, #tpu.memory_space<vmem>>
      %dma_start3A_469 = arith.constant 0 : i32
      %dma_start3A_470 = arith.constant 0 : i32
      %dma_start3A_471 = tpu.memref_slice %arg2[%dma_start3A_469, %dma_start3A_470] : memref<51200x16xf32, #tpu.memory_space<hbm>> -> memref<51200x16xf32, #tpu.memory_space<hbm>>
      tpu.enqueue_indirect_dma source(%dma_start3A_471 : memref<51200x16xf32, #tpu.memory_space<hbm>>) target(%dma_start3A_465 : memref<384x16xf32, #tpu.memory_space<vmem>>) offsets(%dma_start3A_468 : memref<384xi32, #tpu.memory_space<vmem>>) semaphore(%arg12 : memref<!tpu.dma_semaphore, #tpu.memory_space<semaphore_mem>>)
    }
    %scan3A_183 = arith.constant 64 : i32
    %dma_wait3A_184 = arith.constant 1 : i32
    %dma_wait3A_185 = arith.constant 0 : i32
    %dma_wait3A_186 = arith.constant 1 : i32
    %dma_wait3A_187 = arith.constant 0 : i32
    %dma_wait3A_188 = arith.constant 0 : i32
    %dma_wait3A_189 = arith.constant 0 : i32
    %dma_wait3A_190 = tpu.memref_slice %arg9[%dma_wait3A_186, %dma_wait3A_187, %dma_wait3A_188, %dma_wait3A_189] : memref<2x1x384x16xf32, #tpu.memory_space<vmem>> -> memref<1x1x384x16xf32, #tpu.memory_space<vmem>>
    %dma_wait3A_191 = tpu.memref_squeeze %dma_wait3A_190 : memref<1x1x384x16xf32, #tpu.memory_space<vmem>> -> memref<384x16xf32, #tpu.memory_space<vmem>>
    %dma_wait3A_192 = arith.constant 0 : i32
    %dma_wait3A_193 = tpu.memref_slice %arg7[%dma_wait3A_184, %dma_wait3A_185, %dma_wait3A_192] : memref<2x1x384xi32, #tpu.memory_space<vmem>> -> memref<1x1x384xi32, #tpu.memory_space<vmem>>
    %dma_wait3A_194 = tpu.memref_squeeze %dma_wait3A_193 : memref<1x1x384xi32, #tpu.memory_space<vmem>> -> memref<384xi32, #tpu.memory_space<vmem>>
    %dma_wait3A_195 = arith.constant 0 : i32
    %dma_wait3A_196 = arith.constant 0 : i32
    %dma_wait3A_197 = tpu.memref_slice %arg2[%dma_wait3A_195, %dma_wait3A_196] : memref<51200x16xf32, #tpu.memory_space<hbm>> -> memref<51200x16xf32, #tpu.memory_space<hbm>>
    tpu.wait_indirect_dma semaphore(%arg12 : memref<!tpu.dma_semaphore, #tpu.memory_space<semaphore_mem>>) src(%dma_wait3A_197 : memref<51200x16xf32, #tpu.memory_space<hbm>>) dst(%dma_wait3A_191 : memref<384x16xf32, #tpu.memory_space<vmem>>)
    %dma_wait3A_198 = arith.constant 0 : i32
    %dma_wait3A_199 = arith.constant 0 : i32
    %dma_wait3A_200 = arith.constant 0 : i32
    %dma_wait3A_201 = arith.constant 0 : i32
    %dma_wait3A_202 = arith.constant 0 : i32
    %dma_wait3A_203 = arith.constant 0 : i32
    %dma_wait3A_204 = tpu.memref_slice %arg9[%dma_wait3A_198, %dma_wait3A_199, %dma_wait3A_202, %dma_wait3A_203] : memref<2x1x384x16xf32, #tpu.memory_space<vmem>> -> memref<1x1x384x16xf32, #tpu.memory_space<vmem>>
    %dma_wait3A_205 = tpu.memref_squeeze %dma_wait3A_204 : memref<1x1x384x16xf32, #tpu.memory_space<vmem>> -> memref<384x16xf32, #tpu.memory_space<vmem>>
    %dma_wait3A_206 = arith.constant 0 : i32
    %dma_wait3A_207 = tpu.memref_slice %arg8[%dma_wait3A_200, %dma_wait3A_201, %dma_wait3A_206] : memref<2x1x384xi32, #tpu.memory_space<vmem>> -> memref<1x1x384xi32, #tpu.memory_space<vmem>>
    %dma_wait3A_208 = tpu.memref_squeeze %dma_wait3A_207 : memref<1x1x384xi32, #tpu.memory_space<vmem>> -> memref<384xi32, #tpu.memory_space<vmem>>
    %dma_wait3A_209 = arith.constant 0 : i32
    %dma_wait3A_210 = arith.constant 0 : i32
    %dma_wait3A_211 = tpu.memref_slice %arg10[%dma_wait3A_209, %dma_wait3A_210] : memref<51200x16xf32, #tpu.memory_space<vmem_shared>> -> memref<51200x16xf32, #tpu.memory_space<vmem_shared>>
    tpu.wait_indirect_dma semaphore(%arg13 : memref<!tpu.dma_semaphore, #tpu.memory_space<semaphore_mem>>) src(%dma_wait3A_205 : memref<384x16xf32, #tpu.memory_space<vmem>>) dst(%dma_wait3A_211 : memref<51200x16xf32, #tpu.memory_space<vmem_shared>>)
    %dma_start3A_212 = arith.constant 1 : i32
    %dma_start3A_213 = arith.constant 0 : i32
    %dma_start3A_214 = arith.constant 1 : i32
    %dma_start3A_215 = arith.constant 0 : i32
    %dma_start3A_216 = arith.constant 0 : i32
    %dma_start3A_217 = arith.constant 0 : i32
    %dma_start3A_218 = tpu.memref_slice %arg9[%dma_start3A_212, %dma_start3A_213, %dma_start3A_216, %dma_start3A_217] : memref<2x1x384x16xf32, #tpu.memory_space<vmem>> -> memref<1x1x384x16xf32, #tpu.memory_space<vmem>>
    %dma_start3A_219 = tpu.memref_squeeze %dma_start3A_218 : memref<1x1x384x16xf32, #tpu.memory_space<vmem>> -> memref<384x16xf32, #tpu.memory_space<vmem>>
    %dma_start3A_220 = arith.constant 0 : i32
    %dma_start3A_221 = tpu.memref_slice %arg8[%dma_start3A_214, %dma_start3A_215, %dma_start3A_220] : memref<2x1x384xi32, #tpu.memory_space<vmem>> -> memref<1x1x384xi32, #tpu.memory_space<vmem>>
    %dma_start3A_222 = tpu.memref_squeeze %dma_start3A_221 : memref<1x1x384xi32, #tpu.memory_space<vmem>> -> memref<384xi32, #tpu.memory_space<vmem>>
    %dma_start3A_223 = arith.constant 0 : i32
    %dma_start3A_224 = arith.constant 0 : i32
    %dma_start3A_225 = tpu.memref_slice %arg10[%dma_start3A_223, %dma_start3A_224] : memref<51200x16xf32, #tpu.memory_space<vmem_shared>> -> memref<51200x16xf32, #tpu.memory_space<vmem_shared>>
    tpu.enqueue_indirect_dma source(%dma_start3A_219 : memref<384x16xf32, #tpu.memory_space<vmem>>) target(%dma_start3A_225 : memref<51200x16xf32, #tpu.memory_space<vmem_shared>>) offsets(%dma_start3A_222 : memref<384xi32, #tpu.memory_space<vmem>>) semaphore(%arg13 : memref<!tpu.dma_semaphore, #tpu.memory_space<semaphore_mem>>) {add = true}
    %dma_wait3A_226 = arith.constant 1 : i32
    %dma_wait3A_227 = arith.constant 0 : i32
    %dma_wait3A_228 = arith.constant 1 : i32
    %dma_wait3A_229 = arith.constant 0 : i32
    %dma_wait3A_230 = arith.constant 0 : i32
    %dma_wait3A_231 = arith.constant 0 : i32
    %dma_wait3A_232 = tpu.memref_slice %arg9[%dma_wait3A_226, %dma_wait3A_227, %dma_wait3A_230, %dma_wait3A_231] : memref<2x1x384x16xf32, #tpu.memory_space<vmem>> -> memref<1x1x384x16xf32, #tpu.memory_space<vmem>>
    %dma_wait3A_233 = tpu.memref_squeeze %dma_wait3A_232 : memref<1x1x384x16xf32, #tpu.memory_space<vmem>> -> memref<384x16xf32, #tpu.memory_space<vmem>>
    %dma_wait3A_234 = arith.constant 0 : i32
    %dma_wait3A_235 = tpu.memref_slice %arg8[%dma_wait3A_228, %dma_wait3A_229, %dma_wait3A_234] : memref<2x1x384xi32, #tpu.memory_space<vmem>> -> memref<1x1x384xi32, #tpu.memory_space<vmem>>
    %dma_wait3A_236 = tpu.memref_squeeze %dma_wait3A_235 : memref<1x1x384xi32, #tpu.memory_space<vmem>> -> memref<384xi32, #tpu.memory_space<vmem>>
    %dma_wait3A_237 = arith.constant 0 : i32
    %dma_wait3A_238 = arith.constant 0 : i32
    %dma_wait3A_239 = tpu.memref_slice %arg10[%dma_wait3A_237, %dma_wait3A_238] : memref<51200x16xf32, #tpu.memory_space<vmem_shared>> -> memref<51200x16xf32, #tpu.memory_space<vmem_shared>>
    tpu.wait_indirect_dma semaphore(%arg13 : memref<!tpu.dma_semaphore, #tpu.memory_space<semaphore_mem>>) src(%dma_wait3A_233 : memref<384x16xf32, #tpu.memory_space<vmem>>) dst(%dma_wait3A_239 : memref<51200x16xf32, #tpu.memory_space<vmem_shared>>)
    %barrier3A_240 = arith.constant 0 : index
    tpu.barrier barrier_id(%barrier3A_240)
    "tpu.region"() ({
      %run_scoped3A = tpu.sem_alloc : memref<!tpu.dma_semaphore, #tpu.memory_space<semaphore_mem>>
      %dma_start3A_241 = arith.constant 0 : i32
      %dma_start3A_242 = arith.constant 0 : i32
      %dma_start3A_243 = tpu.memref_slice %arg6[%arg0, %dma_start3A_241, %dma_start3A_242] : memref<2x51200x16xf32, #tpu.memory_space<hbm>> -> memref<1x51200x16xf32, #tpu.memory_space<hbm>>
      %dma_start3A_244 = tpu.memref_squeeze %dma_start3A_243 : memref<1x51200x16xf32, #tpu.memory_space<hbm>> -> memref<51200x16xf32, #tpu.memory_space<hbm>>
      %dma_start3A_245 = arith.constant 0 : i32
      %dma_start3A_246 = tpu.memref_slice %dma_start3A_244[%mul3A_0, %dma_start3A_245] : memref<51200x16xf32, #tpu.memory_space<hbm>> -> memref<3200x16xf32, #tpu.memory_space<hbm>>
      %dma_start3A_247 = arith.constant 0 : i32
      %dma_start3A_248 = tpu.memref_slice %arg10[%mul3A_0, %dma_start3A_247] : memref<51200x16xf32, #tpu.memory_space<vmem_shared>> -> memref<3200x16xf32, #tpu.memory_space<vmem_shared>>
      tpu.enqueue_dma source(%dma_start3A_248 : memref<3200x16xf32, #tpu.memory_space<vmem_shared>>) target(%dma_start3A_246 : memref<3200x16xf32, #tpu.memory_space<hbm>>) target_semaphore(%run_scoped3A : memref<!tpu.dma_semaphore, #tpu.memory_space<semaphore_mem>>)
      %dma_wait3A_249 = arith.constant 0 : i32
      %dma_wait3A_250 = arith.constant 0 : i32
      %dma_wait3A_251 = tpu.memref_slice %arg6[%arg0, %dma_wait3A_249, %dma_wait3A_250] : memref<2x51200x16xf32, #tpu.memory_space<hbm>> -> memref<1x51200x16xf32, #tpu.memory_space<hbm>>
      %dma_wait3A_252 = tpu.memref_squeeze %dma_wait3A_251 : memref<1x51200x16xf32, #tpu.memory_space<hbm>> -> memref<51200x16xf32, #tpu.memory_space<hbm>>
      %dma_wait3A_253 = arith.constant 0 : i32
      %dma_wait3A_254 = tpu.memref_slice %dma_wait3A_252[%mul3A_0, %dma_wait3A_253] : memref<51200x16xf32, #tpu.memory_space<hbm>> -> memref<3200x16xf32, #tpu.memory_space<hbm>>
      %dma_wait3A_255 = arith.constant 0 : i32
      %dma_wait3A_256 = tpu.memref_slice %arg10[%mul3A_0, %dma_wait3A_255] : memref<51200x16xf32, #tpu.memory_space<vmem_shared>> -> memref<3200x16xf32, #tpu.memory_space<vmem_shared>>
      tpu.wait_dma2 semaphore(%run_scoped3A : memref<!tpu.dma_semaphore, #tpu.memory_space<semaphore_mem>>) src(%dma_wait3A_256 : memref<3200x16xf32, #tpu.memory_space<vmem_shared>>) dst(%dma_wait3A_254 : memref<3200x16xf32, #tpu.memory_space<hbm>>)
      tpu.yield
    }) : () -> ()
    return
  }
}

#map = affine_map<(d0, d1) -> (0, 0, 0)>
#map1 = affine_map<(d0, d1) -> (0, 0)>
module attributes {stable_mosaic.version = 14 : i64} {
  func.func @_sc_segsum(%arg0: i32, %arg1: i32, %arg2: memref<2x51200x32xf32, #tpu.memory_space<hbm>>, %arg3: memref<2112x384xi32, #tpu.memory_space<hbm>>, %arg4: memref<2112x384xi32, #tpu.memory_space<hbm>>, %arg5: memref<51200x32xf32, #tpu.memory_space<hbm>>, %arg6: memref<2x51200x32xf32, #tpu.memory_space<hbm>>, %arg7: memref<2x1x384xi32, #tpu.memory_space<vmem>>, %arg8: memref<2x1x384xi32, #tpu.memory_space<vmem>>, %arg9: memref<2x1x384x32xf32, #tpu.memory_space<vmem>>, %arg10: memref<51200x32xf32, #tpu.memory_space<vmem_shared>>, %arg11: memref<!tpu.dma_semaphore, #tpu.memory_space<semaphore_mem>>, %arg12: memref<!tpu.dma_semaphore, #tpu.memory_space<semaphore_mem>>, %arg13: memref<!tpu.dma_semaphore, #tpu.memory_space<semaphore_mem>>) attributes {dimension_semantics = [#tpu.dimension_semantics<core_parallel>, #tpu.dimension_semantics<subcore_parallel>], iteration_bounds = array<i64: 2, 16>, scalar_prefetch = 0 : i64, scratch_operands = 7 : i64, tpu.core_type = #tpu.core_type<sc_vector_subcore>, window_params = [{transform_indices = #map}, {transform_indices = #map1}, {transform_indices = #map1}, {transform_indices = #map1}, {transform_indices = #map}]} {
    %mul3A = arith.constant 3200 : i32
    %mul3A_0 = arith.muli %arg1, %mul3A : i32
    %mul3A_1 = arith.constant 132 : i32
    %mul3A_2 = arith.muli %arg1, %mul3A_1 : i32
    "tpu.region"() ({
      %run_scoped3A = tpu.sem_alloc : memref<!tpu.dma_semaphore, #tpu.memory_space<semaphore_mem>>
      %dma_start3A_254 = arith.constant 0 : i32
      %dma_start3A_255 = tpu.memref_slice %arg10[%mul3A_0, %dma_start3A_254] : memref<51200x32xf32, #tpu.memory_space<vmem_shared>> -> memref<3200x32xf32, #tpu.memory_space<vmem_shared>>
      %dma_start3A_256 = arith.constant 0 : i32
      %dma_start3A_257 = tpu.memref_slice %arg5[%mul3A_0, %dma_start3A_256] : memref<51200x32xf32, #tpu.memory_space<hbm>> -> memref<3200x32xf32, #tpu.memory_space<hbm>>
      tpu.enqueue_dma source(%dma_start3A_257 : memref<3200x32xf32, #tpu.memory_space<hbm>>) target(%dma_start3A_255 : memref<3200x32xf32, #tpu.memory_space<vmem_shared>>) target_semaphore(%run_scoped3A : memref<!tpu.dma_semaphore, #tpu.memory_space<semaphore_mem>>)
      %dma_wait3A_258 = arith.constant 0 : i32
      %dma_wait3A_259 = tpu.memref_slice %arg10[%mul3A_0, %dma_wait3A_258] : memref<51200x32xf32, #tpu.memory_space<vmem_shared>> -> memref<3200x32xf32, #tpu.memory_space<vmem_shared>>
      %dma_wait3A_260 = arith.constant 0 : i32
      %dma_wait3A_261 = tpu.memref_slice %arg5[%mul3A_0, %dma_wait3A_260] : memref<51200x32xf32, #tpu.memory_space<hbm>> -> memref<3200x32xf32, #tpu.memory_space<hbm>>
      tpu.wait_dma2 semaphore(%run_scoped3A : memref<!tpu.dma_semaphore, #tpu.memory_space<semaphore_mem>>) src(%dma_wait3A_261 : memref<3200x32xf32, #tpu.memory_space<hbm>>) dst(%dma_wait3A_259 : memref<3200x32xf32, #tpu.memory_space<vmem_shared>>)
      tpu.yield
    }) : () -> ()
    %barrier3A = arith.constant 0 : index
    tpu.barrier barrier_id(%barrier3A)
    %add3A = arith.constant 0 : i32
    %add3A_3 = arith.addi %mul3A_2, %add3A : i32
    %mul3A_4 = arith.constant 1 : i32
    %mul3A_5 = arith.muli %add3A_3, %mul3A_4 : i32
    %dma_start3A = arith.constant 0 : i32
    %dma_start3A_6 = arith.constant 0 : i32
    %dma_start3A_7 = arith.constant 0 : i32
    %dma_start3A_8 = tpu.memref_slice %arg7[%dma_start3A, %dma_start3A_6, %dma_start3A_7] : memref<2x1x384xi32, #tpu.memory_space<vmem>> -> memref<1x1x384xi32, #tpu.memory_space<vmem>>
    %dma_start3A_9 = tpu.memref_squeeze %dma_start3A_8 : memref<1x1x384xi32, #tpu.memory_space<vmem>> -> memref<1x384xi32, #tpu.memory_space<vmem>>
    %dma_start3A_10 = arith.constant 0 : i32
    %dma_start3A_11 = tpu.memref_slice %arg3[%mul3A_5, %dma_start3A_10] : memref<2112x384xi32, #tpu.memory_space<hbm>> -> memref<1x384xi32, #tpu.memory_space<hbm>>
    %dma_start3A_12 = arith.constant 0 : i32
    %dma_start3A_13 = arith.constant 0 : i32
    %dma_start3A_14 = tpu.memref_slice %arg7[%dma_start3A, %dma_start3A_12, %dma_start3A_13] : memref<2x1x384xi32, #tpu.memory_space<vmem>> -> memref<1x1x384xi32, #tpu.memory_space<vmem>>
    %dma_start3A_15 = tpu.memref_squeeze %dma_start3A_14 : memref<1x1x384xi32, #tpu.memory_space<vmem>> -> memref<1x384xi32, #tpu.memory_space<vmem>>
    %dma_start3A_16 = arith.constant 0 : i32
    %dma_start3A_17 = tpu.memref_slice %arg3[%mul3A_5, %dma_start3A_16] : memref<2112x384xi32, #tpu.memory_space<hbm>> -> memref<1x384xi32, #tpu.memory_space<hbm>>
    tpu.enqueue_dma source(%dma_start3A_17 : memref<1x384xi32, #tpu.memory_space<hbm>>) target(%dma_start3A_15 : memref<1x384xi32, #tpu.memory_space<vmem>>) target_semaphore(%arg11 : memref<!tpu.dma_semaphore, #tpu.memory_space<semaphore_mem>>)
    %dma_start3A_18 = arith.constant 0 : i32
    %dma_start3A_19 = arith.constant 0 : i32
    %dma_start3A_20 = arith.constant 0 : i32
    %dma_start3A_21 = tpu.memref_slice %arg8[%dma_start3A_18, %dma_start3A_19, %dma_start3A_20] : memref<2x1x384xi32, #tpu.memory_space<vmem>> -> memref<1x1x384xi32, #tpu.memory_space<vmem>>
    %dma_start3A_22 = tpu.memref_squeeze %dma_start3A_21 : memref<1x1x384xi32, #tpu.memory_space<vmem>> -> memref<1x384xi32, #tpu.memory_space<vmem>>
    %dma_start3A_23 = arith.constant 0 : i32
    %dma_start3A_24 = tpu.memref_slice %arg4[%mul3A_5, %dma_start3A_23] : memref<2112x384xi32, #tpu.memory_space<hbm>> -> memref<1x384xi32, #tpu.memory_space<hbm>>
    %dma_start3A_25 = arith.constant 0 : i32
    %dma_start3A_26 = arith.constant 0 : i32
    %dma_start3A_27 = tpu.memref_slice %arg8[%dma_start3A_18, %dma_start3A_25, %dma_start3A_26] : memref<2x1x384xi32, #tpu.memory_space<vmem>> -> memref<1x1x384xi32, #tpu.memory_space<vmem>>
    %dma_start3A_28 = tpu.memref_squeeze %dma_start3A_27 : memref<1x1x384xi32, #tpu.memory_space<vmem>> -> memref<1x384xi32, #tpu.memory_space<vmem>>
    %dma_start3A_29 = arith.constant 0 : i32
    %dma_start3A_30 = tpu.memref_slice %arg4[%mul3A_5, %dma_start3A_29] : memref<2112x384xi32, #tpu.memory_space<hbm>> -> memref<1x384xi32, #tpu.memory_space<hbm>>
    tpu.enqueue_dma source(%dma_start3A_30 : memref<1x384xi32, #tpu.memory_space<hbm>>) target(%dma_start3A_28 : memref<1x384xi32, #tpu.memory_space<vmem>>) target_semaphore(%arg11 : memref<!tpu.dma_semaphore, #tpu.memory_space<semaphore_mem>>)
    %add3A_31 = arith.constant 0 : i32
    %add3A_32 = arith.addi %mul3A_2, %add3A_31 : i32
    %mul3A_33 = arith.constant 1 : i32
    %mul3A_34 = arith.muli %add3A_32, %mul3A_33 : i32
    %dma_wait3A = arith.constant 0 : i32
    %dma_wait3A_35 = arith.constant 0 : i32
    %dma_wait3A_36 = arith.constant 0 : i32
    %dma_wait3A_37 = tpu.memref_slice %arg7[%dma_wait3A, %dma_wait3A_35, %dma_wait3A_36] : memref<2x1x384xi32, #tpu.memory_space<vmem>> -> memref<1x1x384xi32, #tpu.memory_space<vmem>>
    %dma_wait3A_38 = tpu.memref_squeeze %dma_wait3A_37 : memref<1x1x384xi32, #tpu.memory_space<vmem>> -> memref<1x384xi32, #tpu.memory_space<vmem>>
    %dma_wait3A_39 = arith.constant 0 : i32
    %dma_wait3A_40 = tpu.memref_slice %arg3[%mul3A_34, %dma_wait3A_39] : memref<2112x384xi32, #tpu.memory_space<hbm>> -> memref<1x384xi32, #tpu.memory_space<hbm>>
    %dma_wait3A_41 = arith.constant 0 : i32
    %dma_wait3A_42 = arith.constant 0 : i32
    %dma_wait3A_43 = tpu.memref_slice %arg7[%dma_wait3A, %dma_wait3A_41, %dma_wait3A_42] : memref<2x1x384xi32, #tpu.memory_space<vmem>> -> memref<1x1x384xi32, #tpu.memory_space<vmem>>
    %dma_wait3A_44 = tpu.memref_squeeze %dma_wait3A_43 : memref<1x1x384xi32, #tpu.memory_space<vmem>> -> memref<1x384xi32, #tpu.memory_space<vmem>>
    %dma_wait3A_45 = arith.constant 0 : i32
    %dma_wait3A_46 = tpu.memref_slice %arg3[%mul3A_34, %dma_wait3A_45] : memref<2112x384xi32, #tpu.memory_space<hbm>> -> memref<1x384xi32, #tpu.memory_space<hbm>>
    tpu.wait_dma2 semaphore(%arg11 : memref<!tpu.dma_semaphore, #tpu.memory_space<semaphore_mem>>) src(%dma_wait3A_46 : memref<1x384xi32, #tpu.memory_space<hbm>>) dst(%dma_wait3A_44 : memref<1x384xi32, #tpu.memory_space<vmem>>)
    %dma_wait3A_47 = arith.constant 0 : i32
    %dma_wait3A_48 = arith.constant 0 : i32
    %dma_wait3A_49 = arith.constant 0 : i32
    %dma_wait3A_50 = tpu.memref_slice %arg8[%dma_wait3A_47, %dma_wait3A_48, %dma_wait3A_49] : memref<2x1x384xi32, #tpu.memory_space<vmem>> -> memref<1x1x384xi32, #tpu.memory_space<vmem>>
    %dma_wait3A_51 = tpu.memref_squeeze %dma_wait3A_50 : memref<1x1x384xi32, #tpu.memory_space<vmem>> -> memref<1x384xi32, #tpu.memory_space<vmem>>
    %dma_wait3A_52 = arith.constant 0 : i32
    %dma_wait3A_53 = tpu.memref_slice %arg4[%mul3A_34, %dma_wait3A_52] : memref<2112x384xi32, #tpu.memory_space<hbm>> -> memref<1x384xi32, #tpu.memory_space<hbm>>
    %dma_wait3A_54 = arith.constant 0 : i32
    %dma_wait3A_55 = arith.constant 0 : i32
    %dma_wait3A_56 = tpu.memref_slice %arg8[%dma_wait3A_47, %dma_wait3A_54, %dma_wait3A_55] : memref<2x1x384xi32, #tpu.memory_space<vmem>> -> memref<1x1x384xi32, #tpu.memory_space<vmem>>
    %dma_wait3A_57 = tpu.memref_squeeze %dma_wait3A_56 : memref<1x1x384xi32, #tpu.memory_space<vmem>> -> memref<1x384xi32, #tpu.memory_space<vmem>>
    %dma_wait3A_58 = arith.constant 0 : i32
    %dma_wait3A_59 = tpu.memref_slice %arg4[%mul3A_34, %dma_wait3A_58] : memref<2112x384xi32, #tpu.memory_space<hbm>> -> memref<1x384xi32, #tpu.memory_space<hbm>>
    tpu.wait_dma2 semaphore(%arg11 : memref<!tpu.dma_semaphore, #tpu.memory_space<semaphore_mem>>) src(%dma_wait3A_59 : memref<1x384xi32, #tpu.memory_space<hbm>>) dst(%dma_wait3A_57 : memref<1x384xi32, #tpu.memory_space<vmem>>)
    %dma_start3A_60 = arith.constant 0 : i32
    %dma_start3A_61 = arith.constant 0 : i32
    %dma_start3A_62 = arith.constant 0 : i32
    %dma_start3A_63 = arith.constant 0 : i32
    %dma_start3A_64 = arith.constant 0 : i32
    %dma_start3A_65 = arith.constant 0 : i32
    %dma_start3A_66 = tpu.memref_slice %arg9[%dma_start3A_62, %dma_start3A_63, %dma_start3A_64, %dma_start3A_65] : memref<2x1x384x32xf32, #tpu.memory_space<vmem>> -> memref<1x1x384x32xf32, #tpu.memory_space<vmem>>
    %dma_start3A_67 = tpu.memref_squeeze %dma_start3A_66 : memref<1x1x384x32xf32, #tpu.memory_space<vmem>> -> memref<384x32xf32, #tpu.memory_space<vmem>>
    %dma_start3A_68 = arith.constant 0 : i32
    %dma_start3A_69 = tpu.memref_slice %arg7[%dma_start3A_60, %dma_start3A_61, %dma_start3A_68] : memref<2x1x384xi32, #tpu.memory_space<vmem>> -> memref<1x1x384xi32, #tpu.memory_space<vmem>>
    %dma_start3A_70 = tpu.memref_squeeze %dma_start3A_69 : memref<1x1x384xi32, #tpu.memory_space<vmem>> -> memref<384xi32, #tpu.memory_space<vmem>>
    %dma_start3A_71 = arith.constant 0 : i32
    %dma_start3A_72 = arith.constant 0 : i32
    %dma_start3A_73 = tpu.memref_slice %arg2[%arg0, %dma_start3A_71, %dma_start3A_72] : memref<2x51200x32xf32, #tpu.memory_space<hbm>> -> memref<1x51200x32xf32, #tpu.memory_space<hbm>>
    %dma_start3A_74 = tpu.memref_squeeze %dma_start3A_73 : memref<1x51200x32xf32, #tpu.memory_space<hbm>> -> memref<51200x32xf32, #tpu.memory_space<hbm>>
    %dma_start3A_75 = arith.constant 0 : i32
    %dma_start3A_76 = arith.constant 0 : i32
    %dma_start3A_77 = tpu.memref_slice %dma_start3A_74[%dma_start3A_75, %dma_start3A_76] : memref<51200x32xf32, #tpu.memory_space<hbm>> -> memref<51200x32xf32, #tpu.memory_space<hbm>>
    tpu.enqueue_indirect_dma source(%dma_start3A_77 : memref<51200x32xf32, #tpu.memory_space<hbm>>) target(%dma_start3A_67 : memref<384x32xf32, #tpu.memory_space<vmem>>) offsets(%dma_start3A_70 : memref<384xi32, #tpu.memory_space<vmem>>) semaphore(%arg12 : memref<!tpu.dma_semaphore, #tpu.memory_space<semaphore_mem>>)
    %add3A_78 = arith.constant 1 : i32
    %add3A_79 = arith.addi %mul3A_2, %add3A_78 : i32
    %mul3A_80 = arith.constant 1 : i32
    %mul3A_81 = arith.muli %add3A_79, %mul3A_80 : i32
    %dma_start3A_82 = arith.constant 1 : i32
    %dma_start3A_83 = arith.constant 0 : i32
    %dma_start3A_84 = arith.constant 0 : i32
    %dma_start3A_85 = tpu.memref_slice %arg7[%dma_start3A_82, %dma_start3A_83, %dma_start3A_84] : memref<2x1x384xi32, #tpu.memory_space<vmem>> -> memref<1x1x384xi32, #tpu.memory_space<vmem>>
    %dma_start3A_86 = tpu.memref_squeeze %dma_start3A_85 : memref<1x1x384xi32, #tpu.memory_space<vmem>> -> memref<1x384xi32, #tpu.memory_space<vmem>>
    %dma_start3A_87 = arith.constant 0 : i32
    %dma_start3A_88 = tpu.memref_slice %arg3[%mul3A_81, %dma_start3A_87] : memref<2112x384xi32, #tpu.memory_space<hbm>> -> memref<1x384xi32, #tpu.memory_space<hbm>>
    %dma_start3A_89 = arith.constant 0 : i32
    %dma_start3A_90 = arith.constant 0 : i32
    %dma_start3A_91 = tpu.memref_slice %arg7[%dma_start3A_82, %dma_start3A_89, %dma_start3A_90] : memref<2x1x384xi32, #tpu.memory_space<vmem>> -> memref<1x1x384xi32, #tpu.memory_space<vmem>>
    %dma_start3A_92 = tpu.memref_squeeze %dma_start3A_91 : memref<1x1x384xi32, #tpu.memory_space<vmem>> -> memref<1x384xi32, #tpu.memory_space<vmem>>
    %dma_start3A_93 = arith.constant 0 : i32
    %dma_start3A_94 = tpu.memref_slice %arg3[%mul3A_81, %dma_start3A_93] : memref<2112x384xi32, #tpu.memory_space<hbm>> -> memref<1x384xi32, #tpu.memory_space<hbm>>
    tpu.enqueue_dma source(%dma_start3A_94 : memref<1x384xi32, #tpu.memory_space<hbm>>) target(%dma_start3A_92 : memref<1x384xi32, #tpu.memory_space<vmem>>) target_semaphore(%arg11 : memref<!tpu.dma_semaphore, #tpu.memory_space<semaphore_mem>>)
    %dma_start3A_95 = arith.constant 1 : i32
    %dma_start3A_96 = arith.constant 0 : i32
    %dma_start3A_97 = arith.constant 0 : i32
    %dma_start3A_98 = tpu.memref_slice %arg8[%dma_start3A_95, %dma_start3A_96, %dma_start3A_97] : memref<2x1x384xi32, #tpu.memory_space<vmem>> -> memref<1x1x384xi32, #tpu.memory_space<vmem>>
    %dma_start3A_99 = tpu.memref_squeeze %dma_start3A_98 : memref<1x1x384xi32, #tpu.memory_space<vmem>> -> memref<1x384xi32, #tpu.memory_space<vmem>>
    %dma_start3A_100 = arith.constant 0 : i32
    %dma_start3A_101 = tpu.memref_slice %arg4[%mul3A_81, %dma_start3A_100] : memref<2112x384xi32, #tpu.memory_space<hbm>> -> memref<1x384xi32, #tpu.memory_space<hbm>>
    %dma_start3A_102 = arith.constant 0 : i32
    %dma_start3A_103 = arith.constant 0 : i32
    %dma_start3A_104 = tpu.memref_slice %arg8[%dma_start3A_95, %dma_start3A_102, %dma_start3A_103] : memref<2x1x384xi32, #tpu.memory_space<vmem>> -> memref<1x1x384xi32, #tpu.memory_space<vmem>>
    %dma_start3A_105 = tpu.memref_squeeze %dma_start3A_104 : memref<1x1x384xi32, #tpu.memory_space<vmem>> -> memref<1x384xi32, #tpu.memory_space<vmem>>
    %dma_start3A_106 = arith.constant 0 : i32
    %dma_start3A_107 = tpu.memref_slice %arg4[%mul3A_81, %dma_start3A_106] : memref<2112x384xi32, #tpu.memory_space<hbm>> -> memref<1x384xi32, #tpu.memory_space<hbm>>
    tpu.enqueue_dma source(%dma_start3A_107 : memref<1x384xi32, #tpu.memory_space<hbm>>) target(%dma_start3A_105 : memref<1x384xi32, #tpu.memory_space<vmem>>) target_semaphore(%arg11 : memref<!tpu.dma_semaphore, #tpu.memory_space<semaphore_mem>>)
    %dma_wait3A_108 = arith.constant 0 : i32
    %dma_wait3A_109 = arith.constant 0 : i32
    %dma_wait3A_110 = arith.constant 0 : i32
    %dma_wait3A_111 = arith.constant 0 : i32
    %dma_wait3A_112 = arith.constant 0 : i32
    %dma_wait3A_113 = arith.constant 0 : i32
    %dma_wait3A_114 = tpu.memref_slice %arg9[%dma_wait3A_110, %dma_wait3A_111, %dma_wait3A_112, %dma_wait3A_113] : memref<2x1x384x32xf32, #tpu.memory_space<vmem>> -> memref<1x1x384x32xf32, #tpu.memory_space<vmem>>
    %dma_wait3A_115 = tpu.memref_squeeze %dma_wait3A_114 : memref<1x1x384x32xf32, #tpu.memory_space<vmem>> -> memref<384x32xf32, #tpu.memory_space<vmem>>
    %dma_wait3A_116 = arith.constant 0 : i32
    %dma_wait3A_117 = tpu.memref_slice %arg7[%dma_wait3A_108, %dma_wait3A_109, %dma_wait3A_116] : memref<2x1x384xi32, #tpu.memory_space<vmem>> -> memref<1x1x384xi32, #tpu.memory_space<vmem>>
    %dma_wait3A_118 = tpu.memref_squeeze %dma_wait3A_117 : memref<1x1x384xi32, #tpu.memory_space<vmem>> -> memref<384xi32, #tpu.memory_space<vmem>>
    %dma_wait3A_119 = arith.constant 0 : i32
    %dma_wait3A_120 = arith.constant 0 : i32
    %dma_wait3A_121 = tpu.memref_slice %arg2[%arg0, %dma_wait3A_119, %dma_wait3A_120] : memref<2x51200x32xf32, #tpu.memory_space<hbm>> -> memref<1x51200x32xf32, #tpu.memory_space<hbm>>
    %dma_wait3A_122 = tpu.memref_squeeze %dma_wait3A_121 : memref<1x51200x32xf32, #tpu.memory_space<hbm>> -> memref<51200x32xf32, #tpu.memory_space<hbm>>
    %dma_wait3A_123 = arith.constant 0 : i32
    %dma_wait3A_124 = arith.constant 0 : i32
    %dma_wait3A_125 = tpu.memref_slice %dma_wait3A_122[%dma_wait3A_123, %dma_wait3A_124] : memref<51200x32xf32, #tpu.memory_space<hbm>> -> memref<51200x32xf32, #tpu.memory_space<hbm>>
    tpu.wait_indirect_dma semaphore(%arg12 : memref<!tpu.dma_semaphore, #tpu.memory_space<semaphore_mem>>) src(%dma_wait3A_125 : memref<51200x32xf32, #tpu.memory_space<hbm>>) dst(%dma_wait3A_115 : memref<384x32xf32, #tpu.memory_space<vmem>>)
    %dma_start3A_126 = arith.constant 0 : i32
    %dma_start3A_127 = arith.constant 0 : i32
    %dma_start3A_128 = arith.constant 0 : i32
    %dma_start3A_129 = arith.constant 0 : i32
    %dma_start3A_130 = arith.constant 0 : i32
    %dma_start3A_131 = arith.constant 0 : i32
    %dma_start3A_132 = tpu.memref_slice %arg9[%dma_start3A_126, %dma_start3A_127, %dma_start3A_130, %dma_start3A_131] : memref<2x1x384x32xf32, #tpu.memory_space<vmem>> -> memref<1x1x384x32xf32, #tpu.memory_space<vmem>>
    %dma_start3A_133 = tpu.memref_squeeze %dma_start3A_132 : memref<1x1x384x32xf32, #tpu.memory_space<vmem>> -> memref<384x32xf32, #tpu.memory_space<vmem>>
    %dma_start3A_134 = arith.constant 0 : i32
    %dma_start3A_135 = tpu.memref_slice %arg8[%dma_start3A_128, %dma_start3A_129, %dma_start3A_134] : memref<2x1x384xi32, #tpu.memory_space<vmem>> -> memref<1x1x384xi32, #tpu.memory_space<vmem>>
    %dma_start3A_136 = tpu.memref_squeeze %dma_start3A_135 : memref<1x1x384xi32, #tpu.memory_space<vmem>> -> memref<384xi32, #tpu.memory_space<vmem>>
    %dma_start3A_137 = arith.constant 0 : i32
    %dma_start3A_138 = arith.constant 0 : i32
    %dma_start3A_139 = tpu.memref_slice %arg10[%dma_start3A_137, %dma_start3A_138] : memref<51200x32xf32, #tpu.memory_space<vmem_shared>> -> memref<51200x32xf32, #tpu.memory_space<vmem_shared>>
    tpu.enqueue_indirect_dma source(%dma_start3A_133 : memref<384x32xf32, #tpu.memory_space<vmem>>) target(%dma_start3A_139 : memref<51200x32xf32, #tpu.memory_space<vmem_shared>>) offsets(%dma_start3A_136 : memref<384xi32, #tpu.memory_space<vmem>>) semaphore(%arg13 : memref<!tpu.dma_semaphore, #tpu.memory_space<semaphore_mem>>) {add = true}
    %add3A_140 = arith.constant 1 : i32
    %add3A_141 = arith.addi %mul3A_2, %add3A_140 : i32
    %mul3A_142 = arith.constant 1 : i32
    %mul3A_143 = arith.muli %add3A_141, %mul3A_142 : i32
    %dma_wait3A_144 = arith.constant 1 : i32
    %dma_wait3A_145 = arith.constant 0 : i32
    %dma_wait3A_146 = arith.constant 0 : i32
    %dma_wait3A_147 = tpu.memref_slice %arg7[%dma_wait3A_144, %dma_wait3A_145, %dma_wait3A_146] : memref<2x1x384xi32, #tpu.memory_space<vmem>> -> memref<1x1x384xi32, #tpu.memory_space<vmem>>
    %dma_wait3A_148 = tpu.memref_squeeze %dma_wait3A_147 : memref<1x1x384xi32, #tpu.memory_space<vmem>> -> memref<1x384xi32, #tpu.memory_space<vmem>>
    %dma_wait3A_149 = arith.constant 0 : i32
    %dma_wait3A_150 = tpu.memref_slice %arg3[%mul3A_143, %dma_wait3A_149] : memref<2112x384xi32, #tpu.memory_space<hbm>> -> memref<1x384xi32, #tpu.memory_space<hbm>>
    %dma_wait3A_151 = arith.constant 0 : i32
    %dma_wait3A_152 = arith.constant 0 : i32
    %dma_wait3A_153 = tpu.memref_slice %arg7[%dma_wait3A_144, %dma_wait3A_151, %dma_wait3A_152] : memref<2x1x384xi32, #tpu.memory_space<vmem>> -> memref<1x1x384xi32, #tpu.memory_space<vmem>>
    %dma_wait3A_154 = tpu.memref_squeeze %dma_wait3A_153 : memref<1x1x384xi32, #tpu.memory_space<vmem>> -> memref<1x384xi32, #tpu.memory_space<vmem>>
    %dma_wait3A_155 = arith.constant 0 : i32
    %dma_wait3A_156 = tpu.memref_slice %arg3[%mul3A_143, %dma_wait3A_155] : memref<2112x384xi32, #tpu.memory_space<hbm>> -> memref<1x384xi32, #tpu.memory_space<hbm>>
    tpu.wait_dma2 semaphore(%arg11 : memref<!tpu.dma_semaphore, #tpu.memory_space<semaphore_mem>>) src(%dma_wait3A_156 : memref<1x384xi32, #tpu.memory_space<hbm>>) dst(%dma_wait3A_154 : memref<1x384xi32, #tpu.memory_space<vmem>>)
    %dma_wait3A_157 = arith.constant 1 : i32
    %dma_wait3A_158 = arith.constant 0 : i32
    %dma_wait3A_159 = arith.constant 0 : i32
    %dma_wait3A_160 = tpu.memref_slice %arg8[%dma_wait3A_157, %dma_wait3A_158, %dma_wait3A_159] : memref<2x1x384xi32, #tpu.memory_space<vmem>> -> memref<1x1x384xi32, #tpu.memory_space<vmem>>
    %dma_wait3A_161 = tpu.memref_squeeze %dma_wait3A_160 : memref<1x1x384xi32, #tpu.memory_space<vmem>> -> memref<1x384xi32, #tpu.memory_space<vmem>>
    %dma_wait3A_162 = arith.constant 0 : i32
    %dma_wait3A_163 = tpu.memref_slice %arg4[%mul3A_143, %dma_wait3A_162] : memref<2112x384xi32, #tpu.memory_space<hbm>> -> memref<1x384xi32, #tpu.memory_space<hbm>>
    %dma_wait3A_164 = arith.constant 0 : i32
    %dma_wait3A_165 = arith.constant 0 : i32
    %dma_wait3A_166 = tpu.memref_slice %arg8[%dma_wait3A_157, %dma_wait3A_164, %dma_wait3A_165] : memref<2x1x384xi32, #tpu.memory_space<vmem>> -> memref<1x1x384xi32, #tpu.memory_space<vmem>>
    %dma_wait3A_167 = tpu.memref_squeeze %dma_wait3A_166 : memref<1x1x384xi32, #tpu.memory_space<vmem>> -> memref<1x384xi32, #tpu.memory_space<vmem>>
    %dma_wait3A_168 = arith.constant 0 : i32
    %dma_wait3A_169 = tpu.memref_slice %arg4[%mul3A_143, %dma_wait3A_168] : memref<2112x384xi32, #tpu.memory_space<hbm>> -> memref<1x384xi32, #tpu.memory_space<hbm>>
    tpu.wait_dma2 semaphore(%arg11 : memref<!tpu.dma_semaphore, #tpu.memory_space<semaphore_mem>>) src(%dma_wait3A_169 : memref<1x384xi32, #tpu.memory_space<hbm>>) dst(%dma_wait3A_167 : memref<1x384xi32, #tpu.memory_space<vmem>>)
    %dma_start3A_170 = arith.constant 1 : i32
    %dma_start3A_171 = arith.constant 0 : i32
    %dma_start3A_172 = arith.constant 1 : i32
    %dma_start3A_173 = arith.constant 0 : i32
    %dma_start3A_174 = arith.constant 0 : i32
    %dma_start3A_175 = arith.constant 0 : i32
    %dma_start3A_176 = tpu.memref_slice %arg9[%dma_start3A_172, %dma_start3A_173, %dma_start3A_174, %dma_start3A_175] : memref<2x1x384x32xf32, #tpu.memory_space<vmem>> -> memref<1x1x384x32xf32, #tpu.memory_space<vmem>>
    %dma_start3A_177 = tpu.memref_squeeze %dma_start3A_176 : memref<1x1x384x32xf32, #tpu.memory_space<vmem>> -> memref<384x32xf32, #tpu.memory_space<vmem>>
    %dma_start3A_178 = arith.constant 0 : i32
    %dma_start3A_179 = tpu.memref_slice %arg7[%dma_start3A_170, %dma_start3A_171, %dma_start3A_178] : memref<2x1x384xi32, #tpu.memory_space<vmem>> -> memref<1x1x384xi32, #tpu.memory_space<vmem>>
    %dma_start3A_180 = tpu.memref_squeeze %dma_start3A_179 : memref<1x1x384xi32, #tpu.memory_space<vmem>> -> memref<384xi32, #tpu.memory_space<vmem>>
    %dma_start3A_181 = arith.constant 0 : i32
    %dma_start3A_182 = arith.constant 0 : i32
    %dma_start3A_183 = tpu.memref_slice %arg2[%arg0, %dma_start3A_181, %dma_start3A_182] : memref<2x51200x32xf32, #tpu.memory_space<hbm>> -> memref<1x51200x32xf32, #tpu.memory_space<hbm>>
    %dma_start3A_184 = tpu.memref_squeeze %dma_start3A_183 : memref<1x51200x32xf32, #tpu.memory_space<hbm>> -> memref<51200x32xf32, #tpu.memory_space<hbm>>
    %dma_start3A_185 = arith.constant 0 : i32
    %dma_start3A_186 = arith.constant 0 : i32
    %dma_start3A_187 = tpu.memref_slice %dma_start3A_184[%dma_start3A_185, %dma_start3A_186] : memref<51200x32xf32, #tpu.memory_space<hbm>> -> memref<51200x32xf32, #tpu.memory_space<hbm>>
    tpu.enqueue_indirect_dma source(%dma_start3A_187 : memref<51200x32xf32, #tpu.memory_space<hbm>>) target(%dma_start3A_177 : memref<384x32xf32, #tpu.memory_space<vmem>>) offsets(%dma_start3A_180 : memref<384xi32, #tpu.memory_space<vmem>>) semaphore(%arg12 : memref<!tpu.dma_semaphore, #tpu.memory_space<semaphore_mem>>)
    %scan3A = arith.constant 0 : i32
    %scan3A_188 = arith.constant 1 : i32
    %scan3A_189 = arith.constant 130 : i32
    %scan3A_190 = arith.addi %scan3A_188, %scan3A_189 : i32
    %scan3A_191 = arith.constant 1 : i32
    scf.for %scan3A_254 = %scan3A_188 to %scan3A_190 step %scan3A_191  : i32 {
      %jit3A = arith.constant 2 : i32
      %eq3A = arith.constant 0 : i32
      %eq3A_255 = arith.cmpi eq, %jit3A, %eq3A : i32
      %jit3A_256 = arith.constant 1 : i32
      %select_n3A = arith.select %eq3A_255, %jit3A_256, %jit3A : i32
      %rem3A = arith.remsi %scan3A_254, %select_n3A : i32
      %ne3A = arith.constant 0 : i32
      %ne3A_257 = arith.cmpi ne, %rem3A, %ne3A : i32
      %lt3A = arith.constant 0 : i32
      %lt3A_258 = arith.cmpi slt, %rem3A, %lt3A : i32
      %lt3A_259 = arith.constant 0 : i32
      %lt3A_260 = arith.cmpi slt, %select_n3A, %lt3A_259 : i32
      %ne3A_261 = arith.xori %lt3A_258, %lt3A_260 : i1
      %and3A = arith.andi %ne3A_261, %ne3A_257 : i1
      %add3A_262 = arith.addi %rem3A, %select_n3A : i32
      %select_n3A_263 = arith.select %and3A, %add3A_262, %rem3A : i32
      %dma_wait3A_264 = arith.constant 0 : i32
      %dma_wait3A_265 = arith.constant 0 : i32
      %dma_wait3A_266 = arith.constant 0 : i32
      %dma_wait3A_267 = arith.constant 0 : i32
      %dma_wait3A_268 = tpu.memref_slice %arg9[%select_n3A_263, %dma_wait3A_265, %dma_wait3A_266, %dma_wait3A_267] : memref<2x1x384x32xf32, #tpu.memory_space<vmem>> -> memref<1x1x384x32xf32, #tpu.memory_space<vmem>>
      %dma_wait3A_269 = tpu.memref_squeeze %dma_wait3A_268 : memref<1x1x384x32xf32, #tpu.memory_space<vmem>> -> memref<384x32xf32, #tpu.memory_space<vmem>>
      %dma_wait3A_270 = arith.constant 0 : i32
      %dma_wait3A_271 = tpu.memref_slice %arg7[%select_n3A_263, %dma_wait3A_264, %dma_wait3A_270] : memref<2x1x384xi32, #tpu.memory_space<vmem>> -> memref<1x1x384xi32, #tpu.memory_space<vmem>>
      %dma_wait3A_272 = tpu.memref_squeeze %dma_wait3A_271 : memref<1x1x384xi32, #tpu.memory_space<vmem>> -> memref<384xi32, #tpu.memory_space<vmem>>
      %dma_wait3A_273 = arith.constant 0 : i32
      %dma_wait3A_274 = arith.constant 0 : i32
      %dma_wait3A_275 = tpu.memref_slice %arg2[%arg0, %dma_wait3A_273, %dma_wait3A_274] : memref<2x51200x32xf32, #tpu.memory_space<hbm>> -> memref<1x51200x32xf32, #tpu.memory_space<hbm>>
      %dma_wait3A_276 = tpu.memref_squeeze %dma_wait3A_275 : memref<1x51200x32xf32, #tpu.memory_space<hbm>> -> memref<51200x32xf32, #tpu.memory_space<hbm>>
      %dma_wait3A_277 = arith.constant 0 : i32
      %dma_wait3A_278 = arith.constant 0 : i32
      %dma_wait3A_279 = tpu.memref_slice %dma_wait3A_276[%dma_wait3A_277, %dma_wait3A_278] : memref<51200x32xf32, #tpu.memory_space<hbm>> -> memref<51200x32xf32, #tpu.memory_space<hbm>>
      tpu.wait_indirect_dma semaphore(%arg12 : memref<!tpu.dma_semaphore, #tpu.memory_space<semaphore_mem>>) src(%dma_wait3A_279 : memref<51200x32xf32, #tpu.memory_space<hbm>>) dst(%dma_wait3A_269 : memref<384x32xf32, #tpu.memory_space<vmem>>)
      %sub3A = arith.constant 1 : i32
      %sub3A_280 = arith.subi %scan3A_254, %sub3A : i32
      %jit3A_281 = arith.constant 2 : i32
      %eq3A_282 = arith.constant 0 : i32
      %eq3A_283 = arith.cmpi eq, %jit3A_281, %eq3A_282 : i32
      %jit3A_284 = arith.constant 1 : i32
      %select_n3A_285 = arith.select %eq3A_283, %jit3A_284, %jit3A_281 : i32
      %rem3A_286 = arith.remsi %sub3A_280, %select_n3A_285 : i32
      %ne3A_287 = arith.constant 0 : i32
      %ne3A_288 = arith.cmpi ne, %rem3A_286, %ne3A_287 : i32
      %lt3A_289 = arith.constant 0 : i32
      %lt3A_290 = arith.cmpi slt, %rem3A_286, %lt3A_289 : i32
      %lt3A_291 = arith.constant 0 : i32
      %lt3A_292 = arith.cmpi slt, %select_n3A_285, %lt3A_291 : i32
      %ne3A_293 = arith.xori %lt3A_290, %lt3A_292 : i1
      %and3A_294 = arith.andi %ne3A_293, %ne3A_288 : i1
      %add3A_295 = arith.addi %rem3A_286, %select_n3A_285 : i32
      %select_n3A_296 = arith.select %and3A_294, %add3A_295, %rem3A_286 : i32
      %dma_wait3A_297 = arith.constant 0 : i32
      %dma_wait3A_298 = arith.constant 0 : i32
      %dma_wait3A_299 = arith.constant 0 : i32
      %dma_wait3A_300 = arith.constant 0 : i32
      %dma_wait3A_301 = tpu.memref_slice %arg9[%select_n3A_296, %dma_wait3A_297, %dma_wait3A_299, %dma_wait3A_300] : memref<2x1x384x32xf32, #tpu.memory_space<vmem>> -> memref<1x1x384x32xf32, #tpu.memory_space<vmem>>
      %dma_wait3A_302 = tpu.memref_squeeze %dma_wait3A_301 : memref<1x1x384x32xf32, #tpu.memory_space<vmem>> -> memref<384x32xf32, #tpu.memory_space<vmem>>
      %dma_wait3A_303 = arith.constant 0 : i32
      %dma_wait3A_304 = tpu.memref_slice %arg8[%select_n3A_296, %dma_wait3A_298, %dma_wait3A_303] : memref<2x1x384xi32, #tpu.memory_space<vmem>> -> memref<1x1x384xi32, #tpu.memory_space<vmem>>
      %dma_wait3A_305 = tpu.memref_squeeze %dma_wait3A_304 : memref<1x1x384xi32, #tpu.memory_space<vmem>> -> memref<384xi32, #tpu.memory_space<vmem>>
      %dma_wait3A_306 = arith.constant 0 : i32
      %dma_wait3A_307 = arith.constant 0 : i32
      %dma_wait3A_308 = tpu.memref_slice %arg10[%dma_wait3A_306, %dma_wait3A_307] : memref<51200x32xf32, #tpu.memory_space<vmem_shared>> -> memref<51200x32xf32, #tpu.memory_space<vmem_shared>>
      tpu.wait_indirect_dma semaphore(%arg13 : memref<!tpu.dma_semaphore, #tpu.memory_space<semaphore_mem>>) src(%dma_wait3A_302 : memref<384x32xf32, #tpu.memory_space<vmem>>) dst(%dma_wait3A_308 : memref<51200x32xf32, #tpu.memory_space<vmem_shared>>)
      %add3A_309 = arith.constant 1 : i32
      %add3A_310 = arith.addi %scan3A_254, %add3A_309 : i32
      %add3A_311 = arith.addi %mul3A_2, %add3A_310 : i32
      %mul3A_312 = arith.constant 1 : i32
      %mul3A_313 = arith.muli %add3A_311, %mul3A_312 : i32
      %jit3A_314 = arith.constant 2 : i32
      %eq3A_315 = arith.constant 0 : i32
      %eq3A_316 = arith.cmpi eq, %jit3A_314, %eq3A_315 : i32
      %jit3A_317 = arith.constant 1 : i32
      %select_n3A_318 = arith.select %eq3A_316, %jit3A_317, %jit3A_314 : i32
      %rem3A_319 = arith.remsi %add3A_310, %select_n3A_318 : i32
      %ne3A_320 = arith.constant 0 : i32
      %ne3A_321 = arith.cmpi ne, %rem3A_319, %ne3A_320 : i32
      %lt3A_322 = arith.constant 0 : i32
      %lt3A_323 = arith.cmpi slt, %rem3A_319, %lt3A_322 : i32
      %lt3A_324 = arith.constant 0 : i32
      %lt3A_325 = arith.cmpi slt, %select_n3A_318, %lt3A_324 : i32
      %ne3A_326 = arith.xori %lt3A_323, %lt3A_325 : i1
      %and3A_327 = arith.andi %ne3A_326, %ne3A_321 : i1
      %add3A_328 = arith.addi %rem3A_319, %select_n3A_318 : i32
      %select_n3A_329 = arith.select %and3A_327, %add3A_328, %rem3A_319 : i32
      %jit3A_330 = arith.constant 2 : i32
      %eq3A_331 = arith.constant 0 : i32
      %eq3A_332 = arith.cmpi eq, %jit3A_330, %eq3A_331 : i32
      %jit3A_333 = arith.constant 1 : i32
      %select_n3A_334 = arith.select %eq3A_332, %jit3A_333, %jit3A_330 : i32
      %rem3A_335 = arith.remsi %add3A_310, %select_n3A_334 : i32
      %ne3A_336 = arith.constant 0 : i32
      %ne3A_337 = arith.cmpi ne, %rem3A_335, %ne3A_336 : i32
      %lt3A_338 = arith.constant 0 : i32
      %lt3A_339 = arith.cmpi slt, %rem3A_335, %lt3A_338 : i32
      %lt3A_340 = arith.constant 0 : i32
      %lt3A_341 = arith.cmpi slt, %select_n3A_334, %lt3A_340 : i32
      %ne3A_342 = arith.xori %lt3A_339, %lt3A_341 : i1
      %and3A_343 = arith.andi %ne3A_342, %ne3A_337 : i1
      %add3A_344 = arith.addi %rem3A_335, %select_n3A_334 : i32
      %select_n3A_345 = arith.select %and3A_343, %add3A_344, %rem3A_335 : i32
      %dma_start3A_346 = arith.constant 0 : i32
      %dma_start3A_347 = arith.constant 0 : i32
      %dma_start3A_348 = tpu.memref_slice %arg7[%select_n3A_329, %dma_start3A_346, %dma_start3A_347] : memref<2x1x384xi32, #tpu.memory_space<vmem>> -> memref<1x1x384xi32, #tpu.memory_space<vmem>>
      %dma_start3A_349 = tpu.memref_squeeze %dma_start3A_348 : memref<1x1x384xi32, #tpu.memory_space<vmem>> -> memref<1x384xi32, #tpu.memory_space<vmem>>
      %dma_start3A_350 = arith.constant 0 : i32
      %dma_start3A_351 = tpu.memref_slice %arg3[%mul3A_313, %dma_start3A_350] : memref<2112x384xi32, #tpu.memory_space<hbm>> -> memref<1x384xi32, #tpu.memory_space<hbm>>
      %dma_start3A_352 = arith.constant 0 : i32
      %dma_start3A_353 = arith.constant 0 : i32
      %dma_start3A_354 = tpu.memref_slice %arg7[%select_n3A_329, %dma_start3A_352, %dma_start3A_353] : memref<2x1x384xi32, #tpu.memory_space<vmem>> -> memref<1x1x384xi32, #tpu.memory_space<vmem>>
      %dma_start3A_355 = tpu.memref_squeeze %dma_start3A_354 : memref<1x1x384xi32, #tpu.memory_space<vmem>> -> memref<1x384xi32, #tpu.memory_space<vmem>>
      %dma_start3A_356 = arith.constant 0 : i32
      %dma_start3A_357 = tpu.memref_slice %arg3[%mul3A_313, %dma_start3A_356] : memref<2112x384xi32, #tpu.memory_space<hbm>> -> memref<1x384xi32, #tpu.memory_space<hbm>>
      tpu.enqueue_dma source(%dma_start3A_357 : memref<1x384xi32, #tpu.memory_space<hbm>>) target(%dma_start3A_355 : memref<1x384xi32, #tpu.memory_space<vmem>>) target_semaphore(%arg11 : memref<!tpu.dma_semaphore, #tpu.memory_space<semaphore_mem>>)
      %dma_start3A_358 = arith.constant 0 : i32
      %dma_start3A_359 = arith.constant 0 : i32
      %dma_start3A_360 = tpu.memref_slice %arg8[%select_n3A_345, %dma_start3A_358, %dma_start3A_359] : memref<2x1x384xi32, #tpu.memory_space<vmem>> -> memref<1x1x384xi32, #tpu.memory_space<vmem>>
      %dma_start3A_361 = tpu.memref_squeeze %dma_start3A_360 : memref<1x1x384xi32, #tpu.memory_space<vmem>> -> memref<1x384xi32, #tpu.memory_space<vmem>>
      %dma_start3A_362 = arith.constant 0 : i32
      %dma_start3A_363 = tpu.memref_slice %arg4[%mul3A_313, %dma_start3A_362] : memref<2112x384xi32, #tpu.memory_space<hbm>> -> memref<1x384xi32, #tpu.memory_space<hbm>>
      %dma_start3A_364 = arith.constant 0 : i32
      %dma_start3A_365 = arith.constant 0 : i32
      %dma_start3A_366 = tpu.memref_slice %arg8[%select_n3A_345, %dma_start3A_364, %dma_start3A_365] : memref<2x1x384xi32, #tpu.memory_space<vmem>> -> memref<1x1x384xi32, #tpu.memory_space<vmem>>
      %dma_start3A_367 = tpu.memref_squeeze %dma_start3A_366 : memref<1x1x384xi32, #tpu.memory_space<vmem>> -> memref<1x384xi32, #tpu.memory_space<vmem>>
      %dma_start3A_368 = arith.constant 0 : i32
      %dma_start3A_369 = tpu.memref_slice %arg4[%mul3A_313, %dma_start3A_368] : memref<2112x384xi32, #tpu.memory_space<hbm>> -> memref<1x384xi32, #tpu.memory_space<hbm>>
      tpu.enqueue_dma source(%dma_start3A_369 : memref<1x384xi32, #tpu.memory_space<hbm>>) target(%dma_start3A_367 : memref<1x384xi32, #tpu.memory_space<vmem>>) target_semaphore(%arg11 : memref<!tpu.dma_semaphore, #tpu.memory_space<semaphore_mem>>)
      %jit3A_370 = arith.constant 2 : i32
      %eq3A_371 = arith.constant 0 : i32
      %eq3A_372 = arith.cmpi eq, %jit3A_370, %eq3A_371 : i32
      %jit3A_373 = arith.constant 1 : i32
      %select_n3A_374 = arith.select %eq3A_372, %jit3A_373, %jit3A_370 : i32
      %rem3A_375 = arith.remsi %scan3A_254, %select_n3A_374 : i32
      %ne3A_376 = arith.constant 0 : i32
      %ne3A_377 = arith.cmpi ne, %rem3A_375, %ne3A_376 : i32
      %lt3A_378 = arith.constant 0 : i32
      %lt3A_379 = arith.cmpi slt, %rem3A_375, %lt3A_378 : i32
      %lt3A_380 = arith.constant 0 : i32
      %lt3A_381 = arith.cmpi slt, %select_n3A_374, %lt3A_380 : i32
      %ne3A_382 = arith.xori %lt3A_379, %lt3A_381 : i1
      %and3A_383 = arith.andi %ne3A_382, %ne3A_377 : i1
      %add3A_384 = arith.addi %rem3A_375, %select_n3A_374 : i32
      %select_n3A_385 = arith.select %and3A_383, %add3A_384, %rem3A_375 : i32
      %dma_start3A_386 = arith.constant 0 : i32
      %dma_start3A_387 = arith.constant 0 : i32
      %dma_start3A_388 = arith.constant 0 : i32
      %dma_start3A_389 = arith.constant 0 : i32
      %dma_start3A_390 = tpu.memref_slice %arg9[%select_n3A_385, %dma_start3A_386, %dma_start3A_388, %dma_start3A_389] : memref<2x1x384x32xf32, #tpu.memory_space<vmem>> -> memref<1x1x384x32xf32, #tpu.memory_space<vmem>>
      %dma_start3A_391 = tpu.memref_squeeze %dma_start3A_390 : memref<1x1x384x32xf32, #tpu.memory_space<vmem>> -> memref<384x32xf32, #tpu.memory_space<vmem>>
      %dma_start3A_392 = arith.constant 0 : i32
      %dma_start3A_393 = tpu.memref_slice %arg8[%select_n3A_385, %dma_start3A_387, %dma_start3A_392] : memref<2x1x384xi32, #tpu.memory_space<vmem>> -> memref<1x1x384xi32, #tpu.memory_space<vmem>>
      %dma_start3A_394 = tpu.memref_squeeze %dma_start3A_393 : memref<1x1x384xi32, #tpu.memory_space<vmem>> -> memref<384xi32, #tpu.memory_space<vmem>>
      %dma_start3A_395 = arith.constant 0 : i32
      %dma_start3A_396 = arith.constant 0 : i32
      %dma_start3A_397 = tpu.memref_slice %arg10[%dma_start3A_395, %dma_start3A_396] : memref<51200x32xf32, #tpu.memory_space<vmem_shared>> -> memref<51200x32xf32, #tpu.memory_space<vmem_shared>>
      tpu.enqueue_indirect_dma source(%dma_start3A_391 : memref<384x32xf32, #tpu.memory_space<vmem>>) target(%dma_start3A_397 : memref<51200x32xf32, #tpu.memory_space<vmem_shared>>) offsets(%dma_start3A_394 : memref<384xi32, #tpu.memory_space<vmem>>) semaphore(%arg13 : memref<!tpu.dma_semaphore, #tpu.memory_space<semaphore_mem>>) {add = true}
      %add3A_398 = arith.constant 1 : i32
      %add3A_399 = arith.addi %scan3A_254, %add3A_398 : i32
      %add3A_400 = arith.addi %mul3A_2, %add3A_399 : i32
      %mul3A_401 = arith.constant 1 : i32
      %mul3A_402 = arith.muli %add3A_400, %mul3A_401 : i32
      %jit3A_403 = arith.constant 2 : i32
      %eq3A_404 = arith.constant 0 : i32
      %eq3A_405 = arith.cmpi eq, %jit3A_403, %eq3A_404 : i32
      %jit3A_406 = arith.constant 1 : i32
      %select_n3A_407 = arith.select %eq3A_405, %jit3A_406, %jit3A_403 : i32
      %rem3A_408 = arith.remsi %add3A_399, %select_n3A_407 : i32
      %ne3A_409 = arith.constant 0 : i32
      %ne3A_410 = arith.cmpi ne, %rem3A_408, %ne3A_409 : i32
      %lt3A_411 = arith.constant 0 : i32
      %lt3A_412 = arith.cmpi slt, %rem3A_408, %lt3A_411 : i32
      %lt3A_413 = arith.constant 0 : i32
      %lt3A_414 = arith.cmpi slt, %select_n3A_407, %lt3A_413 : i32
      %ne3A_415 = arith.xori %lt3A_412, %lt3A_414 : i1
      %and3A_416 = arith.andi %ne3A_415, %ne3A_410 : i1
      %add3A_417 = arith.addi %rem3A_408, %select_n3A_407 : i32
      %select_n3A_418 = arith.select %and3A_416, %add3A_417, %rem3A_408 : i32
      %jit3A_419 = arith.constant 2 : i32
      %eq3A_420 = arith.constant 0 : i32
      %eq3A_421 = arith.cmpi eq, %jit3A_419, %eq3A_420 : i32
      %jit3A_422 = arith.constant 1 : i32
      %select_n3A_423 = arith.select %eq3A_421, %jit3A_422, %jit3A_419 : i32
      %rem3A_424 = arith.remsi %add3A_399, %select_n3A_423 : i32
      %ne3A_425 = arith.constant 0 : i32
      %ne3A_426 = arith.cmpi ne, %rem3A_424, %ne3A_425 : i32
      %lt3A_427 = arith.constant 0 : i32
      %lt3A_428 = arith.cmpi slt, %rem3A_424, %lt3A_427 : i32
      %lt3A_429 = arith.constant 0 : i32
      %lt3A_430 = arith.cmpi slt, %select_n3A_423, %lt3A_429 : i32
      %ne3A_431 = arith.xori %lt3A_428, %lt3A_430 : i1
      %and3A_432 = arith.andi %ne3A_431, %ne3A_426 : i1
      %add3A_433 = arith.addi %rem3A_424, %select_n3A_423 : i32
      %select_n3A_434 = arith.select %and3A_432, %add3A_433, %rem3A_424 : i32
      %dma_wait3A_435 = arith.constant 0 : i32
      %dma_wait3A_436 = arith.constant 0 : i32
      %dma_wait3A_437 = tpu.memref_slice %arg7[%select_n3A_418, %dma_wait3A_435, %dma_wait3A_436] : memref<2x1x384xi32, #tpu.memory_space<vmem>> -> memref<1x1x384xi32, #tpu.memory_space<vmem>>
      %dma_wait3A_438 = tpu.memref_squeeze %dma_wait3A_437 : memref<1x1x384xi32, #tpu.memory_space<vmem>> -> memref<1x384xi32, #tpu.memory_space<vmem>>
      %dma_wait3A_439 = arith.constant 0 : i32
      %dma_wait3A_440 = tpu.memref_slice %arg3[%mul3A_402, %dma_wait3A_439] : memref<2112x384xi32, #tpu.memory_space<hbm>> -> memref<1x384xi32, #tpu.memory_space<hbm>>
      %dma_wait3A_441 = arith.constant 0 : i32
      %dma_wait3A_442 = arith.constant 0 : i32
      %dma_wait3A_443 = tpu.memref_slice %arg7[%select_n3A_418, %dma_wait3A_441, %dma_wait3A_442] : memref<2x1x384xi32, #tpu.memory_space<vmem>> -> memref<1x1x384xi32, #tpu.memory_space<vmem>>
      %dma_wait3A_444 = tpu.memref_squeeze %dma_wait3A_443 : memref<1x1x384xi32, #tpu.memory_space<vmem>> -> memref<1x384xi32, #tpu.memory_space<vmem>>
      %dma_wait3A_445 = arith.constant 0 : i32
      %dma_wait3A_446 = tpu.memref_slice %arg3[%mul3A_402, %dma_wait3A_445] : memref<2112x384xi32, #tpu.memory_space<hbm>> -> memref<1x384xi32, #tpu.memory_space<hbm>>
      tpu.wait_dma2 semaphore(%arg11 : memref<!tpu.dma_semaphore, #tpu.memory_space<semaphore_mem>>) src(%dma_wait3A_446 : memref<1x384xi32, #tpu.memory_space<hbm>>) dst(%dma_wait3A_444 : memref<1x384xi32, #tpu.memory_space<vmem>>)
      %dma_wait3A_447 = arith.constant 0 : i32
      %dma_wait3A_448 = arith.constant 0 : i32
      %dma_wait3A_449 = tpu.memref_slice %arg8[%select_n3A_434, %dma_wait3A_447, %dma_wait3A_448] : memref<2x1x384xi32, #tpu.memory_space<vmem>> -> memref<1x1x384xi32, #tpu.memory_space<vmem>>
      %dma_wait3A_450 = tpu.memref_squeeze %dma_wait3A_449 : memref<1x1x384xi32, #tpu.memory_space<vmem>> -> memref<1x384xi32, #tpu.memory_space<vmem>>
      %dma_wait3A_451 = arith.constant 0 : i32
      %dma_wait3A_452 = tpu.memref_slice %arg4[%mul3A_402, %dma_wait3A_451] : memref<2112x384xi32, #tpu.memory_space<hbm>> -> memref<1x384xi32, #tpu.memory_space<hbm>>
      %dma_wait3A_453 = arith.constant 0 : i32
      %dma_wait3A_454 = arith.constant 0 : i32
      %dma_wait3A_455 = tpu.memref_slice %arg8[%select_n3A_434, %dma_wait3A_453, %dma_wait3A_454] : memref<2x1x384xi32, #tpu.memory_space<vmem>> -> memref<1x1x384xi32, #tpu.memory_space<vmem>>
      %dma_wait3A_456 = tpu.memref_squeeze %dma_wait3A_455 : memref<1x1x384xi32, #tpu.memory_space<vmem>> -> memref<1x384xi32, #tpu.memory_space<vmem>>
      %dma_wait3A_457 = arith.constant 0 : i32
      %dma_wait3A_458 = tpu.memref_slice %arg4[%mul3A_402, %dma_wait3A_457] : memref<2112x384xi32, #tpu.memory_space<hbm>> -> memref<1x384xi32, #tpu.memory_space<hbm>>
      tpu.wait_dma2 semaphore(%arg11 : memref<!tpu.dma_semaphore, #tpu.memory_space<semaphore_mem>>) src(%dma_wait3A_458 : memref<1x384xi32, #tpu.memory_space<hbm>>) dst(%dma_wait3A_456 : memref<1x384xi32, #tpu.memory_space<vmem>>)
      %add3A_459 = arith.constant 1 : i32
      %add3A_460 = arith.addi %scan3A_254, %add3A_459 : i32
      %jit3A_461 = arith.constant 2 : i32
      %eq3A_462 = arith.constant 0 : i32
      %eq3A_463 = arith.cmpi eq, %jit3A_461, %eq3A_462 : i32
      %jit3A_464 = arith.constant 1 : i32
      %select_n3A_465 = arith.select %eq3A_463, %jit3A_464, %jit3A_461 : i32
      %rem3A_466 = arith.remsi %add3A_460, %select_n3A_465 : i32
      %ne3A_467 = arith.constant 0 : i32
      %ne3A_468 = arith.cmpi ne, %rem3A_466, %ne3A_467 : i32
      %lt3A_469 = arith.constant 0 : i32
      %lt3A_470 = arith.cmpi slt, %rem3A_466, %lt3A_469 : i32
      %lt3A_471 = arith.constant 0 : i32
      %lt3A_472 = arith.cmpi slt, %select_n3A_465, %lt3A_471 : i32
      %ne3A_473 = arith.xori %lt3A_470, %lt3A_472 : i1
      %and3A_474 = arith.andi %ne3A_473, %ne3A_468 : i1
      %add3A_475 = arith.addi %rem3A_466, %select_n3A_465 : i32
      %select_n3A_476 = arith.select %and3A_474, %add3A_475, %rem3A_466 : i32
      %dma_start3A_477 = arith.constant 0 : i32
      %dma_start3A_478 = arith.constant 0 : i32
      %dma_start3A_479 = arith.constant 0 : i32
      %dma_start3A_480 = arith.constant 0 : i32
      %dma_start3A_481 = tpu.memref_slice %arg9[%select_n3A_476, %dma_start3A_478, %dma_start3A_479, %dma_start3A_480] : memref<2x1x384x32xf32, #tpu.memory_space<vmem>> -> memref<1x1x384x32xf32, #tpu.memory_space<vmem>>
      %dma_start3A_482 = tpu.memref_squeeze %dma_start3A_481 : memref<1x1x384x32xf32, #tpu.memory_space<vmem>> -> memref<384x32xf32, #tpu.memory_space<vmem>>
      %dma_start3A_483 = arith.constant 0 : i32
      %dma_start3A_484 = tpu.memref_slice %arg7[%select_n3A_476, %dma_start3A_477, %dma_start3A_483] : memref<2x1x384xi32, #tpu.memory_space<vmem>> -> memref<1x1x384xi32, #tpu.memory_space<vmem>>
      %dma_start3A_485 = tpu.memref_squeeze %dma_start3A_484 : memref<1x1x384xi32, #tpu.memory_space<vmem>> -> memref<384xi32, #tpu.memory_space<vmem>>
      %dma_start3A_486 = arith.constant 0 : i32
      %dma_start3A_487 = arith.constant 0 : i32
      %dma_start3A_488 = tpu.memref_slice %arg2[%arg0, %dma_start3A_486, %dma_start3A_487] : memref<2x51200x32xf32, #tpu.memory_space<hbm>> -> memref<1x51200x32xf32, #tpu.memory_space<hbm>>
      %dma_start3A_489 = tpu.memref_squeeze %dma_start3A_488 : memref<1x51200x32xf32, #tpu.memory_space<hbm>> -> memref<51200x32xf32, #tpu.memory_space<hbm>>
      %dma_start3A_490 = arith.constant 0 : i32
      %dma_start3A_491 = arith.constant 0 : i32
      %dma_start3A_492 = tpu.memref_slice %dma_start3A_489[%dma_start3A_490, %dma_start3A_491] : memref<51200x32xf32, #tpu.memory_space<hbm>> -> memref<51200x32xf32, #tpu.memory_space<hbm>>
      tpu.enqueue_indirect_dma source(%dma_start3A_492 : memref<51200x32xf32, #tpu.memory_space<hbm>>) target(%dma_start3A_482 : memref<384x32xf32, #tpu.memory_space<vmem>>) offsets(%dma_start3A_485 : memref<384xi32, #tpu.memory_space<vmem>>) semaphore(%arg12 : memref<!tpu.dma_semaphore, #tpu.memory_space<semaphore_mem>>)
    }
    %scan3A_192 = arith.constant 130 : i32
    %dma_wait3A_193 = arith.constant 1 : i32
    %dma_wait3A_194 = arith.constant 0 : i32
    %dma_wait3A_195 = arith.constant 1 : i32
    %dma_wait3A_196 = arith.constant 0 : i32
    %dma_wait3A_197 = arith.constant 0 : i32
    %dma_wait3A_198 = arith.constant 0 : i32
    %dma_wait3A_199 = tpu.memref_slice %arg9[%dma_wait3A_195, %dma_wait3A_196, %dma_wait3A_197, %dma_wait3A_198] : memref<2x1x384x32xf32, #tpu.memory_space<vmem>> -> memref<1x1x384x32xf32, #tpu.memory_space<vmem>>
    %dma_wait3A_200 = tpu.memref_squeeze %dma_wait3A_199 : memref<1x1x384x32xf32, #tpu.memory_space<vmem>> -> memref<384x32xf32, #tpu.memory_space<vmem>>
    %dma_wait3A_201 = arith.constant 0 : i32
    %dma_wait3A_202 = tpu.memref_slice %arg7[%dma_wait3A_193, %dma_wait3A_194, %dma_wait3A_201] : memref<2x1x384xi32, #tpu.memory_space<vmem>> -> memref<1x1x384xi32, #tpu.memory_space<vmem>>
    %dma_wait3A_203 = tpu.memref_squeeze %dma_wait3A_202 : memref<1x1x384xi32, #tpu.memory_space<vmem>> -> memref<384xi32, #tpu.memory_space<vmem>>
    %dma_wait3A_204 = arith.constant 0 : i32
    %dma_wait3A_205 = arith.constant 0 : i32
    %dma_wait3A_206 = tpu.memref_slice %arg2[%arg0, %dma_wait3A_204, %dma_wait3A_205] : memref<2x51200x32xf32, #tpu.memory_space<hbm>> -> memref<1x51200x32xf32, #tpu.memory_space<hbm>>
    %dma_wait3A_207 = tpu.memref_squeeze %dma_wait3A_206 : memref<1x51200x32xf32, #tpu.memory_space<hbm>> -> memref<51200x32xf32, #tpu.memory_space<hbm>>
    %dma_wait3A_208 = arith.constant 0 : i32
    %dma_wait3A_209 = arith.constant 0 : i32
    %dma_wait3A_210 = tpu.memref_slice %dma_wait3A_207[%dma_wait3A_208, %dma_wait3A_209] : memref<51200x32xf32, #tpu.memory_space<hbm>> -> memref<51200x32xf32, #tpu.memory_space<hbm>>
    tpu.wait_indirect_dma semaphore(%arg12 : memref<!tpu.dma_semaphore, #tpu.memory_space<semaphore_mem>>) src(%dma_wait3A_210 : memref<51200x32xf32, #tpu.memory_space<hbm>>) dst(%dma_wait3A_200 : memref<384x32xf32, #tpu.memory_space<vmem>>)
    %dma_wait3A_211 = arith.constant 0 : i32
    %dma_wait3A_212 = arith.constant 0 : i32
    %dma_wait3A_213 = arith.constant 0 : i32
    %dma_wait3A_214 = arith.constant 0 : i32
    %dma_wait3A_215 = arith.constant 0 : i32
    %dma_wait3A_216 = arith.constant 0 : i32
    %dma_wait3A_217 = tpu.memref_slice %arg9[%dma_wait3A_211, %dma_wait3A_212, %dma_wait3A_215, %dma_wait3A_216] : memref<2x1x384x32xf32, #tpu.memory_space<vmem>> -> memref<1x1x384x32xf32, #tpu.memory_space<vmem>>
    %dma_wait3A_218 = tpu.memref_squeeze %dma_wait3A_217 : memref<1x1x384x32xf32, #tpu.memory_space<vmem>> -> memref<384x32xf32, #tpu.memory_space<vmem>>
    %dma_wait3A_219 = arith.constant 0 : i32
    %dma_wait3A_220 = tpu.memref_slice %arg8[%dma_wait3A_213, %dma_wait3A_214, %dma_wait3A_219] : memref<2x1x384xi32, #tpu.memory_space<vmem>> -> memref<1x1x384xi32, #tpu.memory_space<vmem>>
    %dma_wait3A_221 = tpu.memref_squeeze %dma_wait3A_220 : memref<1x1x384xi32, #tpu.memory_space<vmem>> -> memref<384xi32, #tpu.memory_space<vmem>>
    %dma_wait3A_222 = arith.constant 0 : i32
    %dma_wait3A_223 = arith.constant 0 : i32
    %dma_wait3A_224 = tpu.memref_slice %arg10[%dma_wait3A_222, %dma_wait3A_223] : memref<51200x32xf32, #tpu.memory_space<vmem_shared>> -> memref<51200x32xf32, #tpu.memory_space<vmem_shared>>
    tpu.wait_indirect_dma semaphore(%arg13 : memref<!tpu.dma_semaphore, #tpu.memory_space<semaphore_mem>>) src(%dma_wait3A_218 : memref<384x32xf32, #tpu.memory_space<vmem>>) dst(%dma_wait3A_224 : memref<51200x32xf32, #tpu.memory_space<vmem_shared>>)
    %dma_start3A_225 = arith.constant 1 : i32
    %dma_start3A_226 = arith.constant 0 : i32
    %dma_start3A_227 = arith.constant 1 : i32
    %dma_start3A_228 = arith.constant 0 : i32
    %dma_start3A_229 = arith.constant 0 : i32
    %dma_start3A_230 = arith.constant 0 : i32
    %dma_start3A_231 = tpu.memref_slice %arg9[%dma_start3A_225, %dma_start3A_226, %dma_start3A_229, %dma_start3A_230] : memref<2x1x384x32xf32, #tpu.memory_space<vmem>> -> memref<1x1x384x32xf32, #tpu.memory_space<vmem>>
    %dma_start3A_232 = tpu.memref_squeeze %dma_start3A_231 : memref<1x1x384x32xf32, #tpu.memory_space<vmem>> -> memref<384x32xf32, #tpu.memory_space<vmem>>
    %dma_start3A_233 = arith.constant 0 : i32
    %dma_start3A_234 = tpu.memref_slice %arg8[%dma_start3A_227, %dma_start3A_228, %dma_start3A_233] : memref<2x1x384xi32, #tpu.memory_space<vmem>> -> memref<1x1x384xi32, #tpu.memory_space<vmem>>
    %dma_start3A_235 = tpu.memref_squeeze %dma_start3A_234 : memref<1x1x384xi32, #tpu.memory_space<vmem>> -> memref<384xi32, #tpu.memory_space<vmem>>
    %dma_start3A_236 = arith.constant 0 : i32
    %dma_start3A_237 = arith.constant 0 : i32
    %dma_start3A_238 = tpu.memref_slice %arg10[%dma_start3A_236, %dma_start3A_237] : memref<51200x32xf32, #tpu.memory_space<vmem_shared>> -> memref<51200x32xf32, #tpu.memory_space<vmem_shared>>
    tpu.enqueue_indirect_dma source(%dma_start3A_232 : memref<384x32xf32, #tpu.memory_space<vmem>>) target(%dma_start3A_238 : memref<51200x32xf32, #tpu.memory_space<vmem_shared>>) offsets(%dma_start3A_235 : memref<384xi32, #tpu.memory_space<vmem>>) semaphore(%arg13 : memref<!tpu.dma_semaphore, #tpu.memory_space<semaphore_mem>>) {add = true}
    %dma_wait3A_239 = arith.constant 1 : i32
    %dma_wait3A_240 = arith.constant 0 : i32
    %dma_wait3A_241 = arith.constant 1 : i32
    %dma_wait3A_242 = arith.constant 0 : i32
    %dma_wait3A_243 = arith.constant 0 : i32
    %dma_wait3A_244 = arith.constant 0 : i32
    %dma_wait3A_245 = tpu.memref_slice %arg9[%dma_wait3A_239, %dma_wait3A_240, %dma_wait3A_243, %dma_wait3A_244] : memref<2x1x384x32xf32, #tpu.memory_space<vmem>> -> memref<1x1x384x32xf32, #tpu.memory_space<vmem>>
    %dma_wait3A_246 = tpu.memref_squeeze %dma_wait3A_245 : memref<1x1x384x32xf32, #tpu.memory_space<vmem>> -> memref<384x32xf32, #tpu.memory_space<vmem>>
    %dma_wait3A_247 = arith.constant 0 : i32
    %dma_wait3A_248 = tpu.memref_slice %arg8[%dma_wait3A_241, %dma_wait3A_242, %dma_wait3A_247] : memref<2x1x384xi32, #tpu.memory_space<vmem>> -> memref<1x1x384xi32, #tpu.memory_space<vmem>>
    %dma_wait3A_249 = tpu.memref_squeeze %dma_wait3A_248 : memref<1x1x384xi32, #tpu.memory_space<vmem>> -> memref<384xi32, #tpu.memory_space<vmem>>
    %dma_wait3A_250 = arith.constant 0 : i32
    %dma_wait3A_251 = arith.constant 0 : i32
    %dma_wait3A_252 = tpu.memref_slice %arg10[%dma_wait3A_250, %dma_wait3A_251] : memref<51200x32xf32, #tpu.memory_space<vmem_shared>> -> memref<51200x32xf32, #tpu.memory_space<vmem_shared>>
    tpu.wait_indirect_dma semaphore(%arg13 : memref<!tpu.dma_semaphore, #tpu.memory_space<semaphore_mem>>) src(%dma_wait3A_246 : memref<384x32xf32, #tpu.memory_space<vmem>>) dst(%dma_wait3A_252 : memref<51200x32xf32, #tpu.memory_space<vmem_shared>>)
    %barrier3A_253 = arith.constant 0 : index
    tpu.barrier barrier_id(%barrier3A_253)
    "tpu.region"() ({
      %run_scoped3A = tpu.sem_alloc : memref<!tpu.dma_semaphore, #tpu.memory_space<semaphore_mem>>
      %dma_start3A_254 = arith.constant 0 : i32
      %dma_start3A_255 = arith.constant 0 : i32
      %dma_start3A_256 = tpu.memref_slice %arg6[%arg0, %dma_start3A_254, %dma_start3A_255] : memref<2x51200x32xf32, #tpu.memory_space<hbm>> -> memref<1x51200x32xf32, #tpu.memory_space<hbm>>
      %dma_start3A_257 = tpu.memref_squeeze %dma_start3A_256 : memref<1x51200x32xf32, #tpu.memory_space<hbm>> -> memref<51200x32xf32, #tpu.memory_space<hbm>>
      %dma_start3A_258 = arith.constant 0 : i32
      %dma_start3A_259 = tpu.memref_slice %dma_start3A_257[%mul3A_0, %dma_start3A_258] : memref<51200x32xf32, #tpu.memory_space<hbm>> -> memref<3200x32xf32, #tpu.memory_space<hbm>>
      %dma_start3A_260 = arith.constant 0 : i32
      %dma_start3A_261 = tpu.memref_slice %arg10[%mul3A_0, %dma_start3A_260] : memref<51200x32xf32, #tpu.memory_space<vmem_shared>> -> memref<3200x32xf32, #tpu.memory_space<vmem_shared>>
      tpu.enqueue_dma source(%dma_start3A_261 : memref<3200x32xf32, #tpu.memory_space<vmem_shared>>) target(%dma_start3A_259 : memref<3200x32xf32, #tpu.memory_space<hbm>>) target_semaphore(%run_scoped3A : memref<!tpu.dma_semaphore, #tpu.memory_space<semaphore_mem>>)
      %dma_wait3A_262 = arith.constant 0 : i32
      %dma_wait3A_263 = arith.constant 0 : i32
      %dma_wait3A_264 = tpu.memref_slice %arg6[%arg0, %dma_wait3A_262, %dma_wait3A_263] : memref<2x51200x32xf32, #tpu.memory_space<hbm>> -> memref<1x51200x32xf32, #tpu.memory_space<hbm>>
      %dma_wait3A_265 = tpu.memref_squeeze %dma_wait3A_264 : memref<1x51200x32xf32, #tpu.memory_space<hbm>> -> memref<51200x32xf32, #tpu.memory_space<hbm>>
      %dma_wait3A_266 = arith.constant 0 : i32
      %dma_wait3A_267 = tpu.memref_slice %dma_wait3A_265[%mul3A_0, %dma_wait3A_266] : memref<51200x32xf32, #tpu.memory_space<hbm>> -> memref<3200x32xf32, #tpu.memory_space<hbm>>
      %dma_wait3A_268 = arith.constant 0 : i32
      %dma_wait3A_269 = tpu.memref_slice %arg10[%mul3A_0, %dma_wait3A_268] : memref<51200x32xf32, #tpu.memory_space<vmem_shared>> -> memref<3200x32xf32, #tpu.memory_space<vmem_shared>>
      tpu.wait_dma2 semaphore(%run_scoped3A : memref<!tpu.dma_semaphore, #tpu.memory_space<semaphore_mem>>) src(%dma_wait3A_269 : memref<3200x32xf32, #tpu.memory_space<vmem_shared>>) dst(%dma_wait3A_267 : memref<3200x32xf32, #tpu.memory_space<hbm>>)
      tpu.yield
    }) : () -> ()
    return
  }
}

module attributes {stable_mosaic.version = 14 : i64} {
  func.func @_tc_layer1(%arg0: i32, %arg1: memref<2x400x128xf32, #tpu.memory_space<vmem>>, %arg2: memref<400x128xf32, #tpu.memory_space<vmem>>, %arg3: memref<16x64xf32, #tpu.memory_space<vmem>>, %arg4: memref<16x64xf32, #tpu.memory_space<vmem>>, %arg5: memref<1x64xf32, #tpu.memory_space<vmem>>, %arg6: memref<2x400x256xf32, #tpu.memory_space<vmem>>) attributes {dimension_semantics = [#tpu.dimension_semantics<arbitrary>], iteration_bounds = array<i64: 16>, scalar_prefetch = 0 : i64, scratch_operands = 0 : i64, tpu.core_type = #tpu.core_type<tc>, window_params = [{transform_indices = @transform_0, window_bounds = array<i64: 2, 400, 128>}, {transform_indices = @transform_1, window_bounds = array<i64: 400, 128>}, {pipeline_mode = #tpu.pipeline_mode<synchronous>, transform_indices = @transform_2, window_bounds = array<i64: 16, 64>}, {pipeline_mode = #tpu.pipeline_mode<synchronous>, transform_indices = @transform_3, window_bounds = array<i64: 16, 64>}, {pipeline_mode = #tpu.pipeline_mode<synchronous>, transform_indices = @transform_4, window_bounds = array<i64: 1, 64>}, {transform_indices = @transform_5, window_bounds = array<i64: 2, 400, 256>}]} {
    %get3A = arith.constant 0 : index
    %get3A_0 = arith.constant 0 : index
    %get3A_1 = arith.constant 0 : index
    %get3A_2 = vector.load %arg1[%get3A, %get3A_0, %get3A_1] : memref<2x400x128xf32, #tpu.memory_space<vmem>>, vector<1x400x128xf32>
    %get3A_3 = vector.shape_cast %get3A_2 : vector<1x400x128xf32> to vector<400x128xf32>
    %get3A_4 = arith.constant 1 : index
    %get3A_5 = arith.constant 0 : index
    %get3A_6 = arith.constant 0 : index
    %get3A_7 = vector.load %arg1[%get3A_4, %get3A_5, %get3A_6] : memref<2x400x128xf32, #tpu.memory_space<vmem>>, vector<1x400x128xf32>
    %get3A_8 = vector.shape_cast %get3A_7 : vector<1x400x128xf32> to vector<400x128xf32>
    %add3A = arith.addf %get3A_3, %get3A_8 : vector<400x128xf32>
    %get3A_9 = arith.constant 0 : index
    %get3A_10 = arith.constant 0 : index
    %get3A_11 = vector.load %arg2[%get3A_9, %get3A_10] : memref<400x128xf32, #tpu.memory_space<vmem>>, vector<400x128xf32>
    %slice3A = vector.extract_strided_slice %add3A {offsets = [0, 0], sizes = [400, 16], strides = [1, 1]} : vector<400x128xf32> to vector<400x16xf32>
    %slice3A_12 = vector.extract_strided_slice %get3A_11 {offsets = [0, 0], sizes = [400, 16], strides = [1, 1]} : vector<400x128xf32> to vector<400x16xf32>
    %get3A_13 = arith.constant 0 : index
    %get3A_14 = arith.constant 0 : index
    %get3A_15 = vector.load %arg3[%get3A_13, %get3A_14] : memref<16x64xf32, #tpu.memory_space<vmem>>, vector<16x64xf32>
    %dot_general3A = arith.constant dense<0.000000e+00> : vector<400x64xf32>
    %dot_general3A_16 = tpu.matmul %slice3A, %get3A_15, %dot_general3A {dimension_numbers = #tpu.dot_dimension_numbers<[1], [0], [0], [1], [0, 0, 1, 1], [], []>, transpose_lhs_hint = false} : vector<400x16xf32>, vector<16x64xf32>, vector<400x64xf32> -> vector<400x64xf32>
    %get3A_17 = arith.constant 0 : index
    %get3A_18 = arith.constant 0 : index
    %get3A_19 = vector.load %arg4[%get3A_17, %get3A_18] : memref<16x64xf32, #tpu.memory_space<vmem>>, vector<16x64xf32>
    %dot_general3A_20 = arith.constant dense<0.000000e+00> : vector<400x64xf32>
    %dot_general3A_21 = tpu.matmul %slice3A_12, %get3A_19, %dot_general3A_20 {dimension_numbers = #tpu.dot_dimension_numbers<[1], [0], [0], [1], [0, 0, 1, 1], [], []>, transpose_lhs_hint = false} : vector<400x16xf32>, vector<16x64xf32>, vector<400x64xf32> -> vector<400x64xf32>
    %add3A_22 = arith.addf %dot_general3A_16, %dot_general3A_21 : vector<400x64xf32>
    %get3A_23 = arith.constant 0 : index
    %get3A_24 = arith.constant 0 : index
    %get3A_25 = vector.load %arg5[%get3A_23, %get3A_24] : memref<1x64xf32, #tpu.memory_space<vmem>>, vector<1x64xf32>
    %add3A_26 = vector.broadcast %get3A_25 : vector<1x64xf32> to vector<400x64xf32>
    %add3A_27 = arith.addf %add3A_22, %add3A_26 : vector<400x64xf32>
    %max3A = arith.constant 0.000000e+00 : f32
    %max3A_28 = vector.broadcast %max3A : f32 to vector<400x64xf32>
    %max3A_29 = arith.maximumf %add3A_27, %max3A_28 : vector<400x64xf32>
    %slice3A_30 = vector.extract_strided_slice %max3A_29 {offsets = [0, 0], sizes = [400, 32], strides = [1, 1]} : vector<400x64xf32> to vector<400x32xf32>
    %swap3A = arith.constant 0 : index
    %swap3A_31 = arith.constant 0 : index
    %swap3A_32 = arith.constant 0 : index
    %swap3A_33 = vector.load %arg6[%swap3A, %swap3A_31, %swap3A_32] : memref<2x400x256xf32, #tpu.memory_space<vmem>>, vector<1x400x32xf32>
    %swap3A_34 = vector.shape_cast %swap3A_33 : vector<1x400x32xf32> to vector<400x32xf32>
    %swap3A_35 = vector.shape_cast %slice3A_30 : vector<400x32xf32> to vector<1x400x32xf32>
    tpu.vector_store %arg6[%swap3A, %swap3A_31, %swap3A_32], %swap3A_35 {strides = array<i32>} : memref<2x400x256xf32, #tpu.memory_space<vmem>>, vector<1x400x32xf32>,
    %slice3A_36 = vector.extract_strided_slice %max3A_29 {offsets = [0, 32], sizes = [400, 32], strides = [1, 1]} : vector<400x64xf32> to vector<400x32xf32>
    %swap3A_37 = arith.constant 1 : index
    %swap3A_38 = arith.constant 0 : index
    %swap3A_39 = arith.constant 0 : index
    %swap3A_40 = vector.load %arg6[%swap3A_37, %swap3A_38, %swap3A_39] : memref<2x400x256xf32, #tpu.memory_space<vmem>>, vector<1x400x32xf32>
    %swap3A_41 = vector.shape_cast %swap3A_40 : vector<1x400x32xf32> to vector<400x32xf32>
    %swap3A_42 = vector.shape_cast %slice3A_36 : vector<400x32xf32> to vector<1x400x32xf32>
    tpu.vector_store %arg6[%swap3A_37, %swap3A_38, %swap3A_39], %swap3A_42 {strides = array<i32>} : memref<2x400x256xf32, #tpu.memory_space<vmem>>, vector<1x400x32xf32>,
    %slice3A_43 = vector.extract_strided_slice %add3A {offsets = [0, 16], sizes = [400, 16], strides = [1, 1]} : vector<400x128xf32> to vector<400x16xf32>
    %slice3A_44 = vector.extract_strided_slice %get3A_11 {offsets = [0, 16], sizes = [400, 16], strides = [1, 1]} : vector<400x128xf32> to vector<400x16xf32>
    %get3A_45 = arith.constant 0 : index
    %get3A_46 = arith.constant 0 : index
    %get3A_47 = vector.load %arg3[%get3A_45, %get3A_46] : memref<16x64xf32, #tpu.memory_space<vmem>>, vector<16x64xf32>
    %dot_general3A_48 = arith.constant dense<0.000000e+00> : vector<400x64xf32>
    %dot_general3A_49 = tpu.matmul %slice3A_43, %get3A_47, %dot_general3A_48 {dimension_numbers = #tpu.dot_dimension_numbers<[1], [0], [0], [1], [0, 0, 1, 1], [], []>, transpose_lhs_hint = false} : vector<400x16xf32>, vector<16x64xf32>, vector<400x64xf32> -> vector<400x64xf32>
    %get3A_50 = arith.constant 0 : index
    %get3A_51 = arith.constant 0 : index
    %get3A_52 = vector.load %arg4[%get3A_50, %get3A_51] : memref<16x64xf32, #tpu.memory_space<vmem>>, vector<16x64xf32>
    %dot_general3A_53 = arith.constant dense<0.000000e+00> : vector<400x64xf32>
    %dot_general3A_54 = tpu.matmul %slice3A_44, %get3A_52, %dot_general3A_53 {dimension_numbers = #tpu.dot_dimension_numbers<[1], [0], [0], [1], [0, 0, 1, 1], [], []>, transpose_lhs_hint = false} : vector<400x16xf32>, vector<16x64xf32>, vector<400x64xf32> -> vector<400x64xf32>
    %add3A_55 = arith.addf %dot_general3A_49, %dot_general3A_54 : vector<400x64xf32>
    %get3A_56 = arith.constant 0 : index
    %get3A_57 = arith.constant 0 : index
    %get3A_58 = vector.load %arg5[%get3A_56, %get3A_57] : memref<1x64xf32, #tpu.memory_space<vmem>>, vector<1x64xf32>
    %add3A_59 = vector.broadcast %get3A_58 : vector<1x64xf32> to vector<400x64xf32>
    %add3A_60 = arith.addf %add3A_55, %add3A_59 : vector<400x64xf32>
    %max3A_61 = arith.constant 0.000000e+00 : f32
    %max3A_62 = vector.broadcast %max3A_61 : f32 to vector<400x64xf32>
    %max3A_63 = arith.maximumf %add3A_60, %max3A_62 : vector<400x64xf32>
    %slice3A_64 = vector.extract_strided_slice %max3A_63 {offsets = [0, 0], sizes = [400, 32], strides = [1, 1]} : vector<400x64xf32> to vector<400x32xf32>
    %swap3A_65 = arith.constant 0 : index
    %swap3A_66 = arith.constant 0 : index
    %swap3A_67 = arith.constant 32 : index
    %swap3A_68 = vector.load %arg6[%swap3A_65, %swap3A_66, %swap3A_67] : memref<2x400x256xf32, #tpu.memory_space<vmem>>, vector<1x400x32xf32>
    %swap3A_69 = vector.shape_cast %swap3A_68 : vector<1x400x32xf32> to vector<400x32xf32>
    %swap3A_70 = vector.shape_cast %slice3A_64 : vector<400x32xf32> to vector<1x400x32xf32>
    tpu.vector_store %arg6[%swap3A_65, %swap3A_66, %swap3A_67], %swap3A_70 {strides = array<i32>} : memref<2x400x256xf32, #tpu.memory_space<vmem>>, vector<1x400x32xf32>,
    %slice3A_71 = vector.extract_strided_slice %max3A_63 {offsets = [0, 32], sizes = [400, 32], strides = [1, 1]} : vector<400x64xf32> to vector<400x32xf32>
    %swap3A_72 = arith.constant 1 : index
    %swap3A_73 = arith.constant 0 : index
    %swap3A_74 = arith.constant 32 : index
    %swap3A_75 = vector.load %arg6[%swap3A_72, %swap3A_73, %swap3A_74] : memref<2x400x256xf32, #tpu.memory_space<vmem>>, vector<1x400x32xf32>
    %swap3A_76 = vector.shape_cast %swap3A_75 : vector<1x400x32xf32> to vector<400x32xf32>
    %swap3A_77 = vector.shape_cast %slice3A_71 : vector<400x32xf32> to vector<1x400x32xf32>
    tpu.vector_store %arg6[%swap3A_72, %swap3A_73, %swap3A_74], %swap3A_77 {strides = array<i32>} : memref<2x400x256xf32, #tpu.memory_space<vmem>>, vector<1x400x32xf32>,
    %slice3A_78 = vector.extract_strided_slice %add3A {offsets = [0, 32], sizes = [400, 16], strides = [1, 1]} : vector<400x128xf32> to vector<400x16xf32>
    %slice3A_79 = vector.extract_strided_slice %get3A_11 {offsets = [0, 32], sizes = [400, 16], strides = [1, 1]} : vector<400x128xf32> to vector<400x16xf32>
    %get3A_80 = arith.constant 0 : index
    %get3A_81 = arith.constant 0 : index
    %get3A_82 = vector.load %arg3[%get3A_80, %get3A_81] : memref<16x64xf32, #tpu.memory_space<vmem>>, vector<16x64xf32>
    %dot_general3A_83 = arith.constant dense<0.000000e+00> : vector<400x64xf32>
    %dot_general3A_84 = tpu.matmul %slice3A_78, %get3A_82, %dot_general3A_83 {dimension_numbers = #tpu.dot_dimension_numbers<[1], [0], [0], [1], [0, 0, 1, 1], [], []>, transpose_lhs_hint = false} : vector<400x16xf32>, vector<16x64xf32>, vector<400x64xf32> -> vector<400x64xf32>
    %get3A_85 = arith.constant 0 : index
    %get3A_86 = arith.constant 0 : index
    %get3A_87 = vector.load %arg4[%get3A_85, %get3A_86] : memref<16x64xf32, #tpu.memory_space<vmem>>, vector<16x64xf32>
    %dot_general3A_88 = arith.constant dense<0.000000e+00> : vector<400x64xf32>
    %dot_general3A_89 = tpu.matmul %slice3A_79, %get3A_87, %dot_general3A_88 {dimension_numbers = #tpu.dot_dimension_numbers<[1], [0], [0], [1], [0, 0, 1, 1], [], []>, transpose_lhs_hint = false} : vector<400x16xf32>, vector<16x64xf32>, vector<400x64xf32> -> vector<400x64xf32>
    %add3A_90 = arith.addf %dot_general3A_84, %dot_general3A_89 : vector<400x64xf32>
    %get3A_91 = arith.constant 0 : index
    %get3A_92 = arith.constant 0 : index
    %get3A_93 = vector.load %arg5[%get3A_91, %get3A_92] : memref<1x64xf32, #tpu.memory_space<vmem>>, vector<1x64xf32>
    %add3A_94 = vector.broadcast %get3A_93 : vector<1x64xf32> to vector<400x64xf32>
    %add3A_95 = arith.addf %add3A_90, %add3A_94 : vector<400x64xf32>
    %max3A_96 = arith.constant 0.000000e+00 : f32
    %max3A_97 = vector.broadcast %max3A_96 : f32 to vector<400x64xf32>
    %max3A_98 = arith.maximumf %add3A_95, %max3A_97 : vector<400x64xf32>
    %slice3A_99 = vector.extract_strided_slice %max3A_98 {offsets = [0, 0], sizes = [400, 32], strides = [1, 1]} : vector<400x64xf32> to vector<400x32xf32>
    %swap3A_100 = arith.constant 0 : index
    %swap3A_101 = arith.constant 0 : index
    %swap3A_102 = arith.constant 64 : index
    %swap3A_103 = vector.load %arg6[%swap3A_100, %swap3A_101, %swap3A_102] : memref<2x400x256xf32, #tpu.memory_space<vmem>>, vector<1x400x32xf32>
    %swap3A_104 = vector.shape_cast %swap3A_103 : vector<1x400x32xf32> to vector<400x32xf32>
    %swap3A_105 = vector.shape_cast %slice3A_99 : vector<400x32xf32> to vector<1x400x32xf32>
    tpu.vector_store %arg6[%swap3A_100, %swap3A_101, %swap3A_102], %swap3A_105 {strides = array<i32>} : memref<2x400x256xf32, #tpu.memory_space<vmem>>, vector<1x400x32xf32>,
    %slice3A_106 = vector.extract_strided_slice %max3A_98 {offsets = [0, 32], sizes = [400, 32], strides = [1, 1]} : vector<400x64xf32> to vector<400x32xf32>
    %swap3A_107 = arith.constant 1 : index
    %swap3A_108 = arith.constant 0 : index
    %swap3A_109 = arith.constant 64 : index
    %swap3A_110 = vector.load %arg6[%swap3A_107, %swap3A_108, %swap3A_109] : memref<2x400x256xf32, #tpu.memory_space<vmem>>, vector<1x400x32xf32>
    %swap3A_111 = vector.shape_cast %swap3A_110 : vector<1x400x32xf32> to vector<400x32xf32>
    %swap3A_112 = vector.shape_cast %slice3A_106 : vector<400x32xf32> to vector<1x400x32xf32>
    tpu.vector_store %arg6[%swap3A_107, %swap3A_108, %swap3A_109], %swap3A_112 {strides = array<i32>} : memref<2x400x256xf32, #tpu.memory_space<vmem>>, vector<1x400x32xf32>,
    %slice3A_113 = vector.extract_strided_slice %add3A {offsets = [0, 48], sizes = [400, 16], strides = [1, 1]} : vector<400x128xf32> to vector<400x16xf32>
    %slice3A_114 = vector.extract_strided_slice %get3A_11 {offsets = [0, 48], sizes = [400, 16], strides = [1, 1]} : vector<400x128xf32> to vector<400x16xf32>
    %get3A_115 = arith.constant 0 : index
    %get3A_116 = arith.constant 0 : index
    %get3A_117 = vector.load %arg3[%get3A_115, %get3A_116] : memref<16x64xf32, #tpu.memory_space<vmem>>, vector<16x64xf32>
    %dot_general3A_118 = arith.constant dense<0.000000e+00> : vector<400x64xf32>
    %dot_general3A_119 = tpu.matmul %slice3A_113, %get3A_117, %dot_general3A_118 {dimension_numbers = #tpu.dot_dimension_numbers<[1], [0], [0], [1], [0, 0, 1, 1], [], []>, transpose_lhs_hint = false} : vector<400x16xf32>, vector<16x64xf32>, vector<400x64xf32> -> vector<400x64xf32>
    %get3A_120 = arith.constant 0 : index
    %get3A_121 = arith.constant 0 : index
    %get3A_122 = vector.load %arg4[%get3A_120, %get3A_121] : memref<16x64xf32, #tpu.memory_space<vmem>>, vector<16x64xf32>
    %dot_general3A_123 = arith.constant dense<0.000000e+00> : vector<400x64xf32>
    %dot_general3A_124 = tpu.matmul %slice3A_114, %get3A_122, %dot_general3A_123 {dimension_numbers = #tpu.dot_dimension_numbers<[1], [0], [0], [1], [0, 0, 1, 1], [], []>, transpose_lhs_hint = false} : vector<400x16xf32>, vector<16x64xf32>, vector<400x64xf32> -> vector<400x64xf32>
    %add3A_125 = arith.addf %dot_general3A_119, %dot_general3A_124 : vector<400x64xf32>
    %get3A_126 = arith.constant 0 : index
    %get3A_127 = arith.constant 0 : index
    %get3A_128 = vector.load %arg5[%get3A_126, %get3A_127] : memref<1x64xf32, #tpu.memory_space<vmem>>, vector<1x64xf32>
    %add3A_129 = vector.broadcast %get3A_128 : vector<1x64xf32> to vector<400x64xf32>
    %add3A_130 = arith.addf %add3A_125, %add3A_129 : vector<400x64xf32>
    %max3A_131 = arith.constant 0.000000e+00 : f32
    %max3A_132 = vector.broadcast %max3A_131 : f32 to vector<400x64xf32>
    %max3A_133 = arith.maximumf %add3A_130, %max3A_132 : vector<400x64xf32>
    %slice3A_134 = vector.extract_strided_slice %max3A_133 {offsets = [0, 0], sizes = [400, 32], strides = [1, 1]} : vector<400x64xf32> to vector<400x32xf32>
    %swap3A_135 = arith.constant 0 : index
    %swap3A_136 = arith.constant 0 : index
    %swap3A_137 = arith.constant 96 : index
    %swap3A_138 = vector.load %arg6[%swap3A_135, %swap3A_136, %swap3A_137] : memref<2x400x256xf32, #tpu.memory_space<vmem>>, vector<1x400x32xf32>
    %swap3A_139 = vector.shape_cast %swap3A_138 : vector<1x400x32xf32> to vector<400x32xf32>
    %swap3A_140 = vector.shape_cast %slice3A_134 : vector<400x32xf32> to vector<1x400x32xf32>
    tpu.vector_store %arg6[%swap3A_135, %swap3A_136, %swap3A_137], %swap3A_140 {strides = array<i32>} : memref<2x400x256xf32, #tpu.memory_space<vmem>>, vector<1x400x32xf32>,
    %slice3A_141 = vector.extract_strided_slice %max3A_133 {offsets = [0, 32], sizes = [400, 32], strides = [1, 1]} : vector<400x64xf32> to vector<400x32xf32>
    %swap3A_142 = arith.constant 1 : index
    %swap3A_143 = arith.constant 0 : index
    %swap3A_144 = arith.constant 96 : index
    %swap3A_145 = vector.load %arg6[%swap3A_142, %swap3A_143, %swap3A_144] : memref<2x400x256xf32, #tpu.memory_space<vmem>>, vector<1x400x32xf32>
    %swap3A_146 = vector.shape_cast %swap3A_145 : vector<1x400x32xf32> to vector<400x32xf32>
    %swap3A_147 = vector.shape_cast %slice3A_141 : vector<400x32xf32> to vector<1x400x32xf32>
    tpu.vector_store %arg6[%swap3A_142, %swap3A_143, %swap3A_144], %swap3A_147 {strides = array<i32>} : memref<2x400x256xf32, #tpu.memory_space<vmem>>, vector<1x400x32xf32>,
    %slice3A_148 = vector.extract_strided_slice %add3A {offsets = [0, 64], sizes = [400, 16], strides = [1, 1]} : vector<400x128xf32> to vector<400x16xf32>
    %slice3A_149 = vector.extract_strided_slice %get3A_11 {offsets = [0, 64], sizes = [400, 16], strides = [1, 1]} : vector<400x128xf32> to vector<400x16xf32>
    %get3A_150 = arith.constant 0 : index
    %get3A_151 = arith.constant 0 : index
    %get3A_152 = vector.load %arg3[%get3A_150, %get3A_151] : memref<16x64xf32, #tpu.memory_space<vmem>>, vector<16x64xf32>
    %dot_general3A_153 = arith.constant dense<0.000000e+00> : vector<400x64xf32>
    %dot_general3A_154 = tpu.matmul %slice3A_148, %get3A_152, %dot_general3A_153 {dimension_numbers = #tpu.dot_dimension_numbers<[1], [0], [0], [1], [0, 0, 1, 1], [], []>, transpose_lhs_hint = false} : vector<400x16xf32>, vector<16x64xf32>, vector<400x64xf32> -> vector<400x64xf32>
    %get3A_155 = arith.constant 0 : index
    %get3A_156 = arith.constant 0 : index
    %get3A_157 = vector.load %arg4[%get3A_155, %get3A_156] : memref<16x64xf32, #tpu.memory_space<vmem>>, vector<16x64xf32>
    %dot_general3A_158 = arith.constant dense<0.000000e+00> : vector<400x64xf32>
    %dot_general3A_159 = tpu.matmul %slice3A_149, %get3A_157, %dot_general3A_158 {dimension_numbers = #tpu.dot_dimension_numbers<[1], [0], [0], [1], [0, 0, 1, 1], [], []>, transpose_lhs_hint = false} : vector<400x16xf32>, vector<16x64xf32>, vector<400x64xf32> -> vector<400x64xf32>
    %add3A_160 = arith.addf %dot_general3A_154, %dot_general3A_159 : vector<400x64xf32>
    %get3A_161 = arith.constant 0 : index
    %get3A_162 = arith.constant 0 : index
    %get3A_163 = vector.load %arg5[%get3A_161, %get3A_162] : memref<1x64xf32, #tpu.memory_space<vmem>>, vector<1x64xf32>
    %add3A_164 = vector.broadcast %get3A_163 : vector<1x64xf32> to vector<400x64xf32>
    %add3A_165 = arith.addf %add3A_160, %add3A_164 : vector<400x64xf32>
    %max3A_166 = arith.constant 0.000000e+00 : f32
    %max3A_167 = vector.broadcast %max3A_166 : f32 to vector<400x64xf32>
    %max3A_168 = arith.maximumf %add3A_165, %max3A_167 : vector<400x64xf32>
    %slice3A_169 = vector.extract_strided_slice %max3A_168 {offsets = [0, 0], sizes = [400, 32], strides = [1, 1]} : vector<400x64xf32> to vector<400x32xf32>
    %swap3A_170 = arith.constant 0 : index
    %swap3A_171 = arith.constant 0 : index
    %swap3A_172 = arith.constant 128 : index
    %swap3A_173 = vector.load %arg6[%swap3A_170, %swap3A_171, %swap3A_172] : memref<2x400x256xf32, #tpu.memory_space<vmem>>, vector<1x400x32xf32>
    %swap3A_174 = vector.shape_cast %swap3A_173 : vector<1x400x32xf32> to vector<400x32xf32>
    %swap3A_175 = vector.shape_cast %slice3A_169 : vector<400x32xf32> to vector<1x400x32xf32>
    tpu.vector_store %arg6[%swap3A_170, %swap3A_171, %swap3A_172], %swap3A_175 {strides = array<i32>} : memref<2x400x256xf32, #tpu.memory_space<vmem>>, vector<1x400x32xf32>,
    %slice3A_176 = vector.extract_strided_slice %max3A_168 {offsets = [0, 32], sizes = [400, 32], strides = [1, 1]} : vector<400x64xf32> to vector<400x32xf32>
    %swap3A_177 = arith.constant 1 : index
    %swap3A_178 = arith.constant 0 : index
    %swap3A_179 = arith.constant 128 : index
    %swap3A_180 = vector.load %arg6[%swap3A_177, %swap3A_178, %swap3A_179] : memref<2x400x256xf32, #tpu.memory_space<vmem>>, vector<1x400x32xf32>
    %swap3A_181 = vector.shape_cast %swap3A_180 : vector<1x400x32xf32> to vector<400x32xf32>
    %swap3A_182 = vector.shape_cast %slice3A_176 : vector<400x32xf32> to vector<1x400x32xf32>
    tpu.vector_store %arg6[%swap3A_177, %swap3A_178, %swap3A_179], %swap3A_182 {strides = array<i32>} : memref<2x400x256xf32, #tpu.memory_space<vmem>>, vector<1x400x32xf32>,
    %slice3A_183 = vector.extract_strided_slice %add3A {offsets = [0, 80], sizes = [400, 16], strides = [1, 1]} : vector<400x128xf32> to vector<400x16xf32>
    %slice3A_184 = vector.extract_strided_slice %get3A_11 {offsets = [0, 80], sizes = [400, 16], strides = [1, 1]} : vector<400x128xf32> to vector<400x16xf32>
    %get3A_185 = arith.constant 0 : index
    %get3A_186 = arith.constant 0 : index
    %get3A_187 = vector.load %arg3[%get3A_185, %get3A_186] : memref<16x64xf32, #tpu.memory_space<vmem>>, vector<16x64xf32>
    %dot_general3A_188 = arith.constant dense<0.000000e+00> : vector<400x64xf32>
    %dot_general3A_189 = tpu.matmul %slice3A_183, %get3A_187, %dot_general3A_188 {dimension_numbers = #tpu.dot_dimension_numbers<[1], [0], [0], [1], [0, 0, 1, 1], [], []>, transpose_lhs_hint = false} : vector<400x16xf32>, vector<16x64xf32>, vector<400x64xf32> -> vector<400x64xf32>
    %get3A_190 = arith.constant 0 : index
    %get3A_191 = arith.constant 0 : index
    %get3A_192 = vector.load %arg4[%get3A_190, %get3A_191] : memref<16x64xf32, #tpu.memory_space<vmem>>, vector<16x64xf32>
    %dot_general3A_193 = arith.constant dense<0.000000e+00> : vector<400x64xf32>
    %dot_general3A_194 = tpu.matmul %slice3A_184, %get3A_192, %dot_general3A_193 {dimension_numbers = #tpu.dot_dimension_numbers<[1], [0], [0], [1], [0, 0, 1, 1], [], []>, transpose_lhs_hint = false} : vector<400x16xf32>, vector<16x64xf32>, vector<400x64xf32> -> vector<400x64xf32>
    %add3A_195 = arith.addf %dot_general3A_189, %dot_general3A_194 : vector<400x64xf32>
    %get3A_196 = arith.constant 0 : index
    %get3A_197 = arith.constant 0 : index
    %get3A_198 = vector.load %arg5[%get3A_196, %get3A_197] : memref<1x64xf32, #tpu.memory_space<vmem>>, vector<1x64xf32>
    %add3A_199 = vector.broadcast %get3A_198 : vector<1x64xf32> to vector<400x64xf32>
    %add3A_200 = arith.addf %add3A_195, %add3A_199 : vector<400x64xf32>
    %max3A_201 = arith.constant 0.000000e+00 : f32
    %max3A_202 = vector.broadcast %max3A_201 : f32 to vector<400x64xf32>
    %max3A_203 = arith.maximumf %add3A_200, %max3A_202 : vector<400x64xf32>
    %slice3A_204 = vector.extract_strided_slice %max3A_203 {offsets = [0, 0], sizes = [400, 32], strides = [1, 1]} : vector<400x64xf32> to vector<400x32xf32>
    %swap3A_205 = arith.constant 0 : index
    %swap3A_206 = arith.constant 0 : index
    %swap3A_207 = arith.constant 160 : index
    %swap3A_208 = vector.load %arg6[%swap3A_205, %swap3A_206, %swap3A_207] : memref<2x400x256xf32, #tpu.memory_space<vmem>>, vector<1x400x32xf32>
    %swap3A_209 = vector.shape_cast %swap3A_208 : vector<1x400x32xf32> to vector<400x32xf32>
    %swap3A_210 = vector.shape_cast %slice3A_204 : vector<400x32xf32> to vector<1x400x32xf32>
    tpu.vector_store %arg6[%swap3A_205, %swap3A_206, %swap3A_207], %swap3A_210 {strides = array<i32>} : memref<2x400x256xf32, #tpu.memory_space<vmem>>, vector<1x400x32xf32>,
    %slice3A_211 = vector.extract_strided_slice %max3A_203 {offsets = [0, 32], sizes = [400, 32], strides = [1, 1]} : vector<400x64xf32> to vector<400x32xf32>
    %swap3A_212 = arith.constant 1 : index
    %swap3A_213 = arith.constant 0 : index
    %swap3A_214 = arith.constant 160 : index
    %swap3A_215 = vector.load %arg6[%swap3A_212, %swap3A_213, %swap3A_214] : memref<2x400x256xf32, #tpu.memory_space<vmem>>, vector<1x400x32xf32>
    %swap3A_216 = vector.shape_cast %swap3A_215 : vector<1x400x32xf32> to vector<400x32xf32>
    %swap3A_217 = vector.shape_cast %slice3A_211 : vector<400x32xf32> to vector<1x400x32xf32>
    tpu.vector_store %arg6[%swap3A_212, %swap3A_213, %swap3A_214], %swap3A_217 {strides = array<i32>} : memref<2x400x256xf32, #tpu.memory_space<vmem>>, vector<1x400x32xf32>,
    %slice3A_218 = vector.extract_strided_slice %add3A {offsets = [0, 96], sizes = [400, 16], strides = [1, 1]} : vector<400x128xf32> to vector<400x16xf32>
    %slice3A_219 = vector.extract_strided_slice %get3A_11 {offsets = [0, 96], sizes = [400, 16], strides = [1, 1]} : vector<400x128xf32> to vector<400x16xf32>
    %get3A_220 = arith.constant 0 : index
    %get3A_221 = arith.constant 0 : index
    %get3A_222 = vector.load %arg3[%get3A_220, %get3A_221] : memref<16x64xf32, #tpu.memory_space<vmem>>, vector<16x64xf32>
    %dot_general3A_223 = arith.constant dense<0.000000e+00> : vector<400x64xf32>
    %dot_general3A_224 = tpu.matmul %slice3A_218, %get3A_222, %dot_general3A_223 {dimension_numbers = #tpu.dot_dimension_numbers<[1], [0], [0], [1], [0, 0, 1, 1], [], []>, transpose_lhs_hint = false} : vector<400x16xf32>, vector<16x64xf32>, vector<400x64xf32> -> vector<400x64xf32>
    %get3A_225 = arith.constant 0 : index
    %get3A_226 = arith.constant 0 : index
    %get3A_227 = vector.load %arg4[%get3A_225, %get3A_226] : memref<16x64xf32, #tpu.memory_space<vmem>>, vector<16x64xf32>
    %dot_general3A_228 = arith.constant dense<0.000000e+00> : vector<400x64xf32>
    %dot_general3A_229 = tpu.matmul %slice3A_219, %get3A_227, %dot_general3A_228 {dimension_numbers = #tpu.dot_dimension_numbers<[1], [0], [0], [1], [0, 0, 1, 1], [], []>, transpose_lhs_hint = false} : vector<400x16xf32>, vector<16x64xf32>, vector<400x64xf32> -> vector<400x64xf32>
    %add3A_230 = arith.addf %dot_general3A_224, %dot_general3A_229 : vector<400x64xf32>
    %get3A_231 = arith.constant 0 : index
    %get3A_232 = arith.constant 0 : index
    %get3A_233 = vector.load %arg5[%get3A_231, %get3A_232] : memref<1x64xf32, #tpu.memory_space<vmem>>, vector<1x64xf32>
    %add3A_234 = vector.broadcast %get3A_233 : vector<1x64xf32> to vector<400x64xf32>
    %add3A_235 = arith.addf %add3A_230, %add3A_234 : vector<400x64xf32>
    %max3A_236 = arith.constant 0.000000e+00 : f32
    %max3A_237 = vector.broadcast %max3A_236 : f32 to vector<400x64xf32>
    %max3A_238 = arith.maximumf %add3A_235, %max3A_237 : vector<400x64xf32>
    %slice3A_239 = vector.extract_strided_slice %max3A_238 {offsets = [0, 0], sizes = [400, 32], strides = [1, 1]} : vector<400x64xf32> to vector<400x32xf32>
    %swap3A_240 = arith.constant 0 : index
    %swap3A_241 = arith.constant 0 : index
    %swap3A_242 = arith.constant 192 : index
    %swap3A_243 = vector.load %arg6[%swap3A_240, %swap3A_241, %swap3A_242] : memref<2x400x256xf32, #tpu.memory_space<vmem>>, vector<1x400x32xf32>
    %swap3A_244 = vector.shape_cast %swap3A_243 : vector<1x400x32xf32> to vector<400x32xf32>
    %swap3A_245 = vector.shape_cast %slice3A_239 : vector<400x32xf32> to vector<1x400x32xf32>
    tpu.vector_store %arg6[%swap3A_240, %swap3A_241, %swap3A_242], %swap3A_245 {strides = array<i32>} : memref<2x400x256xf32, #tpu.memory_space<vmem>>, vector<1x400x32xf32>,
    %slice3A_246 = vector.extract_strided_slice %max3A_238 {offsets = [0, 32], sizes = [400, 32], strides = [1, 1]} : vector<400x64xf32> to vector<400x32xf32>
    %swap3A_247 = arith.constant 1 : index
    %swap3A_248 = arith.constant 0 : index
    %swap3A_249 = arith.constant 192 : index
    %swap3A_250 = vector.load %arg6[%swap3A_247, %swap3A_248, %swap3A_249] : memref<2x400x256xf32, #tpu.memory_space<vmem>>, vector<1x400x32xf32>
    %swap3A_251 = vector.shape_cast %swap3A_250 : vector<1x400x32xf32> to vector<400x32xf32>
    %swap3A_252 = vector.shape_cast %slice3A_246 : vector<400x32xf32> to vector<1x400x32xf32>
    tpu.vector_store %arg6[%swap3A_247, %swap3A_248, %swap3A_249], %swap3A_252 {strides = array<i32>} : memref<2x400x256xf32, #tpu.memory_space<vmem>>, vector<1x400x32xf32>,
    %slice3A_253 = vector.extract_strided_slice %add3A {offsets = [0, 112], sizes = [400, 16], strides = [1, 1]} : vector<400x128xf32> to vector<400x16xf32>
    %slice3A_254 = vector.extract_strided_slice %get3A_11 {offsets = [0, 112], sizes = [400, 16], strides = [1, 1]} : vector<400x128xf32> to vector<400x16xf32>
    %get3A_255 = arith.constant 0 : index
    %get3A_256 = arith.constant 0 : index
    %get3A_257 = vector.load %arg3[%get3A_255, %get3A_256] : memref<16x64xf32, #tpu.memory_space<vmem>>, vector<16x64xf32>
    %dot_general3A_258 = arith.constant dense<0.000000e+00> : vector<400x64xf32>
    %dot_general3A_259 = tpu.matmul %slice3A_253, %get3A_257, %dot_general3A_258 {dimension_numbers = #tpu.dot_dimension_numbers<[1], [0], [0], [1], [0, 0, 1, 1], [], []>, transpose_lhs_hint = false} : vector<400x16xf32>, vector<16x64xf32>, vector<400x64xf32> -> vector<400x64xf32>
    %get3A_260 = arith.constant 0 : index
    %get3A_261 = arith.constant 0 : index
    %get3A_262 = vector.load %arg4[%get3A_260, %get3A_261] : memref<16x64xf32, #tpu.memory_space<vmem>>, vector<16x64xf32>
    %dot_general3A_263 = arith.constant dense<0.000000e+00> : vector<400x64xf32>
    %dot_general3A_264 = tpu.matmul %slice3A_254, %get3A_262, %dot_general3A_263 {dimension_numbers = #tpu.dot_dimension_numbers<[1], [0], [0], [1], [0, 0, 1, 1], [], []>, transpose_lhs_hint = false} : vector<400x16xf32>, vector<16x64xf32>, vector<400x64xf32> -> vector<400x64xf32>
    %add3A_265 = arith.addf %dot_general3A_259, %dot_general3A_264 : vector<400x64xf32>
    %get3A_266 = arith.constant 0 : index
    %get3A_267 = arith.constant 0 : index
    %get3A_268 = vector.load %arg5[%get3A_266, %get3A_267] : memref<1x64xf32, #tpu.memory_space<vmem>>, vector<1x64xf32>
    %add3A_269 = vector.broadcast %get3A_268 : vector<1x64xf32> to vector<400x64xf32>
    %add3A_270 = arith.addf %add3A_265, %add3A_269 : vector<400x64xf32>
    %max3A_271 = arith.constant 0.000000e+00 : f32
    %max3A_272 = vector.broadcast %max3A_271 : f32 to vector<400x64xf32>
    %max3A_273 = arith.maximumf %add3A_270, %max3A_272 : vector<400x64xf32>
    %slice3A_274 = vector.extract_strided_slice %max3A_273 {offsets = [0, 0], sizes = [400, 32], strides = [1, 1]} : vector<400x64xf32> to vector<400x32xf32>
    %swap3A_275 = arith.constant 0 : index
    %swap3A_276 = arith.constant 0 : index
    %swap3A_277 = arith.constant 224 : index
    %swap3A_278 = vector.load %arg6[%swap3A_275, %swap3A_276, %swap3A_277] : memref<2x400x256xf32, #tpu.memory_space<vmem>>, vector<1x400x32xf32>
    %swap3A_279 = vector.shape_cast %swap3A_278 : vector<1x400x32xf32> to vector<400x32xf32>
    %swap3A_280 = vector.shape_cast %slice3A_274 : vector<400x32xf32> to vector<1x400x32xf32>
    tpu.vector_store %arg6[%swap3A_275, %swap3A_276, %swap3A_277], %swap3A_280 {strides = array<i32>} : memref<2x400x256xf32, #tpu.memory_space<vmem>>, vector<1x400x32xf32>,
    %slice3A_281 = vector.extract_strided_slice %max3A_273 {offsets = [0, 32], sizes = [400, 32], strides = [1, 1]} : vector<400x64xf32> to vector<400x32xf32>
    %swap3A_282 = arith.constant 1 : index
    %swap3A_283 = arith.constant 0 : index
    %swap3A_284 = arith.constant 224 : index
    %swap3A_285 = vector.load %arg6[%swap3A_282, %swap3A_283, %swap3A_284] : memref<2x400x256xf32, #tpu.memory_space<vmem>>, vector<1x400x32xf32>
    %swap3A_286 = vector.shape_cast %swap3A_285 : vector<1x400x32xf32> to vector<400x32xf32>
    %swap3A_287 = vector.shape_cast %slice3A_281 : vector<400x32xf32> to vector<1x400x32xf32>
    tpu.vector_store %arg6[%swap3A_282, %swap3A_283, %swap3A_284], %swap3A_287 {strides = array<i32>} : memref<2x400x256xf32, #tpu.memory_space<vmem>>, vector<1x400x32xf32>,
    return
  }
  func.func @transform_0(%arg0: i32) -> (i32, i32, i32) {
    %c0_i32 = arith.constant 0 : i32
    %c0_i32_0 = arith.constant 0 : i32
    %c0_i32_1 = arith.constant 0 : i32
    return %c0_i32, %arg0, %c0_i32_0 : i32, i32, i32
  }
  func.func @transform_1(%arg0: i32) -> (i32, i32) {
    %c0_i32 = arith.constant 0 : i32
    %c0_i32_0 = arith.constant 0 : i32
    return %arg0, %c0_i32 : i32, i32
  }
  func.func @transform_2(%arg0: i32) -> (i32, i32) {
    %c0_i32 = arith.constant 0 : i32
    %c0_i32_0 = arith.constant 0 : i32
    %c0_i32_1 = arith.constant 0 : i32
    return %c0_i32, %c0_i32_0 : i32, i32
  }
  func.func @transform_3(%arg0: i32) -> (i32, i32) {
    %c0_i32 = arith.constant 0 : i32
    %c0_i32_0 = arith.constant 0 : i32
    %c0_i32_1 = arith.constant 0 : i32
    return %c0_i32, %c0_i32_0 : i32, i32
  }
  func.func @transform_4(%arg0: i32) -> (i32, i32) {
    %c0_i32 = arith.constant 0 : i32
    %c0_i32_0 = arith.constant 0 : i32
    %c0_i32_1 = arith.constant 0 : i32
    return %c0_i32, %c0_i32_0 : i32, i32
  }
  func.func @transform_5(%arg0: i32) -> (i32, i32, i32) {
    %c0_i32 = arith.constant 0 : i32
    %c0_i32_0 = arith.constant 0 : i32
    %c0_i32_1 = arith.constant 0 : i32
    return %c0_i32, %arg0, %c0_i32_0 : i32, i32, i32
  }
}

module attributes {stable_mosaic.version = 14 : i64} {
  func.func @_tc_layer2(%arg0: i32, %arg1: memref<2x400x256xf32, #tpu.memory_space<vmem>>, %arg2: memref<2x400x256xf32, #tpu.memory_space<vmem>>, %arg3: memref<64x256xf32, #tpu.memory_space<vmem>>, %arg4: memref<64x256xf32, #tpu.memory_space<vmem>>, %arg5: memref<1x256xf32, #tpu.memory_space<vmem>>, %arg6: memref<3200x256xf32, #tpu.memory_space<vmem>>) attributes {dimension_semantics = [#tpu.dimension_semantics<arbitrary>], iteration_bounds = array<i64: 16>, scalar_prefetch = 0 : i64, scratch_operands = 0 : i64, tpu.core_type = #tpu.core_type<tc>, window_params = [{transform_indices = @transform_0, window_bounds = array<i64: 2, 400, 256>}, {transform_indices = @transform_1, window_bounds = array<i64: 2, 400, 256>}, {pipeline_mode = #tpu.pipeline_mode<synchronous>, transform_indices = @transform_2, window_bounds = array<i64: 64, 256>}, {pipeline_mode = #tpu.pipeline_mode<synchronous>, transform_indices = @transform_3, window_bounds = array<i64: 64, 256>}, {pipeline_mode = #tpu.pipeline_mode<synchronous>, transform_indices = @transform_4, window_bounds = array<i64: 1, 256>}, {transform_indices = @transform_5, window_bounds = array<i64: 3200, 256>}]} {
    %get3A = arith.constant 0 : index
    %get3A_0 = arith.constant 0 : index
    %get3A_1 = arith.constant 0 : index
    %get3A_2 = vector.load %arg1[%get3A, %get3A_0, %get3A_1] : memref<2x400x256xf32, #tpu.memory_space<vmem>>, vector<1x400x256xf32>
    %get3A_3 = vector.shape_cast %get3A_2 : vector<1x400x256xf32> to vector<400x256xf32>
    %slice3A = vector.extract_strided_slice %get3A_3 {offsets = [0, 0], sizes = [400, 32], strides = [1, 1]} : vector<400x256xf32> to vector<400x32xf32>
    %get3A_4 = arith.constant 1 : index
    %get3A_5 = arith.constant 0 : index
    %get3A_6 = arith.constant 0 : index
    %get3A_7 = vector.load %arg1[%get3A_4, %get3A_5, %get3A_6] : memref<2x400x256xf32, #tpu.memory_space<vmem>>, vector<1x400x256xf32>
    %get3A_8 = vector.shape_cast %get3A_7 : vector<1x400x256xf32> to vector<400x256xf32>
    %slice3A_9 = vector.extract_strided_slice %get3A_8 {offsets = [0, 0], sizes = [400, 32], strides = [1, 1]} : vector<400x256xf32> to vector<400x32xf32>
    %concatenate3A = tpu.concatenate %slice3A, %slice3A_9 in 1 : vector<400x32xf32>, vector<400x32xf32> -> vector<400x64xf32>
    %get3A_10 = arith.constant 0 : index
    %get3A_11 = arith.constant 0 : index
    %get3A_12 = arith.constant 0 : index
    %get3A_13 = vector.load %arg2[%get3A_10, %get3A_11, %get3A_12] : memref<2x400x256xf32, #tpu.memory_space<vmem>>, vector<1x400x256xf32>
    %get3A_14 = vector.shape_cast %get3A_13 : vector<1x400x256xf32> to vector<400x256xf32>
    %slice3A_15 = vector.extract_strided_slice %get3A_14 {offsets = [0, 0], sizes = [400, 32], strides = [1, 1]} : vector<400x256xf32> to vector<400x32xf32>
    %get3A_16 = arith.constant 1 : index
    %get3A_17 = arith.constant 0 : index
    %get3A_18 = arith.constant 0 : index
    %get3A_19 = vector.load %arg2[%get3A_16, %get3A_17, %get3A_18] : memref<2x400x256xf32, #tpu.memory_space<vmem>>, vector<1x400x256xf32>
    %get3A_20 = vector.shape_cast %get3A_19 : vector<1x400x256xf32> to vector<400x256xf32>
    %slice3A_21 = vector.extract_strided_slice %get3A_20 {offsets = [0, 0], sizes = [400, 32], strides = [1, 1]} : vector<400x256xf32> to vector<400x32xf32>
    %concatenate3A_22 = tpu.concatenate %slice3A_15, %slice3A_21 in 1 : vector<400x32xf32>, vector<400x32xf32> -> vector<400x64xf32>
    %get3A_23 = arith.constant 0 : index
    %get3A_24 = arith.constant 0 : index
    %get3A_25 = vector.load %arg3[%get3A_23, %get3A_24] : memref<64x256xf32, #tpu.memory_space<vmem>>, vector<64x256xf32>
    %dot_general3A = arith.constant dense<0.000000e+00> : vector<400x256xf32>
    %dot_general3A_26 = tpu.matmul %concatenate3A, %get3A_25, %dot_general3A {dimension_numbers = #tpu.dot_dimension_numbers<[1], [0], [0], [1], [0, 0, 1, 1], [], []>, transpose_lhs_hint = false} : vector<400x64xf32>, vector<64x256xf32>, vector<400x256xf32> -> vector<400x256xf32>
    %get3A_27 = arith.constant 0 : index
    %get3A_28 = arith.constant 0 : index
    %get3A_29 = vector.load %arg4[%get3A_27, %get3A_28] : memref<64x256xf32, #tpu.memory_space<vmem>>, vector<64x256xf32>
    %dot_general3A_30 = arith.constant dense<0.000000e+00> : vector<400x256xf32>
    %dot_general3A_31 = tpu.matmul %concatenate3A_22, %get3A_29, %dot_general3A_30 {dimension_numbers = #tpu.dot_dimension_numbers<[1], [0], [0], [1], [0, 0, 1, 1], [], []>, transpose_lhs_hint = false} : vector<400x64xf32>, vector<64x256xf32>, vector<400x256xf32> -> vector<400x256xf32>
    %add3A = arith.addf %dot_general3A_26, %dot_general3A_31 : vector<400x256xf32>
    %get3A_32 = arith.constant 0 : index
    %get3A_33 = arith.constant 0 : index
    %get3A_34 = vector.load %arg5[%get3A_32, %get3A_33] : memref<1x256xf32, #tpu.memory_space<vmem>>, vector<1x256xf32>
    %add3A_35 = vector.broadcast %get3A_34 : vector<1x256xf32> to vector<400x256xf32>
    %add3A_36 = arith.addf %add3A, %add3A_35 : vector<400x256xf32>
    %get3A_37 = arith.constant 0 : index
    %get3A_38 = arith.constant 0 : index
    %get3A_39 = arith.constant 0 : index
    %get3A_40 = vector.load %arg1[%get3A_37, %get3A_38, %get3A_39] : memref<2x400x256xf32, #tpu.memory_space<vmem>>, vector<1x400x256xf32>
    %get3A_41 = vector.shape_cast %get3A_40 : vector<1x400x256xf32> to vector<400x256xf32>
    %slice3A_42 = vector.extract_strided_slice %get3A_41 {offsets = [0, 32], sizes = [400, 32], strides = [1, 1]} : vector<400x256xf32> to vector<400x32xf32>
    %get3A_43 = arith.constant 1 : index
    %get3A_44 = arith.constant 0 : index
    %get3A_45 = arith.constant 0 : index
    %get3A_46 = vector.load %arg1[%get3A_43, %get3A_44, %get3A_45] : memref<2x400x256xf32, #tpu.memory_space<vmem>>, vector<1x400x256xf32>
    %get3A_47 = vector.shape_cast %get3A_46 : vector<1x400x256xf32> to vector<400x256xf32>
    %slice3A_48 = vector.extract_strided_slice %get3A_47 {offsets = [0, 32], sizes = [400, 32], strides = [1, 1]} : vector<400x256xf32> to vector<400x32xf32>
    %concatenate3A_49 = tpu.concatenate %slice3A_42, %slice3A_48 in 1 : vector<400x32xf32>, vector<400x32xf32> -> vector<400x64xf32>
    %get3A_50 = arith.constant 0 : index
    %get3A_51 = arith.constant 0 : index
    %get3A_52 = arith.constant 0 : index
    %get3A_53 = vector.load %arg2[%get3A_50, %get3A_51, %get3A_52] : memref<2x400x256xf32, #tpu.memory_space<vmem>>, vector<1x400x256xf32>
    %get3A_54 = vector.shape_cast %get3A_53 : vector<1x400x256xf32> to vector<400x256xf32>
    %slice3A_55 = vector.extract_strided_slice %get3A_54 {offsets = [0, 32], sizes = [400, 32], strides = [1, 1]} : vector<400x256xf32> to vector<400x32xf32>
    %get3A_56 = arith.constant 1 : index
    %get3A_57 = arith.constant 0 : index
    %get3A_58 = arith.constant 0 : index
    %get3A_59 = vector.load %arg2[%get3A_56, %get3A_57, %get3A_58] : memref<2x400x256xf32, #tpu.memory_space<vmem>>, vector<1x400x256xf32>
    %get3A_60 = vector.shape_cast %get3A_59 : vector<1x400x256xf32> to vector<400x256xf32>
    %slice3A_61 = vector.extract_strided_slice %get3A_60 {offsets = [0, 32], sizes = [400, 32], strides = [1, 1]} : vector<400x256xf32> to vector<400x32xf32>
    %concatenate3A_62 = tpu.concatenate %slice3A_55, %slice3A_61 in 1 : vector<400x32xf32>, vector<400x32xf32> -> vector<400x64xf32>
    %get3A_63 = arith.constant 0 : index
    %get3A_64 = arith.constant 0 : index
    %get3A_65 = vector.load %arg3[%get3A_63, %get3A_64] : memref<64x256xf32, #tpu.memory_space<vmem>>, vector<64x256xf32>
    %dot_general3A_66 = arith.constant dense<0.000000e+00> : vector<400x256xf32>
    %dot_general3A_67 = tpu.matmul %concatenate3A_49, %get3A_65, %dot_general3A_66 {dimension_numbers = #tpu.dot_dimension_numbers<[1], [0], [0], [1], [0, 0, 1, 1], [], []>, transpose_lhs_hint = false} : vector<400x64xf32>, vector<64x256xf32>, vector<400x256xf32> -> vector<400x256xf32>
    %get3A_68 = arith.constant 0 : index
    %get3A_69 = arith.constant 0 : index
    %get3A_70 = vector.load %arg4[%get3A_68, %get3A_69] : memref<64x256xf32, #tpu.memory_space<vmem>>, vector<64x256xf32>
    %dot_general3A_71 = arith.constant dense<0.000000e+00> : vector<400x256xf32>
    %dot_general3A_72 = tpu.matmul %concatenate3A_62, %get3A_70, %dot_general3A_71 {dimension_numbers = #tpu.dot_dimension_numbers<[1], [0], [0], [1], [0, 0, 1, 1], [], []>, transpose_lhs_hint = false} : vector<400x64xf32>, vector<64x256xf32>, vector<400x256xf32> -> vector<400x256xf32>
    %add3A_73 = arith.addf %dot_general3A_67, %dot_general3A_72 : vector<400x256xf32>
    %get3A_74 = arith.constant 0 : index
    %get3A_75 = arith.constant 0 : index
    %get3A_76 = vector.load %arg5[%get3A_74, %get3A_75] : memref<1x256xf32, #tpu.memory_space<vmem>>, vector<1x256xf32>
    %add3A_77 = vector.broadcast %get3A_76 : vector<1x256xf32> to vector<400x256xf32>
    %add3A_78 = arith.addf %add3A_73, %add3A_77 : vector<400x256xf32>
    %get3A_79 = arith.constant 0 : index
    %get3A_80 = arith.constant 0 : index
    %get3A_81 = arith.constant 0 : index
    %get3A_82 = vector.load %arg1[%get3A_79, %get3A_80, %get3A_81] : memref<2x400x256xf32, #tpu.memory_space<vmem>>, vector<1x400x256xf32>
    %get3A_83 = vector.shape_cast %get3A_82 : vector<1x400x256xf32> to vector<400x256xf32>
    %slice3A_84 = vector.extract_strided_slice %get3A_83 {offsets = [0, 64], sizes = [400, 32], strides = [1, 1]} : vector<400x256xf32> to vector<400x32xf32>
    %get3A_85 = arith.constant 1 : index
    %get3A_86 = arith.constant 0 : index
    %get3A_87 = arith.constant 0 : index
    %get3A_88 = vector.load %arg1[%get3A_85, %get3A_86, %get3A_87] : memref<2x400x256xf32, #tpu.memory_space<vmem>>, vector<1x400x256xf32>
    %get3A_89 = vector.shape_cast %get3A_88 : vector<1x400x256xf32> to vector<400x256xf32>
    %slice3A_90 = vector.extract_strided_slice %get3A_89 {offsets = [0, 64], sizes = [400, 32], strides = [1, 1]} : vector<400x256xf32> to vector<400x32xf32>
    %concatenate3A_91 = tpu.concatenate %slice3A_84, %slice3A_90 in 1 : vector<400x32xf32>, vector<400x32xf32> -> vector<400x64xf32>
    %get3A_92 = arith.constant 0 : index
    %get3A_93 = arith.constant 0 : index
    %get3A_94 = arith.constant 0 : index
    %get3A_95 = vector.load %arg2[%get3A_92, %get3A_93, %get3A_94] : memref<2x400x256xf32, #tpu.memory_space<vmem>>, vector<1x400x256xf32>
    %get3A_96 = vector.shape_cast %get3A_95 : vector<1x400x256xf32> to vector<400x256xf32>
    %slice3A_97 = vector.extract_strided_slice %get3A_96 {offsets = [0, 64], sizes = [400, 32], strides = [1, 1]} : vector<400x256xf32> to vector<400x32xf32>
    %get3A_98 = arith.constant 1 : index
    %get3A_99 = arith.constant 0 : index
    %get3A_100 = arith.constant 0 : index
    %get3A_101 = vector.load %arg2[%get3A_98, %get3A_99, %get3A_100] : memref<2x400x256xf32, #tpu.memory_space<vmem>>, vector<1x400x256xf32>
    %get3A_102 = vector.shape_cast %get3A_101 : vector<1x400x256xf32> to vector<400x256xf32>
    %slice3A_103 = vector.extract_strided_slice %get3A_102 {offsets = [0, 64], sizes = [400, 32], strides = [1, 1]} : vector<400x256xf32> to vector<400x32xf32>
    %concatenate3A_104 = tpu.concatenate %slice3A_97, %slice3A_103 in 1 : vector<400x32xf32>, vector<400x32xf32> -> vector<400x64xf32>
    %get3A_105 = arith.constant 0 : index
    %get3A_106 = arith.constant 0 : index
    %get3A_107 = vector.load %arg3[%get3A_105, %get3A_106] : memref<64x256xf32, #tpu.memory_space<vmem>>, vector<64x256xf32>
    %dot_general3A_108 = arith.constant dense<0.000000e+00> : vector<400x256xf32>
    %dot_general3A_109 = tpu.matmul %concatenate3A_91, %get3A_107, %dot_general3A_108 {dimension_numbers = #tpu.dot_dimension_numbers<[1], [0], [0], [1], [0, 0, 1, 1], [], []>, transpose_lhs_hint = false} : vector<400x64xf32>, vector<64x256xf32>, vector<400x256xf32> -> vector<400x256xf32>
    %get3A_110 = arith.constant 0 : index
    %get3A_111 = arith.constant 0 : index
    %get3A_112 = vector.load %arg4[%get3A_110, %get3A_111] : memref<64x256xf32, #tpu.memory_space<vmem>>, vector<64x256xf32>
    %dot_general3A_113 = arith.constant dense<0.000000e+00> : vector<400x256xf32>
    %dot_general3A_114 = tpu.matmul %concatenate3A_104, %get3A_112, %dot_general3A_113 {dimension_numbers = #tpu.dot_dimension_numbers<[1], [0], [0], [1], [0, 0, 1, 1], [], []>, transpose_lhs_hint = false} : vector<400x64xf32>, vector<64x256xf32>, vector<400x256xf32> -> vector<400x256xf32>
    %add3A_115 = arith.addf %dot_general3A_109, %dot_general3A_114 : vector<400x256xf32>
    %get3A_116 = arith.constant 0 : index
    %get3A_117 = arith.constant 0 : index
    %get3A_118 = vector.load %arg5[%get3A_116, %get3A_117] : memref<1x256xf32, #tpu.memory_space<vmem>>, vector<1x256xf32>
    %add3A_119 = vector.broadcast %get3A_118 : vector<1x256xf32> to vector<400x256xf32>
    %add3A_120 = arith.addf %add3A_115, %add3A_119 : vector<400x256xf32>
    %get3A_121 = arith.constant 0 : index
    %get3A_122 = arith.constant 0 : index
    %get3A_123 = arith.constant 0 : index
    %get3A_124 = vector.load %arg1[%get3A_121, %get3A_122, %get3A_123] : memref<2x400x256xf32, #tpu.memory_space<vmem>>, vector<1x400x256xf32>
    %get3A_125 = vector.shape_cast %get3A_124 : vector<1x400x256xf32> to vector<400x256xf32>
    %slice3A_126 = vector.extract_strided_slice %get3A_125 {offsets = [0, 96], sizes = [400, 32], strides = [1, 1]} : vector<400x256xf32> to vector<400x32xf32>
    %get3A_127 = arith.constant 1 : index
    %get3A_128 = arith.constant 0 : index
    %get3A_129 = arith.constant 0 : index
    %get3A_130 = vector.load %arg1[%get3A_127, %get3A_128, %get3A_129] : memref<2x400x256xf32, #tpu.memory_space<vmem>>, vector<1x400x256xf32>
    %get3A_131 = vector.shape_cast %get3A_130 : vector<1x400x256xf32> to vector<400x256xf32>
    %slice3A_132 = vector.extract_strided_slice %get3A_131 {offsets = [0, 96], sizes = [400, 32], strides = [1, 1]} : vector<400x256xf32> to vector<400x32xf32>
    %concatenate3A_133 = tpu.concatenate %slice3A_126, %slice3A_132 in 1 : vector<400x32xf32>, vector<400x32xf32> -> vector<400x64xf32>
    %get3A_134 = arith.constant 0 : index
    %get3A_135 = arith.constant 0 : index
    %get3A_136 = arith.constant 0 : index
    %get3A_137 = vector.load %arg2[%get3A_134, %get3A_135, %get3A_136] : memref<2x400x256xf32, #tpu.memory_space<vmem>>, vector<1x400x256xf32>
    %get3A_138 = vector.shape_cast %get3A_137 : vector<1x400x256xf32> to vector<400x256xf32>
    %slice3A_139 = vector.extract_strided_slice %get3A_138 {offsets = [0, 96], sizes = [400, 32], strides = [1, 1]} : vector<400x256xf32> to vector<400x32xf32>
    %get3A_140 = arith.constant 1 : index
    %get3A_141 = arith.constant 0 : index
    %get3A_142 = arith.constant 0 : index
    %get3A_143 = vector.load %arg2[%get3A_140, %get3A_141, %get3A_142] : memref<2x400x256xf32, #tpu.memory_space<vmem>>, vector<1x400x256xf32>
    %get3A_144 = vector.shape_cast %get3A_143 : vector<1x400x256xf32> to vector<400x256xf32>
    %slice3A_145 = vector.extract_strided_slice %get3A_144 {offsets = [0, 96], sizes = [400, 32], strides = [1, 1]} : vector<400x256xf32> to vector<400x32xf32>
    %concatenate3A_146 = tpu.concatenate %slice3A_139, %slice3A_145 in 1 : vector<400x32xf32>, vector<400x32xf32> -> vector<400x64xf32>
    %get3A_147 = arith.constant 0 : index
    %get3A_148 = arith.constant 0 : index
    %get3A_149 = vector.load %arg3[%get3A_147, %get3A_148] : memref<64x256xf32, #tpu.memory_space<vmem>>, vector<64x256xf32>
    %dot_general3A_150 = arith.constant dense<0.000000e+00> : vector<400x256xf32>
    %dot_general3A_151 = tpu.matmul %concatenate3A_133, %get3A_149, %dot_general3A_150 {dimension_numbers = #tpu.dot_dimension_numbers<[1], [0], [0], [1], [0, 0, 1, 1], [], []>, transpose_lhs_hint = false} : vector<400x64xf32>, vector<64x256xf32>, vector<400x256xf32> -> vector<400x256xf32>
    %get3A_152 = arith.constant 0 : index
    %get3A_153 = arith.constant 0 : index
    %get3A_154 = vector.load %arg4[%get3A_152, %get3A_153] : memref<64x256xf32, #tpu.memory_space<vmem>>, vector<64x256xf32>
    %dot_general3A_155 = arith.constant dense<0.000000e+00> : vector<400x256xf32>
    %dot_general3A_156 = tpu.matmul %concatenate3A_146, %get3A_154, %dot_general3A_155 {dimension_numbers = #tpu.dot_dimension_numbers<[1], [0], [0], [1], [0, 0, 1, 1], [], []>, transpose_lhs_hint = false} : vector<400x64xf32>, vector<64x256xf32>, vector<400x256xf32> -> vector<400x256xf32>
    %add3A_157 = arith.addf %dot_general3A_151, %dot_general3A_156 : vector<400x256xf32>
    %get3A_158 = arith.constant 0 : index
    %get3A_159 = arith.constant 0 : index
    %get3A_160 = vector.load %arg5[%get3A_158, %get3A_159] : memref<1x256xf32, #tpu.memory_space<vmem>>, vector<1x256xf32>
    %add3A_161 = vector.broadcast %get3A_160 : vector<1x256xf32> to vector<400x256xf32>
    %add3A_162 = arith.addf %add3A_157, %add3A_161 : vector<400x256xf32>
    %get3A_163 = arith.constant 0 : index
    %get3A_164 = arith.constant 0 : index
    %get3A_165 = arith.constant 0 : index
    %get3A_166 = vector.load %arg1[%get3A_163, %get3A_164, %get3A_165] : memref<2x400x256xf32, #tpu.memory_space<vmem>>, vector<1x400x256xf32>
    %get3A_167 = vector.shape_cast %get3A_166 : vector<1x400x256xf32> to vector<400x256xf32>
    %slice3A_168 = vector.extract_strided_slice %get3A_167 {offsets = [0, 128], sizes = [400, 32], strides = [1, 1]} : vector<400x256xf32> to vector<400x32xf32>
    %get3A_169 = arith.constant 1 : index
    %get3A_170 = arith.constant 0 : index
    %get3A_171 = arith.constant 0 : index
    %get3A_172 = vector.load %arg1[%get3A_169, %get3A_170, %get3A_171] : memref<2x400x256xf32, #tpu.memory_space<vmem>>, vector<1x400x256xf32>
    %get3A_173 = vector.shape_cast %get3A_172 : vector<1x400x256xf32> to vector<400x256xf32>
    %slice3A_174 = vector.extract_strided_slice %get3A_173 {offsets = [0, 128], sizes = [400, 32], strides = [1, 1]} : vector<400x256xf32> to vector<400x32xf32>
    %concatenate3A_175 = tpu.concatenate %slice3A_168, %slice3A_174 in 1 : vector<400x32xf32>, vector<400x32xf32> -> vector<400x64xf32>
    %get3A_176 = arith.constant 0 : index
    %get3A_177 = arith.constant 0 : index
    %get3A_178 = arith.constant 0 : index
    %get3A_179 = vector.load %arg2[%get3A_176, %get3A_177, %get3A_178] : memref<2x400x256xf32, #tpu.memory_space<vmem>>, vector<1x400x256xf32>
    %get3A_180 = vector.shape_cast %get3A_179 : vector<1x400x256xf32> to vector<400x256xf32>
    %slice3A_181 = vector.extract_strided_slice %get3A_180 {offsets = [0, 128], sizes = [400, 32], strides = [1, 1]} : vector<400x256xf32> to vector<400x32xf32>
    %get3A_182 = arith.constant 1 : index
    %get3A_183 = arith.constant 0 : index
    %get3A_184 = arith.constant 0 : index
    %get3A_185 = vector.load %arg2[%get3A_182, %get3A_183, %get3A_184] : memref<2x400x256xf32, #tpu.memory_space<vmem>>, vector<1x400x256xf32>
    %get3A_186 = vector.shape_cast %get3A_185 : vector<1x400x256xf32> to vector<400x256xf32>
    %slice3A_187 = vector.extract_strided_slice %get3A_186 {offsets = [0, 128], sizes = [400, 32], strides = [1, 1]} : vector<400x256xf32> to vector<400x32xf32>
    %concatenate3A_188 = tpu.concatenate %slice3A_181, %slice3A_187 in 1 : vector<400x32xf32>, vector<400x32xf32> -> vector<400x64xf32>
    %get3A_189 = arith.constant 0 : index
    %get3A_190 = arith.constant 0 : index
    %get3A_191 = vector.load %arg3[%get3A_189, %get3A_190] : memref<64x256xf32, #tpu.memory_space<vmem>>, vector<64x256xf32>
    %dot_general3A_192 = arith.constant dense<0.000000e+00> : vector<400x256xf32>
    %dot_general3A_193 = tpu.matmul %concatenate3A_175, %get3A_191, %dot_general3A_192 {dimension_numbers = #tpu.dot_dimension_numbers<[1], [0], [0], [1], [0, 0, 1, 1], [], []>, transpose_lhs_hint = false} : vector<400x64xf32>, vector<64x256xf32>, vector<400x256xf32> -> vector<400x256xf32>
    %get3A_194 = arith.constant 0 : index
    %get3A_195 = arith.constant 0 : index
    %get3A_196 = vector.load %arg4[%get3A_194, %get3A_195] : memref<64x256xf32, #tpu.memory_space<vmem>>, vector<64x256xf32>
    %dot_general3A_197 = arith.constant dense<0.000000e+00> : vector<400x256xf32>
    %dot_general3A_198 = tpu.matmul %concatenate3A_188, %get3A_196, %dot_general3A_197 {dimension_numbers = #tpu.dot_dimension_numbers<[1], [0], [0], [1], [0, 0, 1, 1], [], []>, transpose_lhs_hint = false} : vector<400x64xf32>, vector<64x256xf32>, vector<400x256xf32> -> vector<400x256xf32>
    %add3A_199 = arith.addf %dot_general3A_193, %dot_general3A_198 : vector<400x256xf32>
    %get3A_200 = arith.constant 0 : index
    %get3A_201 = arith.constant 0 : index
    %get3A_202 = vector.load %arg5[%get3A_200, %get3A_201] : memref<1x256xf32, #tpu.memory_space<vmem>>, vector<1x256xf32>
    %add3A_203 = vector.broadcast %get3A_202 : vector<1x256xf32> to vector<400x256xf32>
    %add3A_204 = arith.addf %add3A_199, %add3A_203 : vector<400x256xf32>
    %get3A_205 = arith.constant 0 : index
    %get3A_206 = arith.constant 0 : index
    %get3A_207 = arith.constant 0 : index
    %get3A_208 = vector.load %arg1[%get3A_205, %get3A_206, %get3A_207] : memref<2x400x256xf32, #tpu.memory_space<vmem>>, vector<1x400x256xf32>
    %get3A_209 = vector.shape_cast %get3A_208 : vector<1x400x256xf32> to vector<400x256xf32>
    %slice3A_210 = vector.extract_strided_slice %get3A_209 {offsets = [0, 160], sizes = [400, 32], strides = [1, 1]} : vector<400x256xf32> to vector<400x32xf32>
    %get3A_211 = arith.constant 1 : index
    %get3A_212 = arith.constant 0 : index
    %get3A_213 = arith.constant 0 : index
    %get3A_214 = vector.load %arg1[%get3A_211, %get3A_212, %get3A_213] : memref<2x400x256xf32, #tpu.memory_space<vmem>>, vector<1x400x256xf32>
    %get3A_215 = vector.shape_cast %get3A_214 : vector<1x400x256xf32> to vector<400x256xf32>
    %slice3A_216 = vector.extract_strided_slice %get3A_215 {offsets = [0, 160], sizes = [400, 32], strides = [1, 1]} : vector<400x256xf32> to vector<400x32xf32>
    %concatenate3A_217 = tpu.concatenate %slice3A_210, %slice3A_216 in 1 : vector<400x32xf32>, vector<400x32xf32> -> vector<400x64xf32>
    %get3A_218 = arith.constant 0 : index
    %get3A_219 = arith.constant 0 : index
    %get3A_220 = arith.constant 0 : index
    %get3A_221 = vector.load %arg2[%get3A_218, %get3A_219, %get3A_220] : memref<2x400x256xf32, #tpu.memory_space<vmem>>, vector<1x400x256xf32>
    %get3A_222 = vector.shape_cast %get3A_221 : vector<1x400x256xf32> to vector<400x256xf32>
    %slice3A_223 = vector.extract_strided_slice %get3A_222 {offsets = [0, 160], sizes = [400, 32], strides = [1, 1]} : vector<400x256xf32> to vector<400x32xf32>
    %get3A_224 = arith.constant 1 : index
    %get3A_225 = arith.constant 0 : index
    %get3A_226 = arith.constant 0 : index
    %get3A_227 = vector.load %arg2[%get3A_224, %get3A_225, %get3A_226] : memref<2x400x256xf32, #tpu.memory_space<vmem>>, vector<1x400x256xf32>
    %get3A_228 = vector.shape_cast %get3A_227 : vector<1x400x256xf32> to vector<400x256xf32>
    %slice3A_229 = vector.extract_strided_slice %get3A_228 {offsets = [0, 160], sizes = [400, 32], strides = [1, 1]} : vector<400x256xf32> to vector<400x32xf32>
    %concatenate3A_230 = tpu.concatenate %slice3A_223, %slice3A_229 in 1 : vector<400x32xf32>, vector<400x32xf32> -> vector<400x64xf32>
    %get3A_231 = arith.constant 0 : index
    %get3A_232 = arith.constant 0 : index
    %get3A_233 = vector.load %arg3[%get3A_231, %get3A_232] : memref<64x256xf32, #tpu.memory_space<vmem>>, vector<64x256xf32>
    %dot_general3A_234 = arith.constant dense<0.000000e+00> : vector<400x256xf32>
    %dot_general3A_235 = tpu.matmul %concatenate3A_217, %get3A_233, %dot_general3A_234 {dimension_numbers = #tpu.dot_dimension_numbers<[1], [0], [0], [1], [0, 0, 1, 1], [], []>, transpose_lhs_hint = false} : vector<400x64xf32>, vector<64x256xf32>, vector<400x256xf32> -> vector<400x256xf32>
    %get3A_236 = arith.constant 0 : index
    %get3A_237 = arith.constant 0 : index
    %get3A_238 = vector.load %arg4[%get3A_236, %get3A_237] : memref<64x256xf32, #tpu.memory_space<vmem>>, vector<64x256xf32>
    %dot_general3A_239 = arith.constant dense<0.000000e+00> : vector<400x256xf32>
    %dot_general3A_240 = tpu.matmul %concatenate3A_230, %get3A_238, %dot_general3A_239 {dimension_numbers = #tpu.dot_dimension_numbers<[1], [0], [0], [1], [0, 0, 1, 1], [], []>, transpose_lhs_hint = false} : vector<400x64xf32>, vector<64x256xf32>, vector<400x256xf32> -> vector<400x256xf32>
    %add3A_241 = arith.addf %dot_general3A_235, %dot_general3A_240 : vector<400x256xf32>
    %get3A_242 = arith.constant 0 : index
    %get3A_243 = arith.constant 0 : index
    %get3A_244 = vector.load %arg5[%get3A_242, %get3A_243] : memref<1x256xf32, #tpu.memory_space<vmem>>, vector<1x256xf32>
    %add3A_245 = vector.broadcast %get3A_244 : vector<1x256xf32> to vector<400x256xf32>
    %add3A_246 = arith.addf %add3A_241, %add3A_245 : vector<400x256xf32>
    %get3A_247 = arith.constant 0 : index
    %get3A_248 = arith.constant 0 : index
    %get3A_249 = arith.constant 0 : index
    %get3A_250 = vector.load %arg1[%get3A_247, %get3A_248, %get3A_249] : memref<2x400x256xf32, #tpu.memory_space<vmem>>, vector<1x400x256xf32>
    %get3A_251 = vector.shape_cast %get3A_250 : vector<1x400x256xf32> to vector<400x256xf32>
    %slice3A_252 = vector.extract_strided_slice %get3A_251 {offsets = [0, 192], sizes = [400, 32], strides = [1, 1]} : vector<400x256xf32> to vector<400x32xf32>
    %get3A_253 = arith.constant 1 : index
    %get3A_254 = arith.constant 0 : index
    %get3A_255 = arith.constant 0 : index
    %get3A_256 = vector.load %arg1[%get3A_253, %get3A_254, %get3A_255] : memref<2x400x256xf32, #tpu.memory_space<vmem>>, vector<1x400x256xf32>
    %get3A_257 = vector.shape_cast %get3A_256 : vector<1x400x256xf32> to vector<400x256xf32>
    %slice3A_258 = vector.extract_strided_slice %get3A_257 {offsets = [0, 192], sizes = [400, 32], strides = [1, 1]} : vector<400x256xf32> to vector<400x32xf32>
    %concatenate3A_259 = tpu.concatenate %slice3A_252, %slice3A_258 in 1 : vector<400x32xf32>, vector<400x32xf32> -> vector<400x64xf32>
    %get3A_260 = arith.constant 0 : index
    %get3A_261 = arith.constant 0 : index
    %get3A_262 = arith.constant 0 : index
    %get3A_263 = vector.load %arg2[%get3A_260, %get3A_261, %get3A_262] : memref<2x400x256xf32, #tpu.memory_space<vmem>>, vector<1x400x256xf32>
    %get3A_264 = vector.shape_cast %get3A_263 : vector<1x400x256xf32> to vector<400x256xf32>
    %slice3A_265 = vector.extract_strided_slice %get3A_264 {offsets = [0, 192], sizes = [400, 32], strides = [1, 1]} : vector<400x256xf32> to vector<400x32xf32>
    %get3A_266 = arith.constant 1 : index
    %get3A_267 = arith.constant 0 : index
    %get3A_268 = arith.constant 0 : index
    %get3A_269 = vector.load %arg2[%get3A_266, %get3A_267, %get3A_268] : memref<2x400x256xf32, #tpu.memory_space<vmem>>, vector<1x400x256xf32>
    %get3A_270 = vector.shape_cast %get3A_269 : vector<1x400x256xf32> to vector<400x256xf32>
    %slice3A_271 = vector.extract_strided_slice %get3A_270 {offsets = [0, 192], sizes = [400, 32], strides = [1, 1]} : vector<400x256xf32> to vector<400x32xf32>
    %concatenate3A_272 = tpu.concatenate %slice3A_265, %slice3A_271 in 1 : vector<400x32xf32>, vector<400x32xf32> -> vector<400x64xf32>
    %get3A_273 = arith.constant 0 : index
    %get3A_274 = arith.constant 0 : index
    %get3A_275 = vector.load %arg3[%get3A_273, %get3A_274] : memref<64x256xf32, #tpu.memory_space<vmem>>, vector<64x256xf32>
    %dot_general3A_276 = arith.constant dense<0.000000e+00> : vector<400x256xf32>
    %dot_general3A_277 = tpu.matmul %concatenate3A_259, %get3A_275, %dot_general3A_276 {dimension_numbers = #tpu.dot_dimension_numbers<[1], [0], [0], [1], [0, 0, 1, 1], [], []>, transpose_lhs_hint = false} : vector<400x64xf32>, vector<64x256xf32>, vector<400x256xf32> -> vector<400x256xf32>
    %get3A_278 = arith.constant 0 : index
    %get3A_279 = arith.constant 0 : index
    %get3A_280 = vector.load %arg4[%get3A_278, %get3A_279] : memref<64x256xf32, #tpu.memory_space<vmem>>, vector<64x256xf32>
    %dot_general3A_281 = arith.constant dense<0.000000e+00> : vector<400x256xf32>
    %dot_general3A_282 = tpu.matmul %concatenate3A_272, %get3A_280, %dot_general3A_281 {dimension_numbers = #tpu.dot_dimension_numbers<[1], [0], [0], [1], [0, 0, 1, 1], [], []>, transpose_lhs_hint = false} : vector<400x64xf32>, vector<64x256xf32>, vector<400x256xf32> -> vector<400x256xf32>
    %add3A_283 = arith.addf %dot_general3A_277, %dot_general3A_282 : vector<400x256xf32>
    %get3A_284 = arith.constant 0 : index
    %get3A_285 = arith.constant 0 : index
    %get3A_286 = vector.load %arg5[%get3A_284, %get3A_285] : memref<1x256xf32, #tpu.memory_space<vmem>>, vector<1x256xf32>
    %add3A_287 = vector.broadcast %get3A_286 : vector<1x256xf32> to vector<400x256xf32>
    %add3A_288 = arith.addf %add3A_283, %add3A_287 : vector<400x256xf32>
    %get3A_289 = arith.constant 0 : index
    %get3A_290 = arith.constant 0 : index
    %get3A_291 = arith.constant 0 : index
    %get3A_292 = vector.load %arg1[%get3A_289, %get3A_290, %get3A_291] : memref<2x400x256xf32, #tpu.memory_space<vmem>>, vector<1x400x256xf32>
    %get3A_293 = vector.shape_cast %get3A_292 : vector<1x400x256xf32> to vector<400x256xf32>
    %slice3A_294 = vector.extract_strided_slice %get3A_293 {offsets = [0, 224], sizes = [400, 32], strides = [1, 1]} : vector<400x256xf32> to vector<400x32xf32>
    %get3A_295 = arith.constant 1 : index
    %get3A_296 = arith.constant 0 : index
    %get3A_297 = arith.constant 0 : index
    %get3A_298 = vector.load %arg1[%get3A_295, %get3A_296, %get3A_297] : memref<2x400x256xf32, #tpu.memory_space<vmem>>, vector<1x400x256xf32>
    %get3A_299 = vector.shape_cast %get3A_298 : vector<1x400x256xf32> to vector<400x256xf32>
    %slice3A_300 = vector.extract_strided_slice %get3A_299 {offsets = [0, 224], sizes = [400, 32], strides = [1, 1]} : vector<400x256xf32> to vector<400x32xf32>
    %concatenate3A_301 = tpu.concatenate %slice3A_294, %slice3A_300 in 1 : vector<400x32xf32>, vector<400x32xf32> -> vector<400x64xf32>
    %get3A_302 = arith.constant 0 : index
    %get3A_303 = arith.constant 0 : index
    %get3A_304 = arith.constant 0 : index
    %get3A_305 = vector.load %arg2[%get3A_302, %get3A_303, %get3A_304] : memref<2x400x256xf32, #tpu.memory_space<vmem>>, vector<1x400x256xf32>
    %get3A_306 = vector.shape_cast %get3A_305 : vector<1x400x256xf32> to vector<400x256xf32>
    %slice3A_307 = vector.extract_strided_slice %get3A_306 {offsets = [0, 224], sizes = [400, 32], strides = [1, 1]} : vector<400x256xf32> to vector<400x32xf32>
    %get3A_308 = arith.constant 1 : index
    %get3A_309 = arith.constant 0 : index
    %get3A_310 = arith.constant 0 : index
    %get3A_311 = vector.load %arg2[%get3A_308, %get3A_309, %get3A_310] : memref<2x400x256xf32, #tpu.memory_space<vmem>>, vector<1x400x256xf32>
    %get3A_312 = vector.shape_cast %get3A_311 : vector<1x400x256xf32> to vector<400x256xf32>
    %slice3A_313 = vector.extract_strided_slice %get3A_312 {offsets = [0, 224], sizes = [400, 32], strides = [1, 1]} : vector<400x256xf32> to vector<400x32xf32>
    %concatenate3A_314 = tpu.concatenate %slice3A_307, %slice3A_313 in 1 : vector<400x32xf32>, vector<400x32xf32> -> vector<400x64xf32>
    %get3A_315 = arith.constant 0 : index
    %get3A_316 = arith.constant 0 : index
    %get3A_317 = vector.load %arg3[%get3A_315, %get3A_316] : memref<64x256xf32, #tpu.memory_space<vmem>>, vector<64x256xf32>
    %dot_general3A_318 = arith.constant dense<0.000000e+00> : vector<400x256xf32>
    %dot_general3A_319 = tpu.matmul %concatenate3A_301, %get3A_317, %dot_general3A_318 {dimension_numbers = #tpu.dot_dimension_numbers<[1], [0], [0], [1], [0, 0, 1, 1], [], []>, transpose_lhs_hint = false} : vector<400x64xf32>, vector<64x256xf32>, vector<400x256xf32> -> vector<400x256xf32>
    %get3A_320 = arith.constant 0 : index
    %get3A_321 = arith.constant 0 : index
    %get3A_322 = vector.load %arg4[%get3A_320, %get3A_321] : memref<64x256xf32, #tpu.memory_space<vmem>>, vector<64x256xf32>
    %dot_general3A_323 = arith.constant dense<0.000000e+00> : vector<400x256xf32>
    %dot_general3A_324 = tpu.matmul %concatenate3A_314, %get3A_322, %dot_general3A_323 {dimension_numbers = #tpu.dot_dimension_numbers<[1], [0], [0], [1], [0, 0, 1, 1], [], []>, transpose_lhs_hint = false} : vector<400x64xf32>, vector<64x256xf32>, vector<400x256xf32> -> vector<400x256xf32>
    %add3A_325 = arith.addf %dot_general3A_319, %dot_general3A_324 : vector<400x256xf32>
    %get3A_326 = arith.constant 0 : index
    %get3A_327 = arith.constant 0 : index
    %get3A_328 = vector.load %arg5[%get3A_326, %get3A_327] : memref<1x256xf32, #tpu.memory_space<vmem>>, vector<1x256xf32>
    %add3A_329 = vector.broadcast %get3A_328 : vector<1x256xf32> to vector<400x256xf32>
    %add3A_330 = arith.addf %add3A_325, %add3A_329 : vector<400x256xf32>
    %stack3A = vector.shape_cast %add3A_36 : vector<400x256xf32> to vector<400x1x256xf32>
    %stack3A_331 = vector.shape_cast %add3A_78 : vector<400x256xf32> to vector<400x1x256xf32>
    %stack3A_332 = vector.shape_cast %add3A_120 : vector<400x256xf32> to vector<400x1x256xf32>
    %stack3A_333 = vector.shape_cast %add3A_162 : vector<400x256xf32> to vector<400x1x256xf32>
    %stack3A_334 = vector.shape_cast %add3A_204 : vector<400x256xf32> to vector<400x1x256xf32>
    %stack3A_335 = vector.shape_cast %add3A_246 : vector<400x256xf32> to vector<400x1x256xf32>
    %stack3A_336 = vector.shape_cast %add3A_288 : vector<400x256xf32> to vector<400x1x256xf32>
    %stack3A_337 = vector.shape_cast %add3A_330 : vector<400x256xf32> to vector<400x1x256xf32>
    %stack3A_338 = tpu.concatenate %stack3A, %stack3A_331, %stack3A_332, %stack3A_333, %stack3A_334, %stack3A_335, %stack3A_336, %stack3A_337 in 1 : vector<400x1x256xf32>, vector<400x1x256xf32>, vector<400x1x256xf32>, vector<400x1x256xf32>, vector<400x1x256xf32>, vector<400x1x256xf32>, vector<400x1x256xf32>, vector<400x1x256xf32> -> vector<400x8x256xf32>
    %reshape3A = vector.shape_cast %stack3A_338 : vector<400x8x256xf32> to vector<3200x256xf32>
    %swap3A = arith.constant 0 : index
    %swap3A_339 = arith.constant 0 : index
    %swap3A_340 = vector.load %arg6[%swap3A, %swap3A_339] : memref<3200x256xf32, #tpu.memory_space<vmem>>, vector<3200x256xf32>
    tpu.vector_store %arg6[%swap3A, %swap3A_339], %reshape3A {strides = array<i32>} : memref<3200x256xf32, #tpu.memory_space<vmem>>, vector<3200x256xf32>,
    return
  }
  func.func @transform_0(%arg0: i32) -> (i32, i32, i32) {
    %c0_i32 = arith.constant 0 : i32
    %c0_i32_0 = arith.constant 0 : i32
    %c0_i32_1 = arith.constant 0 : i32
    return %c0_i32, %arg0, %c0_i32_0 : i32, i32, i32
  }
  func.func @transform_1(%arg0: i32) -> (i32, i32, i32) {
    %c0_i32 = arith.constant 0 : i32
    %c0_i32_0 = arith.constant 0 : i32
    %c0_i32_1 = arith.constant 0 : i32
    return %c0_i32, %arg0, %c0_i32_0 : i32, i32, i32
  }
  func.func @transform_2(%arg0: i32) -> (i32, i32) {
    %c0_i32 = arith.constant 0 : i32
    %c0_i32_0 = arith.constant 0 : i32
    %c0_i32_1 = arith.constant 0 : i32
    return %c0_i32, %c0_i32_0 : i32, i32
  }
  func.func @transform_3(%arg0: i32) -> (i32, i32) {
    %c0_i32 = arith.constant 0 : i32
    %c0_i32_0 = arith.constant 0 : i32
    %c0_i32_1 = arith.constant 0 : i32
    return %c0_i32, %c0_i32_0 : i32, i32
  }
  func.func @transform_4(%arg0: i32) -> (i32, i32) {
    %c0_i32 = arith.constant 0 : i32
    %c0_i32_0 = arith.constant 0 : i32
    %c0_i32_1 = arith.constant 0 : i32
    return %c0_i32, %c0_i32_0 : i32, i32
  }
  func.func @transform_5(%arg0: i32) -> (i32, i32) {
    %c0_i32 = arith.constant 0 : i32
    %c0_i32_0 = arith.constant 0 : i32
    return %arg0, %c0_i32 : i32, i32
  }
}

</mosaic_0001>

<sc_bundles>
// kernel: kernel.6.cloned.1.call-start
scs
__scs_entry_jumppad:
0x0: {  	(pc) =	sbr.rel $0x88, $3  }
0x1: {  	(tag) =	ssettag $0x0;
	lr =	simm.s32 $0x1  }
0x2: {  	[smem:$0x3F99] =	sst lr;
	_ =	strace $0xD0000000  }
0x3: {  	_ = 	snop  }
0x4: {  	_ = 	snop  }
0x5: {  	_ = 	snop  }
0x6: {  	_ = 	snop  }
0x7: {  	_ = 	snop  }
__scs_overlays_trampoline_lowered:
0x8: {  	[smem:$0x3FA8] =	sst s0  }
0x9: {  	[smem:$0x3FA9] =	sst s1  }
0xa: {  	[smem:$0x3FAA] =	sst s2  }
0xb: {  	[smem:$0x3FAB] =	sst s3  }
0xc: {  	[smem:$0x3FAC] =	sst s4  }
0xd: {  	[smem:$0x3FAD] =	sst s5  }
0xe: {  	[smem:$0x3FAE] =	sst s6  }
0xf: {  	[smem:$0x3FAF] =	sst s7  }
0x10: {  	[smem:$0x3FB0] =	sst s8  }
0x11: {  	[smem:$0x3FB1] =	sst s9;
	s0 =	simm.s32 @!p0 $0x0  }
0x12: {  	s1 =	sld [smem:$0x3F97];
	s0 =	simm.s32 @p0 $0x1  }
0x13: {  	[smem:$0x3FB2] =	sst s0;
	s0 =	simm.s32 @!p1 $0x0  }
0x14: {  	s2 =	sld [smem:$0x3F96];
	s0 =	simm.s32 @p1 $0x1  }
0x15: {  	[smem:$0x3FB3] =	sst s0;
	s0 =	simm.s32 @!p2 $0x0  }
0x16: {  	s3 =	sld [smem:$0x3FDB];
	s0 =	simm.s32 @p2 $0x1  }
0x17: {  	s4 =	simm.s32 $0x1BF5;
	[smem:$0x3FB5] =	sst s0  }
0x18: {  	s0 =	sld [smem:$0x3F98];
	_ =	swait.ge [sflag:s4], $0x0  }
0x19: {  	s7 =	sld [smem:$0x3F99]  }
0x1a: {  	s8 =	sadd.s32 $0xFFFFE003, lr  }
0x1b: {  	s9 =	sadd.s32 $0xFFFFFEF7, lr;
	s5 =	simm.s32 $0xFFFFFFFF;
	p2 =	slt.u32 s8, $0xFFFFF086  }
0x1c: {  	p1 =	slt.u32 s9, $0xF7A;
	s5 =	simm.s32 @!p2 $0x0  }
0x1d: {  	s5 =	simm.s32 @p1 $0x1;
	p0 =	seq.s32 s7, s2  }
0x1e: {  	s7 =	smul.u32 @!p0 $0xF7A, s2;
	p2 =	seq.s32 @!p0 s5, $0x0  }
0x1f: {  	s9 =	smul.u32 $0xF7A, s1;
	s8 =	simm.s32 @!p0 $0x1BF5;
	p2 =	por !p2, p0  }
0x20: {  	[sflag:s8] =	ssyncset.s32 @!p0 $0xFFFFF086;
	s6 =	sadd.s32 @!p0 s3, s7;
	s7 =	simm.s32 @!p0 $0x108  }
0x21: {  	s3 =	sadd.s32 s3, s9;
	s6 =	sadd.s32 @!p0 $0x88, s6;
	s7 =	simm.s32 @p2 $0x1082  }
0x22: {  	[simem:s7], [sflag:s8] =	dma.local @!p0 [hbm:s6], $0xF7A  }
0x23: {  	s9 =	sor.u32 $0xD0000000, s2;
	s6 =	simm.s32 $0x108;
	_ =	swait.ge @!p0 [sflag:s8], $0x0  }
0x24: {  	s3 =	sadd.s32 $0x88, s3;
	s6 =	simm.s32 @!p1 $0x1082;
	[sflag:s4] =	ssyncset.s32 $0xFFFFF086  }
0x25: {  	[simem:s6], [sflag:s4] =	dma.local [hbm:s3], $0xF7A  }
0x26: {  	[smem:$0x3F99] =	sst s1;
	(tag) =	ssettag s2;
	_ =	strace s9  }
0x27: {  	s1 =	sld [smem:$0x3FA9]  }
0x28: {  	s2 =	sld [smem:$0x3FAA]  }
0x29: {  	s4 =	sld [smem:$0x3FAC]  }
0x2a: {  	p0 =	seq.s32 s5, $0x0;
	s5 =	sld [smem:$0x3FAD]  }
0x2b: {  	s6 =	sld [smem:$0x3FAE]  }
0x2c: {  	s7 =	sld [smem:$0x3FAF]  }
0x2d: {  	s3 =	simm.s32 $0x108;
	s8 =	sld [smem:$0x3FB0]  }
0x2e: {  	s3 =	simm.s32 @!p0 $0x1082;
	s9 =	sld [smem:$0x3FB1]  }
0x2f: {  	lr =	sadd.s32 s0, s3;
	s0 =	sld [smem:$0x3FA8]  }
0x30: {  	s3 =	sld [smem:$0x3FAB]  }
0x31: {  	[smem:$0x3FB4] =	sst s10  }
0x32: {  	s10 =	sld [smem:$0x3FB2];
	_ =	sdelay $0x3  }
0x33: {  	p0 =	seq.s32 s10, $0x1;
	s10 =	sld [smem:$0x3FB4];
	_ =	sdelay $0x3  }
0x34: {  	[smem:$0x3FB4] =	sst s10  }
0x35: {  	s10 =	sld [smem:$0x3FB3];
	_ =	sdelay $0x3  }
0x36: {  	p1 =	seq.s32 s10, $0x1;
	s10 =	sld [smem:$0x3FB4];
	_ =	sdelay $0x3  }
0x37: {  	[smem:$0x3FB4] =	sst s10  }
0x38: {  	s10 =	sld [smem:$0x3FB5]  }
0x39: {  	_ = 	snop;
	(pc) =	sbr.ind lr, $3  }
0x3a: {  	_ = 	snop  }
0x3b: {  	_ = 	snop  }
0x3c: {  	p2 =	seq.s32 s10, $0x1;
	s10 =	sld [smem:$0x3FB4]  }
0x3d: {  	_ =	shalt  }
0x3e: {  	_ =	shalt  }
0x3f: {  	_ =	shalt  }
0x40: {  	_ =	shalt  }
0x41: {  	_ =	shalt  }
0x42: {  	_ =	shalt  }
0x43: {  	_ =	shalt  }
0x44: {  	_ =	shalt  }
0x45: {  	_ =	shalt  }
0x46: {  	_ =	shalt  }
0x47: {  	_ =	shalt  }
0x48: {  	_ =	shalt  }
0x49: {  	_ =	shalt  }
0x4a: {  	_ =	shalt  }
0x4b: {  	_ =	shalt  }
0x4c: {  	_ =	shalt  }
0x4d: {  	_ =	shalt  }
0x4e: {  	_ =	shalt  }
0x4f: {  	_ =	shalt  }
0x50: {  	_ =	shalt  }
0x51: {  	_ =	shalt  }
0x52: {  	_ =	shalt  }
0x53: {  	_ =	shalt  }
0x54: {  	_ =	shalt  }
0x55: {  	_ =	shalt  }
0x56: {  	_ =	shalt  }
0x57: {  	_ =	shalt  }
0x58: {  	_ =	shalt  }
0x59: {  	_ =	shalt  }
0x5a: {  	_ =	shalt  }
0x5b: {  	_ =	shalt  }
0x5c: {  	_ =	shalt  }
0x5d: {  	_ =	shalt  }
0x5e: {  	_ =	shalt  }
0x5f: {  	_ =	shalt  }
0x60: {  	_ =	shalt  }
0x61: {  	_ =	shalt  }
0x62: {  	_ =	shalt  }
0x63: {  	_ =	shalt  }
0x64: {  	_ =	shalt  }
0x65: {  	_ =	shalt  }
0x66: {  	_ =	shalt  }
0x67: {  	_ =	shalt  }
0x68: {  	_ =	shalt  }
0x69: {  	_ =	shalt  }
0x6a: {  	_ =	shalt  }
0x6b: {  	_ =	shalt  }
0x6c: {  	_ =	shalt  }
0x6d: {  	_ =	shalt  }
0x6e: {  	_ =	shalt  }
0x6f: {  	_ =	shalt  }
0x70: {  	_ =	shalt  }
0x71: {  	_ =	shalt  }
0x72: {  	_ =	shalt  }
0x73: {  	_ =	shalt  }
0x74: {  	_ =	shalt  }
0x75: {  	_ =	shalt  }
0x76: {  	_ =	shalt  }
0x77: {  	_ =	shalt  }
0x78: {  	_ =	shalt  }
0x79: {  	_ =	shalt  }
0x7a: {  	_ =	shalt  }
0x7b: {  	_ =	shalt  }
0x7c: {  	_ =	shalt  }
0x7d: {  	_ =	shalt  }
0x7e: {  	_ =	shalt  }
0x7f: {  	_ =	shalt  }
0x80: {  	_ =	shalt  }
0x81: {  	_ =	shalt  }
0x82: {  	_ =	shalt  }
0x83: {  	_ =	shalt  }
0x84: {  	_ =	shalt  }
0x85: {  	_ =	shalt  }
0x86: {  	_ =	shalt  }
0x87: {  	_ =	shalt  }
.Lfunc_end0:
.L_simem_size_0:
called_computation_lowered:
.L_overlay_start_0:
0x88: {  	s2 =	sld [smem:$0x3FD9]  }
0x89: {  	s3 =	sld [smem:$0x3FFE];
	_ =	sdelay $0x1  }
0x8a: {  	s1 =	srdreg.scid  }
0x8b: {  	s0 =	sand.u32 $0x1, s1  }
0x8c: {  	s17 =	sshll.u32 s0, $0xA;
	s2 =	sadd.s32 s3, s2  }
0x8d: {  	s2 =	sadd.s32 s2, s17  }
0x8e: {  	[smem:$0x3FC0] =	sst s2  }
0x8f: {  	_ = 	snop  }
0x90: {  	s2 =	sld [smem:$0x3FD0];
	(tm) =	ssettm $0x1  }
0x91: {  	s18 =	sld [smem:$0x3FFB];
	_ =	sdelay $0x3  }
0x92: {  	_ =	strace s18  }
0x93: {  	s3 =	sld [smem:$0x3FFC];
	_ =	sdelay $0x3  }
0x94: {  	_ =	strace s3  }
0x95: {  	s3 =	sld [smem:$0x3FFD];
	_ =	sdelay $0x3  }
0x96: {  	_ =	strace s3  }
0x97: {  	_ =	strace $0x8FFFFFFF  }
0x98: {  	s19 =	sld [smem:$0x3FDB];
	_ =	sdelay $0x1  }
0x99: {  	s4 =	simm.s32 $_scs_section_size  }
0x9a: {  	s5 =	simm.s32 $_size__tile_overlayer_lowered;
	s6 =	simm.s32 $_tile_overlayer_lowered  }
0x9b: {  	s22 =	simm.s32 $0x1BFF;
	s21 =	sshll.u32 s6, $0x1;
	s3 =	sadd.s32 s4, s19  }
0x9c: {  	s7 =	simm.s32 $0x0;
	s20 =	sshll.u32 s5, $0x1;
	s5 =	sadd.s32 s21, s3  }
0x9d: {  	[timem:s7], [sflag:s22] =	dma.local [hbm:s5], s20  }
0x9e: {  	_ =	swait.ge [sflag:s22], s20  }
0x9f: {  	s4 =	ssub.s32 $0x0, s20;
	[sflag:s22] =	ssyncset.done $0x0  }
0xa0: {  	[sflag:s22] =	ssyncadd.s32 s4;
	_ =	sdelay $0x1  }
0xa1: {  	s23 =	simm.s32 $0x1B8B  }
0xa2: {  	_ =	swait.ge [sflag:s23], $0x1  }
0xa3: {  	[sflag:s23] =	ssyncset.done $0x0  }
0xa4: {  	s25 =	simm.s32 $0x1B8E;
	s24 =	sld [smem:$0x3FFE];
	[sflag:s23] =	ssyncadd.s32 $0xFFFFFFFF  }
0xa5: {  	s26 =	simm.s32 $execute0_lowered;
	[smem:$0x3FD2] =	sst s25  }
0xa6: {  	s5 =	sshll.u32 s26, $0x1;
	_ =	strace $0x80000046;
	[dreg:$0x1] =	wrdreg $0xFFFFFFFF  }
0xa7: {  	s28 =	simm.s32 $_size_execute0_lowered;
	s3 =	sadd.s32 s3, s5;
	[dreg:$0x0] =	wrdreg $0x0  }
0xa8: {  	s5 =	sshll.u32 s28, $0x1;
	[dreg:$0x2] =	wrdreg s3  }
0xa9: {  	[dreg:$0x3] =	wrdreg s5  }
0xaa: {  	[dreg:$0x4] =	wrdreg $0xC0  }
0xab: {  	_ =	task [dreg:s7], $0x5FFFF  }
0xac: {  	[dreg:$0x1] =	wrdreg $0xFFFFFFFF  }
0xad: {  	[dreg:$0x0] =	wrdreg $0x60  }
0xae: {  	[dreg:$0x2] =	wrdreg s24  }
0xaf: {  	[dreg:$0x3] =	wrdreg s2  }
0xb0: {  	[dreg:$0x4] =	wrdreg $0x36000  }
0xb1: {  	[dreg:$0x5] =	wrdreg $0x9  }
0xb2: {  	_ =	task.clear_ibuf [dreg:s7], $0x6FFFF;
	_ =	strace $0x90000046  }
0xb3: {  	s29 =	simm.s32 $0x9;
	_ =	strace $0x80000048  }
0xb4: {  	_ =	swait.ge [sflag:s29], $0x1  }
0xb5: {  	[sflag:s29] =	ssyncadd.s32 $0xFFFFFFFF  }
0xb6: {  	_ =	strace $0x90000048  }
0xb7: {  	_ =	sfence  }
0xb8: {  	s30 =	sld [smem:$0x0];
	_ =	sdelay $0x2  }
0xb9: {  	s31 =	sshll.u32 s1, $0xD;
	s1 =	sshrl.u32 s1, $0x2  }
0xba: {  	s3 =	sand.u32 $0x4000, s31;
	s1 =	sadd.s32 s1, s30  }
0xbb: {  	s0 =	sor.u32 s3, s0;
	s1 =	sshll.u32 s1, $0x11  }
0xbc: {  	s0 =	sor.u32 s1, s0  }
0xbd: {  	s0 =	sadd.s32 $0x8F2B, s0  }
0xbe: {  	[sflag:s0] =	ssyncadd.remote.s32 $0x1  }
0xbf: {  	_ =	sfence.sel $0xFFFF  }
0xc0: {  	[dreg:$0x0] =	wrdreg $0xFFFFFFFF;
	(pc) =	sbr.abs _section_cstart, $3  }
0xc1: {  	[dreg:$0x1] =	wrdreg $0xFFFFFFFF  }
0xc2: {  	_ =	task.clear_ibuf [dreg:s7], $0x2FFFF;
	_ =	strace $0x9FFFFFFF  }
0xc3: {  	(tm) =	ssettm $0x7FFFFFFF  }
tec
execute0_lowered:
.L_overlay_start_1:
0x0: {  	(tag) =	ssettag $0x1  }
0x1: {  	s5 =	rddreg [dreg:$0x0]  }
0x2: {  	s11 =	rddreg [dreg:$0x1]  }
0x3: {  	s2 =	rddreg [dreg:$0x2]  }
0x4: {  	s3 =	simm.s32 $0x0;
	s0 =	stileid.u32;
	s4 =	srdreg.scid  }
0x5: {  	s20 =	simm.s32 $0x480;
	s21 =	simm.s32 $0x1E00;
	s6 =	smul.u32 $0xC800, s0  }
0x6: {  	s22 =	simm.s32 $0x2;
	s23 =	simm.s32 $0x3;
	s9 =	smul.u32 $0x42, s0  }
0x7: {  	[smem:$0x7FF] =	sst s3;
	s8 =	sand.u32 $0x1, s4;
	s19 =	smul.u32 $0xC60, s0  }
0x8: {  	s4 =	sadd.s32 $0x1200, s5;
	s12 =	sadd.s32 $0x32E00, s5;
	s7 =	smul.u32 $0x420, s8  }
0x9: {  	s13 =	sadd.s32 $0x1A200, s5;
	s30 =	sshll.u32 s0, $0x6;
	s16 =	smul.u32 $0x19000, s8  }
0xa: {  	_ =	strace $0x80000047;
	s10 =	ssub.s32 $0x2, s8;
	s18 =	smul.u32 $0xC600, s8  }
0xb: {  	s24 =	sshrl.u32 s6, $0x3;
	s14 =	sshrl.u32 s10, $0x1;
	s15 =	sadd.s32 s6, s2  }
0xc: {  	s6 =	sor.u32 $0x1C04, s30;
	s5 =	sadd.s32 s24, s5;
	s7 =	sadd.s32 s9, s7  }
0xd: {  	s14 =	ssub.s32 s10, s14;
	s25 =	sadd.s32 s11, s16;
	s9 =	smul.u32 $0x180, s7  }
0xe: {  	s16 =	simm.s32 $0x300;
	s1 =	sadd.s32 $0x4BA00, s5;
	s31 =	smul.u32 $0x30, s7  }
0xf: {  	s11 =	smax.u32 s14, $0x1;
	s14 =	sshrl.u32 s15, $0x3;
	s15 =	simm.s32 $0x4  }
0x10: {  	s24 =	sadd.s32 s24, s25;
	s25 =	simm.s32 $0x0;
	s9 =	sshrl.u32 s9, $0x3  }
0x11: {  	[dreg:$0x4] =	wrdreg s1;
	s7 =	sadd.s32 s12, s31;
	s17 =	sadd.s32 $0x30, s9  }
0x12: {  	s8 =	sadd.s32 s13, s31;
	s9 =	sadd.s32 s12, s17;
	s10 =	sadd.s32 s13, s17  }
0x13: {  	s12 =	sadd.s32 s18, s12;
	s13 =	sadd.s32 s18, s13;
	s17 =	simm.s32 $0x1  }
0x14: {  	s18 =	simm.s32 $0x180;
	s12 =	sadd.s32 s19, s12;
	s13 =	sadd.s32 s19, s13  }
0x15: {  	s19 =	simm.s32 $0x600;
	s12 =	sadd.s32 $0x60, s12;
	s13 =	sadd.s32 $0x60, s13  }
.LBB2_1:
0x16: {  	s0 =	rddreg [dreg:$0x4]  }
0x17: {  	[spmem:s14], [sflag:s6] =	dma.local [hbm:s0], $0x1900  }
0x18: {  	_ =	swait.ge [sflag:s15], $0x1900  }
0x19: {  	[sflag:s15] =	ssyncset.done $0x0  }
0x1a: {  	[sflag:s15] =	ssyncadd.s32 $0xFFFFE700  }
0x1b: {  	[bflag:$0x0] =	sbarrier.arrive $0xFFFF  }
0x1c: {  	[tilespmem:s3], [sflag:$0x1] =	stream.linear.gather [hbm4b:s7+s3], $0x180, $0x38;
	[tilespmem:$0xFE00] =	vst v63  }
0x1d: {  	_ = 	snop  }
0x1e: {  	[tilespmem:s16], [sflag:$0x1] =	stream.linear.gather [hbm4b:s8+s3], $0x180, $0x38;
	[tilespmem:$0xFE00] =	vst v63  }
0x1f: {  	_ =	swait.ge [sflag:s17], $0x180  }
0x20: {  	[sflag:s17] =	ssyncset.done $0x0  }
0x21: {  	[sflag:s17] =	ssyncadd.s32 $0xFFFFFE80  }
0x22: {  	_ =	swait.ge [sflag:s17], $0x180  }
0x23: {  	[sflag:s17] =	ssyncset.done $0x0  }
0x24: {  	[sflag:s17] =	ssyncadd.s32 $0xFFFFFE80  }
0x25: {  	[tilespmem:s19], [sflag:$0x2] =	stream.indirect.gather [hbm4b:s4+s18], $0x10, s3, s18, $0xb8;
	[tilespmem:$0xFE00] =	vst v63  }
0x26: {  	_ = 	snop  }
0x27: {  	[tilespmem:s18], [sflag:$0x1] =	stream.linear.gather [hbm4b:s9+s3], $0x180, $0x38;
	[tilespmem:$0xFE00] =	vst v63  }
0x28: {  	_ = 	snop  }
0x29: {  	[tilespmem:s20], [sflag:$0x1] =	stream.linear.gather [hbm4b:s10+s3], $0x180, $0x38;
	[tilespmem:$0xFE00] =	vst v63  }
0x2a: {  	_ =	swait.ge [sflag:s22], $0x1800  }
0x2b: {  	[sflag:s22] =	ssyncset.done $0x0  }
0x2c: {  	[sflag:s22] =	ssyncadd.s32 $0xFFFFE800  }
0x2d: {  	[spmem:s2] =	stream.indirect.scatter.add.f32 [tilespmem:s19], [sflag:$0x3], $0x10, s16, s18, $0xb8;
	[tilespmem:$0xFE00] =	vst v63  }
0x2e: {  	_ =	swait.ge [sflag:s17], $0x180  }
0x2f: {  	[sflag:s17] =	ssyncset.done $0x0  }
0x30: {  	[sflag:s17] =	ssyncadd.s32 $0xFFFFFE80  }
0x31: {  	_ =	swait.ge [sflag:s17], $0x180  }
0x32: {  	[sflag:s17] =	ssyncset.done $0x0  }
0x33: {  	[sflag:s17] =	ssyncadd.s32 $0xFFFFFE80  }
0x34: {  	[tilespmem:s21], [sflag:$0x2] =	stream.indirect.gather [hbm4b:s4+s18], $0x10, s18, s18, $0xb8;
	[tilespmem:$0xFE00] =	vst v63  }
0x35: {  	_ =	swait.ge [sflag:s22], $0x1800  }
0x36: {  	[sflag:s22] =	ssyncset.done $0x0  }
0x37: {  	s28 =	sand.u32 $0x1, s22;
	s29 =	simm.s32 $0x1;
	[sflag:s22] =	ssyncadd.s32 $0xFFFFE800  }
0x38: {  	s26 =	smul.u32 $0x180, s28;
	s29 =	sand.u32 $0x1, s29;
	_ =	swait.ge [sflag:s23], $0x1800  }
0x39: {  	s30 =	smul.u32 $0x600, s29;
	[sflag:s23] =	ssyncset.done $0x0  }
0x3a: {  	s29 =	smul.u32 $0x6000, s29;
	[sflag:s23] =	ssyncadd.s32 $0xFFFFE800  }
0x3b: {  	[tilespmem:s26], [sflag:$0x1] =	stream.linear.gather [hbm4b:s12+s3], $0x180, $0x38;
	[tilespmem:$0xFE00] =	vst v63  }
0x3c: {  	s31 =	sadd.s32 $0x300, s26;
	s30 =	sshrl.u32 s30, $0x2;
	s29 =	sshrl.u32 s29, $0x2  }
0x3d: {  	[tilespmem:s31], [sflag:$0x1] =	stream.linear.gather [hbm4b:s13+s3], $0x180, $0x38;
	[tilespmem:$0xFE00] =	vst v63  }
0x3e: {  	s28 =	smul.u32 $0x6000, s28;
	s30 =	sadd.s32 $0x300, s30;
	s29 =	sor.u32 $0x600, s29  }
0x3f: {  	[spmem:s2] =	stream.indirect.scatter.add.f32 [tilespmem:s29], [sflag:$0x3], $0x10, s30, s18, $0xb8;
	[tilespmem:$0xFE00] =	vst v63  }
0x40: {  	_ =	swait.ge [sflag:s17], $0x180  }
0x41: {  	s29 =	sshrl.u32 s28, $0x2;
	[sflag:s17] =	ssyncset.done $0x0  }
0x42: {  	s28 =	simm.s32 $0x3;
	s30 =	smov.u32 s13;
	[sflag:s17] =	ssyncadd.s32 $0xFFFFFE80  }
0x43: {  	s31 =	sor.u32 $0x600, s29;
	s29 =	smov.u32 s12;
	_ =	swait.ge [sflag:s17], $0x180  }
.LBB2_2:
0x44: {  	[sflag:s17] =	ssyncset.done $0x0  }
0x45: {  	s29 =	sadd.s32 $0x30, s29;
	s30 =	sadd.s32 $0x30, s30;
	s0 =	smov.u32 s28  }
0x46: {  	p0 =	sne.s32 s28, $0x41;
	s28 =	sadd.s32 $0x1, s28;
	[sflag:s17] =	ssyncadd.s32 $0xFFFFFE80  }
0x47: {  	[tilespmem:s31], [sflag:$0x2] =	stream.indirect.gather [hbm4b:s4+s18], $0x10, s26, s18, $0xb8;
	[tilespmem:$0xFE00] =	vst v63  }
0x48: {  	_ =	swait.ge [sflag:s22], $0x1800  }
0x49: {  	[sflag:s22] =	ssyncset.done $0x0  }
0x4a: {  	s31 =	sand.u32 $0x1, s0;
	[sflag:s22] =	ssyncadd.s32 $0xFFFFE800  }
0x4b: {  	s0 =	sadd.s32 $0xFFFFFFFF, s0;
	s26 =	smul.u32 $0x180, s31;
	_ =	swait.ge [sflag:s23], $0x1800  }
0x4c: {  	s0 =	sand.u32 $0x1, s0;
	s31 =	smul.u32 $0x6000, s31;
	[sflag:s23] =	ssyncset.done $0x0  }
0x4d: {  	s1 =	smul.u32 $0x600, s0;
	[sflag:s23] =	ssyncadd.s32 $0xFFFFE800  }
0x4e: {  	[tilespmem:s26], [sflag:$0x1] =	stream.linear.gather [hbm4b:s29+s3], $0x180, $0x38;
	[tilespmem:$0xFE00] =	vst v63  }
0x4f: {  	s0 =	smul.u32 $0x6000, s0;
	s5 =	sadd.s32 $0x300, s26;
	s1 =	sshrl.u32 s1, $0x2  }
0x50: {  	[tilespmem:s5], [sflag:$0x1] =	stream.linear.gather [hbm4b:s30+s3], $0x180, $0x38;
	[tilespmem:$0xFE00] =	vst v63  }
0x51: {  	s0 =	sshrl.u32 s0, $0x2;
	s1 =	sadd.s32 $0x300, s1;
	s5 =	sshrl.u32 s31, $0x2  }
0x52: {  	s0 =	sor.u32 $0x600, s0;
	s31 =	sor.u32 $0x600, s5  }
0x53: {  	[spmem:s2] =	stream.indirect.scatter.add.f32 [tilespmem:s0], [sflag:$0x3], $0x10, s1, s18, $0xb8;
	[tilespmem:$0xFE00] =	vst v63  }
.Ltmp0:
0x54: {  	_ = 	snop;
	(pc) =	sbr.rel @p0 .LBB2_2-.Ltmp0, $4  }
0x55: {  	_ =	swait.ge [sflag:s17], $0x180  }
0x56: {  	[sflag:s17] =	ssyncset.done $0x0  }
0x57: {  	[sflag:s17] =	ssyncadd.s32 $0xFFFFFE80  }
0x58: {  	_ =	swait.ge [sflag:s17], $0x180  }
0x59: {  	[sflag:s17] =	ssyncset.done $0x0  }
0x5a: {  	[sflag:s17] =	ssyncadd.s32 $0xFFFFFE80  }
0x5b: {  	[tilespmem:s31], [sflag:$0x2] =	stream.indirect.gather [hbm4b:s4+s18], $0x10, s26, s18, $0xb8;
	[tilespmem:$0xFE00] =	vst v63  }
0x5c: {  	_ =	swait.ge [sflag:s22], $0x1800  }
0x5d: {  	[sflag:s22] =	ssyncset.done $0x0  }
0x5e: {  	[sflag:s22] =	ssyncadd.s32 $0xFFFFE800  }
0x5f: {  	_ =	swait.ge [sflag:s23], $0x1800  }
0x60: {  	[sflag:s23] =	ssyncset.done $0x0  }
0x61: {  	[sflag:s23] =	ssyncadd.s32 $0xFFFFE800  }
0x62: {  	[spmem:s2] =	stream.indirect.scatter.add.f32 [tilespmem:s21], [sflag:$0x3], $0x10, s20, s18, $0xb8;
	[tilespmem:$0xFE00] =	vst v63  }
0x63: {  	_ =	swait.ge [sflag:s23], $0x1800  }
0x64: {  	s25 =	sadd.s32 $0x1, s25;
	[sflag:s23] =	ssyncset.done $0x0  }
0x65: {  	p0 =	sne.s32 s25, s11;
	[sflag:s23] =	ssyncadd.s32 $0xFFFFE800  }
.Ltmp1:
0x66: {  	[bflag:$0x0] =	sbarrier.arrive $0xFFFF;
	(pc) =	sbr.rel @p0 .LBB2_1-.Ltmp1, $4  }
0x67: {  	[hbm:s24], [sflag:s6] =	dma.local [spmem:s14], $0x1900  }
0x68: {  	_ =	swait.ge [sflag:s15], $0x1900  }
0x69: {  	[sflag:s15] =	ssyncset.done $0x0  }
0x6a: {  	[sflag:s15] =	ssyncadd.s32 $0xFFFFE700  }
0x6b: {  	_ =	sfence.sel $0x180000  }
0x6c: {  	[bflag:$0x0] =	sbarrier.arrive $0xFFFF  }
0x6d: {  	_ =	strace $0x90000047  }
0x6e: {  	s0 =	stileid.u32;
	[bflag:$0x2] =	sbarrier.arrive $0xFFFF  }
0x6f: {  	p0 =	sne.s32 s0, $0x0;
	s0 =	rddreg [dreg:$0x3]  }
0x70: {  	s0 =	sadd.s32 @!p0 $0x100000, s0  }
0x71: {  	[sflag:s0] =	ssyncadd.tile.s32 @!p0 $0x1;
	_ =	shalt  }
.Lfunc_end2:
_tile_overlayer_lowered:
.L_overlay_start_2:
0x72: {  	(tag) =	ssettag $0x2  }
0x73: {  	s0 =	rddreg [dreg:$0x0];
	s2 =	stileid.u32  }
0x74: {  	s1 =	rddreg [dreg:$0x1];
	p0 =	sne.s32 s2, $0x0  }
0x75: {  	s3 =	rddreg [dreg:$0x2];
	[bflag:$0x3] =	sbarrier.arrive $0xFFFF;
	s2 =	simm.s32 @!p0 $0x1C04  }
0x76: {  	[timem:s3], [sflag:s2] =	dma.local @!p0 [hbm:s0], s1  }
0x77: {  	s0 =	simm.s32 @!p0 $0x4  }
0x78: {  	_ =	swait.ge @!p0 [sflag:s0], s1  }
0x79: {  	s1 =	ssub.s32 @!p0 $0x0, s1;
	[sflag:s0] =	ssyncset.done @!p0 $0x0  }
0x7a: {  	[sflag:s0] =	ssyncadd.s32 @!p0 s1  }
0x7b: {  	[bflag:$0x3] =	sbarrier.arrive $0xFFFF  }
0x7c: {  	_ =	shalt  }

// kernel: kernel.9.cloned.1.call-start
scs
__scs_entry_jumppad:
0x0: {  	(pc) =	sbr.rel $0x88, $3  }
0x1: {  	(tag) =	ssettag $0x0;
	lr =	simm.s32 $0x1  }
0x2: {  	[smem:$0x3F99] =	sst lr;
	_ =	strace $0xD0000000  }
0x3: {  	_ = 	snop  }
0x4: {  	_ = 	snop  }
0x5: {  	_ = 	snop  }
0x6: {  	_ = 	snop  }
0x7: {  	_ = 	snop  }
__scs_overlays_trampoline_lowered:
0x8: {  	[smem:$0x3FA8] =	sst s0  }
0x9: {  	[smem:$0x3FA9] =	sst s1  }
0xa: {  	[smem:$0x3FAA] =	sst s2  }
0xb: {  	[smem:$0x3FAB] =	sst s3  }
0xc: {  	[smem:$0x3FAC] =	sst s4  }
0xd: {  	[smem:$0x3FAD] =	sst s5  }
0xe: {  	[smem:$0x3FAE] =	sst s6  }
0xf: {  	[smem:$0x3FAF] =	sst s7  }
0x10: {  	[smem:$0x3FB0] =	sst s8  }
0x11: {  	[smem:$0x3FB1] =	sst s9;
	s0 =	simm.s32 @!p0 $0x0  }
0x12: {  	s1 =	sld [smem:$0x3F97];
	s0 =	simm.s32 @p0 $0x1  }
0x13: {  	[smem:$0x3FB2] =	sst s0;
	s0 =	simm.s32 @!p1 $0x0  }
0x14: {  	s2 =	sld [smem:$0x3F96];
	s0 =	simm.s32 @p1 $0x1  }
0x15: {  	[smem:$0x3FB3] =	sst s0;
	s0 =	simm.s32 @!p2 $0x0  }
0x16: {  	s3 =	sld [smem:$0x3FDB];
	s0 =	simm.s32 @p2 $0x1  }
0x17: {  	s4 =	simm.s32 $0x1BF5;
	[smem:$0x3FB5] =	sst s0  }
0x18: {  	s0 =	sld [smem:$0x3F98];
	_ =	swait.ge [sflag:s4], $0x0  }
0x19: {  	s7 =	sld [smem:$0x3F99]  }
0x1a: {  	s8 =	sadd.s32 $0xFFFFE003, lr  }
0x1b: {  	s9 =	sadd.s32 $0xFFFFFEF7, lr;
	s5 =	simm.s32 $0xFFFFFFFF;
	p2 =	slt.u32 s8, $0xFFFFF086  }
0x1c: {  	p1 =	slt.u32 s9, $0xF7A;
	s5 =	simm.s32 @!p2 $0x0  }
0x1d: {  	s5 =	simm.s32 @p1 $0x1;
	p0 =	seq.s32 s7, s2  }
0x1e: {  	s7 =	smul.u32 @!p0 $0xF7A, s2;
	p2 =	seq.s32 @!p0 s5, $0x0  }
0x1f: {  	s9 =	smul.u32 $0xF7A, s1;
	s8 =	simm.s32 @!p0 $0x1BF5;
	p2 =	por !p2, p0  }
0x20: {  	[sflag:s8] =	ssyncset.s32 @!p0 $0xFFFFF086;
	s6 =	sadd.s32 @!p0 s3, s7;
	s7 =	simm.s32 @!p0 $0x108  }
0x21: {  	s3 =	sadd.s32 s3, s9;
	s6 =	sadd.s32 @!p0 $0x88, s6;
	s7 =	simm.s32 @p2 $0x1082  }
0x22: {  	[simem:s7], [sflag:s8] =	dma.local @!p0 [hbm:s6], $0xF7A  }
0x23: {  	s9 =	sor.u32 $0xD0000000, s2;
	s6 =	simm.s32 $0x108;
	_ =	swait.ge @!p0 [sflag:s8], $0x0  }
0x24: {  	s3 =	sadd.s32 $0x88, s3;
	s6 =	simm.s32 @!p1 $0x1082;
	[sflag:s4] =	ssyncset.s32 $0xFFFFF086  }
0x25: {  	[simem:s6], [sflag:s4] =	dma.local [hbm:s3], $0xF7A  }
0x26: {  	[smem:$0x3F99] =	sst s1;
	(tag) =	ssettag s2;
	_ =	strace s9  }
0x27: {  	s1 =	sld [smem:$0x3FA9]  }
0x28: {  	s2 =	sld [smem:$0x3FAA]  }
0x29: {  	s4 =	sld [smem:$0x3FAC]  }
0x2a: {  	p0 =	seq.s32 s5, $0x0;
	s5 =	sld [smem:$0x3FAD]  }
0x2b: {  	s6 =	sld [smem:$0x3FAE]  }
0x2c: {  	s7 =	sld [smem:$0x3FAF]  }
0x2d: {  	s3 =	simm.s32 $0x108;
	s8 =	sld [smem:$0x3FB0]  }
0x2e: {  	s3 =	simm.s32 @!p0 $0x1082;
	s9 =	sld [smem:$0x3FB1]  }
0x2f: {  	lr =	sadd.s32 s0, s3;
	s0 =	sld [smem:$0x3FA8]  }
0x30: {  	s3 =	sld [smem:$0x3FAB]  }
0x31: {  	[smem:$0x3FB4] =	sst s10  }
0x32: {  	s10 =	sld [smem:$0x3FB2];
	_ =	sdelay $0x3  }
0x33: {  	p0 =	seq.s32 s10, $0x1;
	s10 =	sld [smem:$0x3FB4];
	_ =	sdelay $0x3  }
0x34: {  	[smem:$0x3FB4] =	sst s10  }
0x35: {  	s10 =	sld [smem:$0x3FB3];
	_ =	sdelay $0x3  }
0x36: {  	p1 =	seq.s32 s10, $0x1;
	s10 =	sld [smem:$0x3FB4];
	_ =	sdelay $0x3  }
0x37: {  	[smem:$0x3FB4] =	sst s10  }
0x38: {  	s10 =	sld [smem:$0x3FB5]  }
0x39: {  	_ = 	snop;
	(pc) =	sbr.ind lr, $3  }
0x3a: {  	_ = 	snop  }
0x3b: {  	_ = 	snop  }
0x3c: {  	p2 =	seq.s32 s10, $0x1;
	s10 =	sld [smem:$0x3FB4]  }
0x3d: {  	_ =	shalt  }
0x3e: {  	_ =	shalt  }
0x3f: {  	_ =	shalt  }
0x40: {  	_ =	shalt  }
0x41: {  	_ =	shalt  }
0x42: {  	_ =	shalt  }
0x43: {  	_ =	shalt  }
0x44: {  	_ =	shalt  }
0x45: {  	_ =	shalt  }
0x46: {  	_ =	shalt  }
0x47: {  	_ =	shalt  }
0x48: {  	_ =	shalt  }
0x49: {  	_ =	shalt  }
0x4a: {  	_ =	shalt  }
0x4b: {  	_ =	shalt  }
0x4c: {  	_ =	shalt  }
0x4d: {  	_ =	shalt  }
0x4e: {  	_ =	shalt  }
0x4f: {  	_ =	shalt  }
0x50: {  	_ =	shalt  }
0x51: {  	_ =	shalt  }
0x52: {  	_ =	shalt  }
0x53: {  	_ =	shalt  }
0x54: {  	_ =	shalt  }
0x55: {  	_ =	shalt  }
0x56: {  	_ =	shalt  }
0x57: {  	_ =	shalt  }
0x58: {  	_ =	shalt  }
0x59: {  	_ =	shalt  }
0x5a: {  	_ =	shalt  }
0x5b: {  	_ =	shalt  }
0x5c: {  	_ =	shalt  }
0x5d: {  	_ =	shalt  }
0x5e: {  	_ =	shalt  }
0x5f: {  	_ =	shalt  }
0x60: {  	_ =	shalt  }
0x61: {  	_ =	shalt  }
0x62: {  	_ =	shalt  }
0x63: {  	_ =	shalt  }
0x64: {  	_ =	shalt  }
0x65: {  	_ =	shalt  }
0x66: {  	_ =	shalt  }
0x67: {  	_ =	shalt  }
0x68: {  	_ =	shalt  }
0x69: {  	_ =	shalt  }
0x6a: {  	_ =	shalt  }
0x6b: {  	_ =	shalt  }
0x6c: {  	_ =	shalt  }
0x6d: {  	_ =	shalt  }
0x6e: {  	_ =	shalt  }
0x6f: {  	_ =	shalt  }
0x70: {  	_ =	shalt  }
0x71: {  	_ =	shalt  }
0x72: {  	_ =	shalt  }
0x73: {  	_ =	shalt  }
0x74: {  	_ =	shalt  }
0x75: {  	_ =	shalt  }
0x76: {  	_ =	shalt  }
0x77: {  	_ =	shalt  }
0x78: {  	_ =	shalt  }
0x79: {  	_ =	shalt  }
0x7a: {  	_ =	shalt  }
0x7b: {  	_ =	shalt  }
0x7c: {  	_ =	shalt  }
0x7d: {  	_ =	shalt  }
0x7e: {  	_ =	shalt  }
0x7f: {  	_ =	shalt  }
0x80: {  	_ =	shalt  }
0x81: {  	_ =	shalt  }
0x82: {  	_ =	shalt  }
0x83: {  	_ =	shalt  }
0x84: {  	_ =	shalt  }
0x85: {  	_ =	shalt  }
0x86: {  	_ =	shalt  }
0x87: {  	_ =	shalt  }
.Lfunc_end0:
.L_simem_size_0:
called_computation.1_lowered:
.L_overlay_start_0:
0x88: {  	s2 =	sld [smem:$0x3FD9]  }
0x89: {  	s3 =	sld [smem:$0x3FFE];
	_ =	sdelay $0x1  }
0x8a: {  	s1 =	srdreg.scid  }
0x8b: {  	s0 =	sand.u32 $0x1, s1  }
0x8c: {  	s17 =	sshll.u32 s0, $0xA;
	s2 =	sadd.s32 s3, s2  }
0x8d: {  	s2 =	sadd.s32 s2, s17  }
0x8e: {  	[smem:$0x3FC0] =	sst s2  }
0x8f: {  	_ = 	snop  }
0x90: {  	s2 =	sld [smem:$0x3FD0];
	(tm) =	ssettm $0x1  }
0x91: {  	s18 =	sld [smem:$0x3FFB];
	_ =	sdelay $0x3  }
0x92: {  	_ =	strace s18  }
0x93: {  	s3 =	sld [smem:$0x3FFC];
	_ =	sdelay $0x3  }
0x94: {  	_ =	strace s3  }
0x95: {  	s3 =	sld [smem:$0x3FFD];
	_ =	sdelay $0x3  }
0x96: {  	_ =	strace s3  }
0x97: {  	_ =	strace $0x8FFFFFFF  }
0x98: {  	s19 =	sld [smem:$0x3FDB];
	_ =	sdelay $0x1  }
0x99: {  	s4 =	simm.s32 $_scs_section_size  }
0x9a: {  	s5 =	simm.s32 $_size__tile_overlayer_lowered;
	s6 =	simm.s32 $_tile_overlayer_lowered  }
0x9b: {  	s22 =	simm.s32 $0x1BFF;
	s21 =	sshll.u32 s6, $0x1;
	s3 =	sadd.s32 s4, s19  }
0x9c: {  	s7 =	simm.s32 $0x0;
	s20 =	sshll.u32 s5, $0x1;
	s5 =	sadd.s32 s21, s3  }
0x9d: {  	[timem:s7], [sflag:s22] =	dma.local [hbm:s5], s20  }
0x9e: {  	_ =	swait.ge [sflag:s22], s20  }
0x9f: {  	s4 =	ssub.s32 $0x0, s20;
	[sflag:s22] =	ssyncset.done $0x0  }
0xa0: {  	[sflag:s22] =	ssyncadd.s32 s4;
	_ =	sdelay $0x1  }
0xa1: {  	s23 =	simm.s32 $0x1B8B  }
0xa2: {  	_ =	swait.ge [sflag:s23], $0x1  }
0xa3: {  	[sflag:s23] =	ssyncset.done $0x0  }
0xa4: {  	s25 =	simm.s32 $0x1B8E;
	s24 =	sld [smem:$0x3FFE];
	[sflag:s23] =	ssyncadd.s32 $0xFFFFFFFF  }
0xa5: {  	s26 =	simm.s32 $execute0_lowered;
	[smem:$0x3FD2] =	sst s25  }
0xa6: {  	s5 =	sshll.u32 s26, $0x1;
	_ =	strace $0x80000049;
	[dreg:$0x1] =	wrdreg $0xFFFFFFFF  }
0xa7: {  	s28 =	simm.s32 $_size_execute0_lowered;
	s3 =	sadd.s32 s3, s5;
	[dreg:$0x0] =	wrdreg $0x0  }
0xa8: {  	s5 =	sshll.u32 s28, $0x1;
	[dreg:$0x2] =	wrdreg s3  }
0xa9: {  	[dreg:$0x3] =	wrdreg s5  }
0xaa: {  	[dreg:$0x4] =	wrdreg $0xC0  }
0xab: {  	_ =	task [dreg:s7], $0x5FFFF  }
0xac: {  	[dreg:$0x1] =	wrdreg $0xFFFFFFFF  }
0xad: {  	[dreg:$0x0] =	wrdreg $0x60  }
0xae: {  	[dreg:$0x2] =	wrdreg s2  }
0xaf: {  	[dreg:$0x3] =	wrdreg s24  }
0xb0: {  	[dreg:$0x4] =	wrdreg $0x66000  }
0xb1: {  	[dreg:$0x5] =	wrdreg $0x9  }
0xb2: {  	_ =	task.clear_ibuf [dreg:s7], $0x6FFFF;
	_ =	strace $0x90000049  }
0xb3: {  	s29 =	simm.s32 $0x9;
	_ =	strace $0x8000004B  }
0xb4: {  	_ =	swait.ge [sflag:s29], $0x1  }
0xb5: {  	[sflag:s29] =	ssyncadd.s32 $0xFFFFFFFF  }
0xb6: {  	_ =	strace $0x9000004B  }
0xb7: {  	_ =	sfence  }
0xb8: {  	s30 =	sld [smem:$0x0];
	_ =	sdelay $0x2  }
0xb9: {  	s31 =	sshll.u32 s1, $0xD;
	s1 =	sshrl.u32 s1, $0x2  }
0xba: {  	s3 =	sand.u32 $0x4000, s31;
	s1 =	sadd.s32 s1, s30  }
0xbb: {  	s0 =	sor.u32 s3, s0;
	s1 =	sshll.u32 s1, $0x11  }
0xbc: {  	s0 =	sor.u32 s1, s0  }
0xbd: {  	s0 =	sadd.s32 $0x8F2B, s0  }
0xbe: {  	[sflag:s0] =	ssyncadd.remote.s32 $0x1  }
0xbf: {  	_ =	sfence.sel $0xFFFF  }
0xc0: {  	[dreg:$0x0] =	wrdreg $0xFFFFFFFF;
	(pc) =	sbr.abs _section_cstart, $3  }
0xc1: {  	[dreg:$0x1] =	wrdreg $0xFFFFFFFF  }
0xc2: {  	_ =	task.clear_ibuf [dreg:s7], $0x2FFFF;
	_ =	strace $0x9FFFFFFF  }
0xc3: {  	(tm) =	ssettm $0x7FFFFFFF  }
tec
execute0_lowered:
.L_overlay_start_1:
0x0: {  	(tag) =	ssettag $0x1  }
0x1: {  	s8 =	rddreg [dreg:$0x0]  }
0x2: {  	s4 =	rddreg [dreg:$0x1]  }
0x3: {  	s2 =	rddreg [dreg:$0x2];
	s3 =	simm.s32 $0x0;
	s0 =	stileid.u32  }
0x4: {  	s6 =	srdreg.scid;
	s16 =	simm.s32 $0x300;
	s17 =	simm.s32 $0x1  }
0x5: {  	s18 =	simm.s32 $0x180;
	s19 =	simm.s32 $0x600;
	s20 =	simm.s32 $0x480  }
0x6: {  	s21 =	simm.s32 $0x3600;
	s22 =	simm.s32 $0x2;
	s23 =	simm.s32 $0x3  }
0x7: {  	[smem:$0x7FF] =	sst s3;
	s5 =	smul.u32 $0x19000, s0;
	s6 =	sand.u32 $0x1, s6  }
0x8: {  	s9 =	sadd.s32 $0x32E00, s4;
	s11 =	sadd.s32 $0x1A200, s4;
	s13 =	smul.u32 $0x18C0, s0  }
0x9: {  	s29 =	sshll.u32 s0, $0x6;
	s10 =	smul.u32 $0x32000, s6;
	s6 =	ssub.s32 $0x2, s6  }
0xa: {  	_ =	strace $0x8000004A;
	s24 =	sshrl.u32 s5, $0x3;
	s28 =	sshrl.u32 s6, $0x1  }
0xb: {  	s15 =	sadd.s32 s5, s2;
	s5 =	sor.u32 $0x1C04, s29;
	s31 =	sor.u32 $0x30, s13  }
0xc: {  	s7 =	sadd.s32 s24, s4;
	s12 =	sadd.s32 s10, s4;
	s14 =	ssub.s32 s6, s28  }
0xd: {  	s6 =	sadd.s32 s9, s13;
	s8 =	sadd.s32 s8, s10;
	s9 =	sadd.s32 s9, s31  }
0xe: {  	s10 =	sadd.s32 s11, s31;
	s30 =	sadd.s32 $0xAFA00, s7;
	s7 =	sadd.s32 s11, s13  }
0xf: {  	s25 =	sadd.s32 $0xE1A00, s12;
	s11 =	smax.u32 s14, $0x1;
	s12 =	sadd.s32 $0x60, s6  }
0x10: {  	s14 =	sshrl.u32 s15, $0x3;
	s15 =	simm.s32 $0x4;
	[dreg:$0x4] =	wrdreg s30  }
0x11: {  	s13 =	sadd.s32 $0x60, s7;
	s24 =	sadd.s32 s24, s25;
	s25 =	simm.s32 $0x0  }
.LBB2_1:
0x12: {  	s0 =	rddreg [dreg:$0x4]  }
0x13: {  	[spmem:s14], [sflag:s5] =	dma.local [hbm:s0], $0x3200  }
0x14: {  	_ =	swait.ge [sflag:s15], $0x3200  }
0x15: {  	[sflag:s15] =	ssyncset.done $0x0  }
0x16: {  	[sflag:s15] =	ssyncadd.s32 $0xFFFFCE00  }
0x17: {  	[bflag:$0x0] =	sbarrier.arrive $0xFFFF  }
0x18: {  	[tilespmem:s3], [sflag:$0x1] =	stream.linear.gather [hbm4b:s6+s3], $0x180, $0x38;
	[tilespmem:$0x1F600] =	vst v63  }
0x19: {  	_ = 	snop  }
0x1a: {  	[tilespmem:s16], [sflag:$0x1] =	stream.linear.gather [hbm4b:s7+s3], $0x180, $0x38;
	[tilespmem:$0x1F600] =	vst v63  }
0x1b: {  	_ =	swait.ge [sflag:s17], $0x180  }
0x1c: {  	[sflag:s17] =	ssyncset.done $0x0  }
0x1d: {  	[sflag:s17] =	ssyncadd.s32 $0xFFFFFE80  }
0x1e: {  	_ =	swait.ge [sflag:s17], $0x180  }
0x1f: {  	[sflag:s17] =	ssyncset.done $0x0  }
0x20: {  	[sflag:s17] =	ssyncadd.s32 $0xFFFFFE80  }
0x21: {  	[tilespmem:s19], [sflag:$0x2] =	stream.indirect.gather [hbm4b:s8+s18], $0x20, s3, s18, $0xb8;
	[tilespmem:$0x1F600] =	vst v63  }
0x22: {  	_ = 	snop  }
0x23: {  	[tilespmem:s18], [sflag:$0x1] =	stream.linear.gather [hbm4b:s9+s3], $0x180, $0x38;
	[tilespmem:$0x1F600] =	vst v63  }
0x24: {  	_ = 	snop  }
0x25: {  	[tilespmem:s20], [sflag:$0x1] =	stream.linear.gather [hbm4b:s10+s3], $0x180, $0x38;
	[tilespmem:$0x1F600] =	vst v63  }
0x26: {  	_ =	swait.ge [sflag:s22], $0x3000  }
0x27: {  	[sflag:s22] =	ssyncset.done $0x0  }
0x28: {  	[sflag:s22] =	ssyncadd.s32 $0xFFFFD000  }
0x29: {  	[spmem:s2] =	stream.indirect.scatter.add.f32 [tilespmem:s19], [sflag:$0x3], $0x20, s16, s18, $0xb8;
	[tilespmem:$0x1F600] =	vst v63  }
0x2a: {  	_ =	swait.ge [sflag:s17], $0x180  }
0x2b: {  	[sflag:s17] =	ssyncset.done $0x0  }
0x2c: {  	[sflag:s17] =	ssyncadd.s32 $0xFFFFFE80  }
0x2d: {  	_ =	swait.ge [sflag:s17], $0x180  }
0x2e: {  	[sflag:s17] =	ssyncset.done $0x0  }
0x2f: {  	[sflag:s17] =	ssyncadd.s32 $0xFFFFFE80  }
0x30: {  	[tilespmem:s21], [sflag:$0x2] =	stream.indirect.gather [hbm4b:s8+s18], $0x20, s18, s18, $0xb8;
	[tilespmem:$0x1F600] =	vst v63  }
0x31: {  	_ =	swait.ge [sflag:s22], $0x3000  }
0x32: {  	[sflag:s22] =	ssyncset.done $0x0  }
0x33: {  	s28 =	sand.u32 $0x1, s22;
	s29 =	simm.s32 $0x1;
	[sflag:s22] =	ssyncadd.s32 $0xFFFFD000  }
0x34: {  	s26 =	smul.u32 $0x180, s28;
	s29 =	sand.u32 $0x1, s29;
	_ =	swait.ge [sflag:s23], $0x3000  }
0x35: {  	s30 =	smul.u32 $0x600, s29;
	[sflag:s23] =	ssyncset.done $0x0  }
0x36: {  	s29 =	smul.u32 $0xC000, s29;
	[sflag:s23] =	ssyncadd.s32 $0xFFFFD000  }
0x37: {  	[tilespmem:s26], [sflag:$0x1] =	stream.linear.gather [hbm4b:s12+s3], $0x180, $0x38;
	[tilespmem:$0x1F600] =	vst v63  }
0x38: {  	s31 =	sadd.s32 $0x300, s26;
	s30 =	sshrl.u32 s30, $0x2;
	s29 =	sshrl.u32 s29, $0x2  }
0x39: {  	[tilespmem:s31], [sflag:$0x1] =	stream.linear.gather [hbm4b:s13+s3], $0x180, $0x38;
	[tilespmem:$0x1F600] =	vst v63  }
0x3a: {  	s28 =	smul.u32 $0xC000, s28;
	s30 =	sadd.s32 $0x300, s30;
	s29 =	sor.u32 $0x600, s29  }
0x3b: {  	[spmem:s2] =	stream.indirect.scatter.add.f32 [tilespmem:s29], [sflag:$0x3], $0x20, s30, s18, $0xb8;
	[tilespmem:$0x1F600] =	vst v63  }
0x3c: {  	_ =	swait.ge [sflag:s17], $0x180  }
0x3d: {  	s29 =	sshrl.u32 s28, $0x2;
	[sflag:s17] =	ssyncset.done $0x0  }
0x3e: {  	s28 =	simm.s32 $0x3;
	s30 =	smov.u32 s13;
	[sflag:s17] =	ssyncadd.s32 $0xFFFFFE80  }
0x3f: {  	s31 =	sor.u32 $0x600, s29;
	s29 =	smov.u32 s12;
	_ =	swait.ge [sflag:s17], $0x180  }
.LBB2_2:
0x40: {  	[sflag:s17] =	ssyncset.done $0x0  }
0x41: {  	s29 =	sadd.s32 $0x30, s29;
	s30 =	sadd.s32 $0x30, s30;
	s0 =	smov.u32 s28  }
0x42: {  	p0 =	sne.s32 s28, $0x83;
	s28 =	sadd.s32 $0x1, s28;
	[sflag:s17] =	ssyncadd.s32 $0xFFFFFE80  }
0x43: {  	[tilespmem:s31], [sflag:$0x2] =	stream.indirect.gather [hbm4b:s8+s18], $0x20, s26, s18, $0xb8;
	[tilespmem:$0x1F600] =	vst v63  }
0x44: {  	_ =	swait.ge [sflag:s22], $0x3000  }
0x45: {  	[sflag:s22] =	ssyncset.done $0x0  }
0x46: {  	s31 =	sand.u32 $0x1, s0;
	[sflag:s22] =	ssyncadd.s32 $0xFFFFD000  }
0x47: {  	s0 =	sadd.s32 $0xFFFFFFFF, s0;
	s26 =	smul.u32 $0x180, s31;
	_ =	swait.ge [sflag:s23], $0x3000  }
0x48: {  	s0 =	sand.u32 $0x1, s0;
	s31 =	smul.u32 $0xC000, s31;
	[sflag:s23] =	ssyncset.done $0x0  }
0x49: {  	s1 =	smul.u32 $0x600, s0;
	[sflag:s23] =	ssyncadd.s32 $0xFFFFD000  }
0x4a: {  	[tilespmem:s26], [sflag:$0x1] =	stream.linear.gather [hbm4b:s29+s3], $0x180, $0x38;
	[tilespmem:$0x1F600] =	vst v63  }
0x4b: {  	s0 =	smul.u32 $0xC000, s0;
	s4 =	sadd.s32 $0x300, s26;
	s1 =	sshrl.u32 s1, $0x2  }
0x4c: {  	[tilespmem:s4], [sflag:$0x1] =	stream.linear.gather [hbm4b:s30+s3], $0x180, $0x38;
	[tilespmem:$0x1F600] =	vst v63  }
0x4d: {  	s0 =	sshrl.u32 s0, $0x2;
	s1 =	sadd.s32 $0x300, s1;
	s4 =	sshrl.u32 s31, $0x2  }
0x4e: {  	s0 =	sor.u32 $0x600, s0;
	s31 =	sor.u32 $0x600, s4  }
0x4f: {  	[spmem:s2] =	stream.indirect.scatter.add.f32 [tilespmem:s0], [sflag:$0x3], $0x20, s1, s18, $0xb8;
	[tilespmem:$0x1F600] =	vst v63  }
.Ltmp0:
0x50: {  	_ = 	snop;
	(pc) =	sbr.rel @p0 .LBB2_2-.Ltmp0, $4  }
0x51: {  	_ =	swait.ge [sflag:s17], $0x180  }
0x52: {  	[sflag:s17] =	ssyncset.done $0x0  }
0x53: {  	[sflag:s17] =	ssyncadd.s32 $0xFFFFFE80  }
0x54: {  	_ =	swait.ge [sflag:s17], $0x180  }
0x55: {  	[sflag:s17] =	ssyncset.done $0x0  }
0x56: {  	[sflag:s17] =	ssyncadd.s32 $0xFFFFFE80  }
0x57: {  	[tilespmem:s31], [sflag:$0x2] =	stream.indirect.gather [hbm4b:s8+s18], $0x20, s26, s18, $0xb8;
	[tilespmem:$0x1F600] =	vst v63  }
0x58: {  	_ =	swait.ge [sflag:s22], $0x3000  }
0x59: {  	[sflag:s22] =	ssyncset.done $0x0  }
0x5a: {  	[sflag:s22] =	ssyncadd.s32 $0xFFFFD000  }
0x5b: {  	_ =	swait.ge [sflag:s23], $0x3000  }
0x5c: {  	[sflag:s23] =	ssyncset.done $0x0  }
0x5d: {  	[sflag:s23] =	ssyncadd.s32 $0xFFFFD000  }
0x5e: {  	[spmem:s2] =	stream.indirect.scatter.add.f32 [tilespmem:s21], [sflag:$0x3], $0x20, s20, s18, $0xb8;
	[tilespmem:$0x1F600] =	vst v63  }
0x5f: {  	_ =	swait.ge [sflag:s23], $0x3000  }
0x60: {  	s25 =	sadd.s32 $0x1, s25;
	[sflag:s23] =	ssyncset.done $0x0  }
0x61: {  	p0 =	sne.s32 s25, s11;
	[sflag:s23] =	ssyncadd.s32 $0xFFFFD000  }
.Ltmp1:
0x62: {  	[bflag:$0x0] =	sbarrier.arrive $0xFFFF;
	(pc) =	sbr.rel @p0 .LBB2_1-.Ltmp1, $4  }
0x63: {  	[hbm:s24], [sflag:s5] =	dma.local [spmem:s14], $0x3200  }
0x64: {  	_ =	swait.ge [sflag:s15], $0x3200  }
0x65: {  	[sflag:s15] =	ssyncset.done $0x0  }
0x66: {  	[sflag:s15] =	ssyncadd.s32 $0xFFFFCE00  }
0x67: {  	_ =	sfence.sel $0x180000  }
0x68: {  	[bflag:$0x0] =	sbarrier.arrive $0xFFFF  }
0x69: {  	_ =	strace $0x9000004A  }
0x6a: {  	s0 =	stileid.u32;
	[bflag:$0x2] =	sbarrier.arrive $0xFFFF  }
0x6b: {  	p0 =	sne.s32 s0, $0x0;
	s0 =	rddreg [dreg:$0x3]  }
0x6c: {  	s0 =	sadd.s32 @!p0 $0x100000, s0  }
0x6d: {  	[sflag:s0] =	ssyncadd.tile.s32 @!p0 $0x1;
	_ =	shalt  }
.Lfunc_end2:
_tile_overlayer_lowered:
.L_overlay_start_2:
0x6e: {  	(tag) =	ssettag $0x2  }
0x6f: {  	s0 =	rddreg [dreg:$0x0];
	s2 =	stileid.u32  }
0x70: {  	s1 =	rddreg [dreg:$0x1];
	p0 =	sne.s32 s2, $0x0  }
0x71: {  	s3 =	rddreg [dreg:$0x2];
	[bflag:$0x3] =	sbarrier.arrive $0xFFFF;
	s2 =	simm.s32 @!p0 $0x1C04  }
0x72: {  	[timem:s3], [sflag:s2] =	dma.local @!p0 [hbm:s0], s1  }
0x73: {  	s0 =	simm.s32 @!p0 $0x4  }
0x74: {  	_ =	swait.ge @!p0 [sflag:s0], s1  }
0x75: {  	s1 =	ssub.s32 @!p0 $0x0, s1;
	[sflag:s0] =	ssyncset.done @!p0 $0x0  }
0x76: {  	[sflag:s0] =	ssyncadd.s32 @!p0 s1  }
0x77: {  	[bflag:$0x3] =	sbarrier.arrive $0xFFFF  }
0x78: {  	_ =	shalt  }

</sc_bundles>
